<compile_context>
chip_gen: v7x
topology: tpu7x:2x2x1
jax: 0.10.2.dev20260603
libtpu: 0.0.44.dev20260713+nightly
codegen_flags: <defaults>
</compile_context>

<pallas_src>
import functools

import jax
import jax.numpy as jnp
from jax import lax
from jax.experimental import pallas as pl
from jax.experimental.pallas import tpu as pltpu
from jax.experimental.pallas import tpu_sc as plsc

TOPK = 50
TOPP = 0.9
ROWS = 64
VOCAB = 100000
PAD_VOCAB = 100096
GROUPS = PAD_VOCAB // 64
CAND_CAP = 4096
NEG = float("-inf")
IMAX = 2**31 - 1


def _skv(v, i):
    return plsc.sort_key_val(v, i, descending=True)


def _rev(x):
    return lax.rev(x, (0,))


def _sel2(m, av, ai, bv, bi):
    return jnp.where(m, av, bv), jnp.where(m, ai, bi)


def _bm32(V, I):
    ge = V[0] >= V[1]
    hv, hi = _sel2(ge, V[0], I[0], V[1], I[1])
    lv, li = _sel2(ge, V[1], I[1], V[0], I[0])
    hv, hi = _skv(hv, hi)
    lv, li = _skv(lv, li)
    return [hv, lv], [hi, li]


def _m16(av, ai, bv, bi):
    rv, ri = _rev(bv), _rev(bi)
    ge = av >= rv
    hv, hi = _sel2(ge, av, ai, rv, ri)
    lv, li = _sel2(ge, rv, ri, av, ai)
    hv, hi = _skv(hv, hi)
    lv, li = _skv(lv, li)
    return [hv, lv], [hi, li]


def _m32(AV, AI, BV, BI):
    rv = [_rev(BV[1]), _rev(BV[0])]
    ri = [_rev(BI[1]), _rev(BI[0])]
    H, HI, L, LI = [], [], [], []
    for k in range(2):
        ge = AV[k] >= rv[k]
        hv, hi = _sel2(ge, AV[k], AI[k], rv[k], ri[k])
        lv, li = _sel2(ge, rv[k], ri[k], AV[k], AI[k])
        H.append(hv); HI.append(hi); L.append(lv); LI.append(li)
    HV, HI = _bm32(H, HI)
    LV, LI = _bm32(L, LI)
    return HV + LV, HI + LI


def _sort64(V, I):
    s = [_skv(V[k], I[k]) for k in range(4)]
    AV, AI = _m16(s[0][0], s[0][1], s[1][0], s[1][1])
    BV, BI = _m16(s[2][0], s[2][1], s[3][0], s[3][1])
    return _m32(AV, AI, BV, BI)


def _top64(SV, SI, BV, BI):
    rv = [_rev(BV[3]), _rev(BV[2]), _rev(BV[1]), _rev(BV[0])]
    ri = [_rev(BI[3]), _rev(BI[2]), _rev(BI[1]), _rev(BI[0])]
    H, HI = [], []
    for k in range(4):
        ge = SV[k] >= rv[k]
        hv, hi = _sel2(ge, SV[k], SI[k], rv[k], ri[k])
        H.append(hv); HI.append(hi)
    P, PI = [None] * 4, [None] * 4
    for k in range(2):
        ge = H[k] >= H[k + 2]
        P[k], PI[k] = _sel2(ge, H[k], HI[k], H[k + 2], HI[k + 2])
        P[k + 2], PI[k + 2] = _sel2(ge, H[k + 2], HI[k + 2], H[k], HI[k])
    TV, TI = _bm32(P[:2], PI[:2])
    UV, UI = _bm32(P[2:], PI[2:])
    return TV + UV, TI + UI


def _sc_body(logits, cut, bnd, rowbuf, cand_i, sbuf_v, eqbuf,
             obuf_f, obuf_i):
    info = plsc.get_sparse_core_info()
    nc = info.num_cores
    wid = lax.axis_index("s") * nc + lax.axis_index("c")

    for k in range(6):
        rowbuf[pl.ds(VOCAB + 16 * k, 16)] = jnp.full((16,), NEG, jnp.float32)

    def row_body(rr, _):
        row = wid + 32 * rr
        pltpu.sync_copy(logits.at[row], rowbuf.at[pl.ds(0, VOCAB)])

        NVREG = PAD_VOCAB // 16
        PA_UNROLL = 16

        def pa(it, accs):
            base = it * (16 * PA_UNROLL)
            accs = list(accs)
            for k in range(PA_UNROLL):
                x = rowbuf[pl.ds(base + 16 * k, 16)]
                accs[k % 4] = jnp.maximum(accs[k % 4], x)
            return tuple(accs)

        accs = lax.fori_loop(
            0, NVREG // PA_UNROLL, pa,
            tuple(jnp.full((16,), NEG, jnp.float32) for _ in range(4)))
        t = jnp.min(jnp.minimum(jnp.minimum(accs[0], accs[1]),
                                jnp.minimum(accs[2], accs[3])))
        tvec = jnp.full((16,), t, jnp.float32)

        def fill(it, _):
            base = it * 128
            for k in range(8):
                cand_i[pl.ds(base + 16 * k, 16)] = jnp.full(
                    (16,), VOCAB, jnp.int32)
            return 0

        lax.fori_loop(0, (CAND_CAP + 128) // 128, fill, 0)

        PB_UNROLL = 16

        def pb(it, carry):
            cur, idxv = carry
            base = it * (16 * PB_UNROLL)
            xs = [rowbuf[pl.ds(base + 16 * k, 16)] for k in range(PB_UNROLL)]
            ms = [x >= tvec for x in xs]
            pcs = [plsc.all_reduce_population_count(m) for m in ms]
            css = [plsc.cumsum(m.astype(jnp.int32)) for m in ms]
            pre = cur
            for k in range(PB_UNROLL):
                dest = jnp.minimum(pre + css[k] - 1, CAND_CAP - 1)
                plsc.store_scatter(cand_i, [dest], idxv + 16 * k, mask=ms[k])
                pre = pre + pcs[k]
            return (jnp.minimum(pre, CAND_CAP), idxv + 16 * PB_UNROLL)

        curv, _ = lax.fori_loop(
            0, NVREG // PB_UNROLL, pb,
            (jnp.zeros((16,), jnp.int32), lax.iota(jnp.int32, 16)))
        cur = jnp.max(curv)

        nblk = (cur + 63) // 64

        def load_blk(b):
            base = b * 64
            I = [cand_i[pl.ds(base + 16 * k, 16)] for k in range(4)]
            V = [plsc.load_gather(rowbuf, [I[k]]) for k in range(4)]
            return V, I

        V0, I0 = load_blk(jnp.int32(0))
        SV, SI = _sort64(V0, I0)

        def selb(b, carry):
            SV, SI = list(carry[:4]), list(carry[4:])
            BV, BI = load_blk(b)
            BV, BI = _sort64(BV, BI)
            SV, SI = _top64(SV, SI, BV, BI)
            return (*SV, *SI)

        carry = lax.fori_loop(1, nblk, selb, (*SV, *SI))
        SV, SI = list(carry[:4]), list(carry[4:])

        for k in range(4):
            sbuf_v[pl.ds(16 * k, 16)] = SV[k]
        kth = plsc.load_gather(sbuf_v, [jnp.full((16,), 49, jnp.int32)])
        vmax = plsc.load_gather(sbuf_v, [jnp.full((16,), 0, jnp.int32)])
        e = [jnp.where(SV[k] >= kth, jnp.exp(SV[k] - vmax), 0.0)
             for k in range(4)]
        Z = jnp.sum(e[0]) + jnp.sum(e[1]) + jnp.sum(e[2]) + jnp.sum(e[3])
        q = [ek / Z for ek in e]
        s = [jnp.sum(qk) for qk in q]
        C = [plsc.cumsum(q[0]),
             plsc.cumsum(q[1]) + s[0],
             plsc.cumsum(q[2]) + (s[0] + s[1]),
             plsc.cumsum(q[3]) + (s[0] + s[1] + s[2])]
        cnt = sum(jnp.sum((Ck <= TOPP).astype(jnp.int32)) for Ck in C)
        m = cnt + 1
        cvec = plsc.load_gather(sbuf_v, [jnp.full((16,), m - 1, jnp.int32)])

        gcount = sum(jnp.sum((SV[k] > cvec).astype(jnp.int32))
                     for k in range(4))
        nkeq = m - gcount
        ecur = jnp.int32(0)
        for k in range(4):
            eqm = SV[k] == cvec
            plsc.store_compressed(eqbuf.at[pl.ds(ecur, 16)], SI[k], mask=eqm)
            ecur = ecur + jnp.sum(eqm.astype(jnp.int32))
        eqbuf[pl.ds(ecur, 16)] = jnp.full((16,), IMAX, jnp.int32)
        eq0 = lax.sort(eqbuf[pl.ds(0, 16)])
        eqbuf[pl.ds(0, 16)] = eq0
        bsel = jnp.minimum(nkeq, 16) - 1
        bvec = plsc.load_gather(eqbuf, [jnp.full((16,), bsel, jnp.int32)])

        obuf_f[...] = cvec
        obuf_i[...] = bvec
        pltpu.sync_copy(obuf_f, cut.at[row])
        pltpu.sync_copy(obuf_i, bnd.at[row])
        return 0

    lax.fori_loop(0, 2, row_body, 0)


def _sc_select(logits):
    mesh = plsc.VectorSubcoreMesh(core_axis_name="c", subcore_axis_name="s")
    f = functools.partial(
        pl.kernel,
        out_type=(
            jax.ShapeDtypeStruct((ROWS, 16), jnp.float32),
            jax.ShapeDtypeStruct((ROWS, 16), jnp.int32),
        ),
        mesh=mesh,
        compiler_params=pltpu.CompilerParams(
            needs_layout_passes=False, use_tc_tiling_on_sc=False),
        scratch_types=[
            pltpu.VMEM((PAD_VOCAB,), jnp.float32),
            pltpu.VMEM((CAND_CAP + 128,), jnp.int32),
            pltpu.VMEM((64,), jnp.float32),
            pltpu.VMEM((96,), jnp.int32),
            pltpu.VMEM((16,), jnp.float32),
            pltpu.VMEM((16,), jnp.int32),
        ],
    )(_sc_body)
    return f(logits)


MASK_BLK = 6400


def _mask_body(cut_ref, bnd_ref, x_ref, o_ref):
    c = cut_ref[:, 0:1]
    b = bnd_ref[:, 0:1]
    x = x_ref[...]
    j = (lax.broadcasted_iota(jnp.int32, x.shape, 1)
         + pl.program_id(0) * MASK_BLK)
    keep = (x > c) | ((x == c) & (j <= b))
    o_ref[...] = jnp.where(keep, x, float("-inf"))


def _tc_mask(logits, cut, bnd):
    grid = (pl.cdiv(VOCAB, MASK_BLK),)
    return pl.pallas_call(
        _mask_body,
        grid=grid,
        in_specs=[
            pl.BlockSpec((ROWS, 16), lambda i: (0, 0)),
            pl.BlockSpec((ROWS, 16), lambda i: (0, 0)),
            pl.BlockSpec((ROWS, MASK_BLK), lambda i: (0, i)),
        ],
        out_specs=pl.BlockSpec((ROWS, MASK_BLK), lambda i: (0, i)),
        out_shape=jax.ShapeDtypeStruct(logits.shape, logits.dtype),
    )(cut, bnd, logits)


def kernel(logits):
    cut, bnd = _sc_select(logits)
    return _tc_mask(logits, cut, bnd)

# --- scband reference (transcript-rebuilt; emitter-appended) ---
"""Pipeline reference for scband-base-42880953483465 (READ-ONLY COPY).

The authoritative reference and input builder live on the scoring server;
editing this copy changes nothing except your own understanding.
"""

import jax, jax.numpy as jnp
import numpy as np

TOP_K = 50
TOP_P = 0.9
MIN_TOKENS = 1


def setup_inputs(seed: int = 0) -> dict:
    key = jax.random.key(seed)
    logits = jax.random.normal(key, (64, 100000), dtype=jnp.float32)
    return {"logits": logits}


def reference(logits):
    filter_value = jnp.float32(-jnp.inf)
    vocab = logits.shape[-1]
    # ---- top-k filtering ----
    k = min(max(TOP_K, MIN_TOKENS), vocab)
    kth = jax.lax.top_k(logits, k)[0][..., -1:]
    logits = jnp.where(logits < kth, filter_value, logits)
    # ---- top-p (nucleus) filtering ----
    order = jnp.argsort(-logits, axis=-1)  # descending sort indices
    sorted_logits = jnp.take_along_axis(logits, order, axis=-1)
    cumulative_probs = jnp.cumsum(jax.nn.softmax(sorted_logits, axis=-1), axis=-1)
    sorted_remove = cumulative_probs > TOP_P
    if MIN_TOKENS > 1:
        sorted_remove = sorted_remove.at[..., :MIN_TOKENS].set(False)
    # shift right so that the first token above threshold is kept
    sorted_remove = jnp.concatenate(
        [jnp.zeros_like(sorted_remove[..., :1]), sorted_remove[..., :-1]], axis=-1
    )
    rows = jnp.arange(logits.shape[0])[:, None]
    remove_mask = jnp.zeros(logits.shape, dtype=bool).at[rows, order].set(sorted_remove)
    logits = jnp.where(remove_mask, filter_value, logits)
    return logits

if __name__ == "__main__":
    import jax
    _d = setup_inputs()
    print(jax.jit(kernel)(*tuple(_d.values())))

</pallas_src>

<mosaic_0001>
#map = affine_map<(d0, d1) -> (0, 0)>
module attributes {stable_mosaic.version = 14 : i64} {
  func.func @_sc_body(%arg0: i32, %arg1: i32, %arg2: memref<64x100000xf32, #tpu.memory_space<hbm>>, %arg3: memref<64x16xf32, #tpu.memory_space<hbm>>, %arg4: memref<64x16xi32, #tpu.memory_space<hbm>>, %arg5: memref<100096xf32, #tpu.memory_space<vmem>>, %arg6: memref<4224xi32, #tpu.memory_space<vmem>>, %arg7: memref<64xf32, #tpu.memory_space<vmem>>, %arg8: memref<96xi32, #tpu.memory_space<vmem>>, %arg9: memref<16xf32, #tpu.memory_space<vmem>>, %arg10: memref<16xi32, #tpu.memory_space<vmem>>) attributes {dimension_semantics = [#tpu.dimension_semantics<core_parallel>, #tpu.dimension_semantics<subcore_parallel>], iteration_bounds = array<i64: 2, 16>, scalar_prefetch = 0 : i64, scratch_operands = 6 : i64, tpu.core_type = #tpu.core_type<sc_vector_subcore>, window_params = [{transform_indices = #map}, {transform_indices = #map}, {transform_indices = #map}]} {
    %mul3A = arith.constant 2 : i32
    %mul3A_0 = arith.muli %arg1, %mul3A : i32
    %add3A = arith.addi %mul3A_0, %arg0 : i32
    %broadcast_in_dim3A = arith.constant 0xFF800000 : f32
    %broadcast_in_dim3A_1 = vector.broadcast %broadcast_in_dim3A : f32 to vector<16xf32>
    %swap3A = arith.constant 100000 : index
    %swap3A_2 = tpu.vector_load %arg5[%swap3A] {strides = array<i32>} : memref<100096xf32, #tpu.memory_space<vmem>>, vector<16xf32>,
    tpu.vector_store %arg5[%swap3A], %broadcast_in_dim3A_1 {strides = array<i32>} : memref<100096xf32, #tpu.memory_space<vmem>>, vector<16xf32>,
    %broadcast_in_dim3A_3 = arith.constant 0xFF800000 : f32
    %broadcast_in_dim3A_4 = vector.broadcast %broadcast_in_dim3A_3 : f32 to vector<16xf32>
    %swap3A_5 = arith.constant 100016 : index
    %swap3A_6 = tpu.vector_load %arg5[%swap3A_5] {strides = array<i32>} : memref<100096xf32, #tpu.memory_space<vmem>>, vector<16xf32>,
    tpu.vector_store %arg5[%swap3A_5], %broadcast_in_dim3A_4 {strides = array<i32>} : memref<100096xf32, #tpu.memory_space<vmem>>, vector<16xf32>,
    %broadcast_in_dim3A_7 = arith.constant 0xFF800000 : f32
    %broadcast_in_dim3A_8 = vector.broadcast %broadcast_in_dim3A_7 : f32 to vector<16xf32>
    %swap3A_9 = arith.constant 100032 : index
    %swap3A_10 = tpu.vector_load %arg5[%swap3A_9] {strides = array<i32>} : memref<100096xf32, #tpu.memory_space<vmem>>, vector<16xf32>,
    tpu.vector_store %arg5[%swap3A_9], %broadcast_in_dim3A_8 {strides = array<i32>} : memref<100096xf32, #tpu.memory_space<vmem>>, vector<16xf32>,
    %broadcast_in_dim3A_11 = arith.constant 0xFF800000 : f32
    %broadcast_in_dim3A_12 = vector.broadcast %broadcast_in_dim3A_11 : f32 to vector<16xf32>
    %swap3A_13 = arith.constant 100048 : index
    %swap3A_14 = tpu.vector_load %arg5[%swap3A_13] {strides = array<i32>} : memref<100096xf32, #tpu.memory_space<vmem>>, vector<16xf32>,
    tpu.vector_store %arg5[%swap3A_13], %broadcast_in_dim3A_12 {strides = array<i32>} : memref<100096xf32, #tpu.memory_space<vmem>>, vector<16xf32>,
    %broadcast_in_dim3A_15 = arith.constant 0xFF800000 : f32
    %broadcast_in_dim3A_16 = vector.broadcast %broadcast_in_dim3A_15 : f32 to vector<16xf32>
    %swap3A_17 = arith.constant 100064 : index
    %swap3A_18 = tpu.vector_load %arg5[%swap3A_17] {strides = array<i32>} : memref<100096xf32, #tpu.memory_space<vmem>>, vector<16xf32>,
    tpu.vector_store %arg5[%swap3A_17], %broadcast_in_dim3A_16 {strides = array<i32>} : memref<100096xf32, #tpu.memory_space<vmem>>, vector<16xf32>,
    %broadcast_in_dim3A_19 = arith.constant 0xFF800000 : f32
    %broadcast_in_dim3A_20 = vector.broadcast %broadcast_in_dim3A_19 : f32 to vector<16xf32>
    %swap3A_21 = arith.constant 100080 : index
    %swap3A_22 = tpu.vector_load %arg5[%swap3A_21] {strides = array<i32>} : memref<100096xf32, #tpu.memory_space<vmem>>, vector<16xf32>,
    tpu.vector_store %arg5[%swap3A_21], %broadcast_in_dim3A_20 {strides = array<i32>} : memref<100096xf32, #tpu.memory_space<vmem>>, vector<16xf32>,
    %scan3A = arith.constant 0 : i32
    %scan3A_23 = arith.constant 0 : i32
    %scan3A_24 = arith.constant 2 : i32
    %scan3A_25 = arith.addi %scan3A_23, %scan3A_24 : i32
    %scan3A_26 = arith.constant 1 : i32
    %scan3A_27 = scf.for %scan3A_29 = %scan3A_23 to %scan3A_25 step %scan3A_26 iter_args(%scan3A_30 = %scan3A) -> (i32)  : i32 {
      %mul3A_31 = arith.constant 32 : i32
      %mul3A_32 = arith.muli %mul3A_31, %scan3A_29 : i32
      %add3A_33 = arith.addi %add3A, %mul3A_32 : i32
      "tpu.region"() ({
        %run_scoped3A = tpu.sem_alloc : memref<!tpu.dma_semaphore, #tpu.memory_space<semaphore_mem>>
        %dma_start3A = arith.constant 0 : i32
        %dma_start3A_468 = tpu.memref_slice %arg5[%dma_start3A] : memref<100096xf32, #tpu.memory_space<vmem>> -> memref<100000xf32, #tpu.memory_space<vmem>>
        %dma_start3A_469 = arith.constant 0 : i32
        %dma_start3A_470 = tpu.memref_slice %arg2[%add3A_33, %dma_start3A_469] : memref<64x100000xf32, #tpu.memory_space<hbm>> -> memref<1x100000xf32, #tpu.memory_space<hbm>>
        %dma_start3A_471 = tpu.memref_squeeze %dma_start3A_470 : memref<1x100000xf32, #tpu.memory_space<hbm>> -> memref<100000xf32, #tpu.memory_space<hbm>>
        %dma_start3A_472 = arith.constant 0 : i32
        %dma_start3A_473 = tpu.memref_slice %arg5[%dma_start3A_472] : memref<100096xf32, #tpu.memory_space<vmem>> -> memref<100000xf32, #tpu.memory_space<vmem>>
        %dma_start3A_474 = arith.constant 0 : i32
        %dma_start3A_475 = tpu.memref_slice %arg2[%add3A_33, %dma_start3A_474] : memref<64x100000xf32, #tpu.memory_space<hbm>> -> memref<1x100000xf32, #tpu.memory_space<hbm>>
        %dma_start3A_476 = tpu.memref_squeeze %dma_start3A_475 : memref<1x100000xf32, #tpu.memory_space<hbm>> -> memref<100000xf32, #tpu.memory_space<hbm>>
        tpu.enqueue_dma source(%dma_start3A_476 : memref<100000xf32, #tpu.memory_space<hbm>>) target(%dma_start3A_473 : memref<100000xf32, #tpu.memory_space<vmem>>) target_semaphore(%run_scoped3A : memref<!tpu.dma_semaphore, #tpu.memory_space<semaphore_mem>>)
        %dma_wait3A = arith.constant 0 : i32
        %dma_wait3A_477 = tpu.memref_slice %arg5[%dma_wait3A] : memref<100096xf32, #tpu.memory_space<vmem>> -> memref<100000xf32, #tpu.memory_space<vmem>>
        %dma_wait3A_478 = arith.constant 0 : i32
        %dma_wait3A_479 = tpu.memref_slice %arg2[%add3A_33, %dma_wait3A_478] : memref<64x100000xf32, #tpu.memory_space<hbm>> -> memref<1x100000xf32, #tpu.memory_space<hbm>>
        %dma_wait3A_480 = tpu.memref_squeeze %dma_wait3A_479 : memref<1x100000xf32, #tpu.memory_space<hbm>> -> memref<100000xf32, #tpu.memory_space<hbm>>
        %dma_wait3A_481 = arith.constant 0 : i32
        %dma_wait3A_482 = tpu.memref_slice %arg5[%dma_wait3A_481] : memref<100096xf32, #tpu.memory_space<vmem>> -> memref<100000xf32, #tpu.memory_space<vmem>>
        %dma_wait3A_483 = arith.constant 0 : i32
        %dma_wait3A_484 = tpu.memref_slice %arg2[%add3A_33, %dma_wait3A_483] : memref<64x100000xf32, #tpu.memory_space<hbm>> -> memref<1x100000xf32, #tpu.memory_space<hbm>>
        %dma_wait3A_485 = tpu.memref_squeeze %dma_wait3A_484 : memref<1x100000xf32, #tpu.memory_space<hbm>> -> memref<100000xf32, #tpu.memory_space<hbm>>
        tpu.wait_dma2 semaphore(%run_scoped3A : memref<!tpu.dma_semaphore, #tpu.memory_space<semaphore_mem>>) src(%dma_wait3A_485 : memref<100000xf32, #tpu.memory_space<hbm>>) dst(%dma_wait3A_482 : memref<100000xf32, #tpu.memory_space<vmem>>)
        tpu.yield
      }) : () -> ()
      %broadcast_in_dim3A_34 = arith.constant 0xFF800000 : f32
      %broadcast_in_dim3A_35 = vector.broadcast %broadcast_in_dim3A_34 : f32 to vector<16xf32>
      %broadcast_in_dim3A_36 = arith.constant 0xFF800000 : f32
      %broadcast_in_dim3A_37 = vector.broadcast %broadcast_in_dim3A_36 : f32 to vector<16xf32>
      %broadcast_in_dim3A_38 = arith.constant 0xFF800000 : f32
      %broadcast_in_dim3A_39 = vector.broadcast %broadcast_in_dim3A_38 : f32 to vector<16xf32>
      %broadcast_in_dim3A_40 = arith.constant 0xFF800000 : f32
      %broadcast_in_dim3A_41 = vector.broadcast %broadcast_in_dim3A_40 : f32 to vector<16xf32>
      %scan3A_42 = arith.constant 0 : i32
      %scan3A_43 = arith.constant 391 : i32
      %scan3A_44 = arith.addi %scan3A_42, %scan3A_43 : i32
      %scan3A_45 = arith.constant 1 : i32
      %scan3A_46:4 = scf.for %scan3A_468 = %scan3A_42 to %scan3A_44 step %scan3A_45 iter_args(%scan3A_469 = %broadcast_in_dim3A_35, %scan3A_470 = %broadcast_in_dim3A_37, %scan3A_471 = %broadcast_in_dim3A_39, %scan3A_472 = %broadcast_in_dim3A_41) -> (vector<16xf32>, vector<16xf32>, vector<16xf32>, vector<16xf32>)  : i32 {
        %mul3A_473 = arith.constant 256 : i32
        %mul3A_474 = arith.muli %scan3A_468, %mul3A_473 : i32
        %add3A_475 = arith.constant 0 : i32
        %add3A_476 = arith.addi %mul3A_474, %add3A_475 : i32
        %get3A_477 = arith.index_cast %add3A_476 : i32 to index
        %get3A_478 = tpu.vector_load %arg5[%get3A_477] {strides = array<i32>} : memref<100096xf32, #tpu.memory_space<vmem>>, vector<16xf32>,
        %max3A = arith.maximumf %scan3A_469, %get3A_478 : vector<16xf32>
        %add3A_479 = arith.constant 16 : i32
        %add3A_480 = arith.addi %mul3A_474, %add3A_479 : i32
        %get3A_481 = arith.index_cast %add3A_480 : i32 to index
        %get3A_482 = tpu.vector_load %arg5[%get3A_481] {strides = array<i32>} : memref<100096xf32, #tpu.memory_space<vmem>>, vector<16xf32>,
        %max3A_483 = arith.maximumf %scan3A_470, %get3A_482 : vector<16xf32>
        %add3A_484 = arith.constant 32 : i32
        %add3A_485 = arith.addi %mul3A_474, %add3A_484 : i32
        %get3A_486 = arith.index_cast %add3A_485 : i32 to index
        %get3A_487 = tpu.vector_load %arg5[%get3A_486] {strides = array<i32>} : memref<100096xf32, #tpu.memory_space<vmem>>, vector<16xf32>,
        %max3A_488 = arith.maximumf %scan3A_471, %get3A_487 : vector<16xf32>
        %add3A_489 = arith.constant 48 : i32
        %add3A_490 = arith.addi %mul3A_474, %add3A_489 : i32
        %get3A_491 = arith.index_cast %add3A_490 : i32 to index
        %get3A_492 = tpu.vector_load %arg5[%get3A_491] {strides = array<i32>} : memref<100096xf32, #tpu.memory_space<vmem>>, vector<16xf32>,
        %max3A_493 = arith.maximumf %scan3A_472, %get3A_492 : vector<16xf32>
        %add3A_494 = arith.constant 64 : i32
        %add3A_495 = arith.addi %mul3A_474, %add3A_494 : i32
        %get3A_496 = arith.index_cast %add3A_495 : i32 to index
        %get3A_497 = tpu.vector_load %arg5[%get3A_496] {strides = array<i32>} : memref<100096xf32, #tpu.memory_space<vmem>>, vector<16xf32>,
        %max3A_498 = arith.maximumf %max3A, %get3A_497 : vector<16xf32>
        %add3A_499 = arith.constant 80 : i32
        %add3A_500 = arith.addi %mul3A_474, %add3A_499 : i32
        %get3A_501 = arith.index_cast %add3A_500 : i32 to index
        %get3A_502 = tpu.vector_load %arg5[%get3A_501] {strides = array<i32>} : memref<100096xf32, #tpu.memory_space<vmem>>, vector<16xf32>,
        %max3A_503 = arith.maximumf %max3A_483, %get3A_502 : vector<16xf32>
        %add3A_504 = arith.constant 96 : i32
        %add3A_505 = arith.addi %mul3A_474, %add3A_504 : i32
        %get3A_506 = arith.index_cast %add3A_505 : i32 to index
        %get3A_507 = tpu.vector_load %arg5[%get3A_506] {strides = array<i32>} : memref<100096xf32, #tpu.memory_space<vmem>>, vector<16xf32>,
        %max3A_508 = arith.maximumf %max3A_488, %get3A_507 : vector<16xf32>
        %add3A_509 = arith.constant 112 : i32
        %add3A_510 = arith.addi %mul3A_474, %add3A_509 : i32
        %get3A_511 = arith.index_cast %add3A_510 : i32 to index
        %get3A_512 = tpu.vector_load %arg5[%get3A_511] {strides = array<i32>} : memref<100096xf32, #tpu.memory_space<vmem>>, vector<16xf32>,
        %max3A_513 = arith.maximumf %max3A_493, %get3A_512 : vector<16xf32>
        %add3A_514 = arith.constant 128 : i32
        %add3A_515 = arith.addi %mul3A_474, %add3A_514 : i32
        %get3A_516 = arith.index_cast %add3A_515 : i32 to index
        %get3A_517 = tpu.vector_load %arg5[%get3A_516] {strides = array<i32>} : memref<100096xf32, #tpu.memory_space<vmem>>, vector<16xf32>,
        %max3A_518 = arith.maximumf %max3A_498, %get3A_517 : vector<16xf32>
        %add3A_519 = arith.constant 144 : i32
        %add3A_520 = arith.addi %mul3A_474, %add3A_519 : i32
        %get3A_521 = arith.index_cast %add3A_520 : i32 to index
        %get3A_522 = tpu.vector_load %arg5[%get3A_521] {strides = array<i32>} : memref<100096xf32, #tpu.memory_space<vmem>>, vector<16xf32>,
        %max3A_523 = arith.maximumf %max3A_503, %get3A_522 : vector<16xf32>
        %add3A_524 = arith.constant 160 : i32
        %add3A_525 = arith.addi %mul3A_474, %add3A_524 : i32
        %get3A_526 = arith.index_cast %add3A_525 : i32 to index
        %get3A_527 = tpu.vector_load %arg5[%get3A_526] {strides = array<i32>} : memref<100096xf32, #tpu.memory_space<vmem>>, vector<16xf32>,
        %max3A_528 = arith.maximumf %max3A_508, %get3A_527 : vector<16xf32>
        %add3A_529 = arith.constant 176 : i32
        %add3A_530 = arith.addi %mul3A_474, %add3A_529 : i32
        %get3A_531 = arith.index_cast %add3A_530 : i32 to index
        %get3A_532 = tpu.vector_load %arg5[%get3A_531] {strides = array<i32>} : memref<100096xf32, #tpu.memory_space<vmem>>, vector<16xf32>,
        %max3A_533 = arith.maximumf %max3A_513, %get3A_532 : vector<16xf32>
        %add3A_534 = arith.constant 192 : i32
        %add3A_535 = arith.addi %mul3A_474, %add3A_534 : i32
        %get3A_536 = arith.index_cast %add3A_535 : i32 to index
        %get3A_537 = tpu.vector_load %arg5[%get3A_536] {strides = array<i32>} : memref<100096xf32, #tpu.memory_space<vmem>>, vector<16xf32>,
        %max3A_538 = arith.maximumf %max3A_518, %get3A_537 : vector<16xf32>
        %add3A_539 = arith.constant 208 : i32
        %add3A_540 = arith.addi %mul3A_474, %add3A_539 : i32
        %get3A_541 = arith.index_cast %add3A_540 : i32 to index
        %get3A_542 = tpu.vector_load %arg5[%get3A_541] {strides = array<i32>} : memref<100096xf32, #tpu.memory_space<vmem>>, vector<16xf32>,
        %max3A_543 = arith.maximumf %max3A_523, %get3A_542 : vector<16xf32>
        %add3A_544 = arith.constant 224 : i32
        %add3A_545 = arith.addi %mul3A_474, %add3A_544 : i32
        %get3A_546 = arith.index_cast %add3A_545 : i32 to index
        %get3A_547 = tpu.vector_load %arg5[%get3A_546] {strides = array<i32>} : memref<100096xf32, #tpu.memory_space<vmem>>, vector<16xf32>,
        %max3A_548 = arith.maximumf %max3A_528, %get3A_547 : vector<16xf32>
        %add3A_549 = arith.constant 240 : i32
        %add3A_550 = arith.addi %mul3A_474, %add3A_549 : i32
        %get3A_551 = arith.index_cast %add3A_550 : i32 to index
        %get3A_552 = tpu.vector_load %arg5[%get3A_551] {strides = array<i32>} : memref<100096xf32, #tpu.memory_space<vmem>>, vector<16xf32>,
        %max3A_553 = arith.maximumf %max3A_533, %get3A_552 : vector<16xf32>
        scf.yield %max3A_538, %max3A_543, %max3A_548, %max3A_553 : vector<16xf32>, vector<16xf32>, vector<16xf32>, vector<16xf32>
      }
      %scan3A_47 = arith.constant 391 : i32
      %min3A = arith.minimumf %scan3A_46#0, %scan3A_46#1 : vector<16xf32>
      %min3A_48 = arith.minimumf %scan3A_46#2, %scan3A_46#3 : vector<16xf32>
      %min3A_49 = arith.minimumf %min3A, %min3A_48 : vector<16xf32>
      %reduce_min3A = arith.constant true
      %reduce_min3A_50 = vector.broadcast %reduce_min3A : i1 to vector<16xi1>
      %reduce_min3A_51 = tpu.scan <min>, %min3A_49 masked %reduce_min3A_50 : vector<16xf32>, vector<16xi1> -> vector<16xf32>
      %reduce_min3A_52 = vector.extract %reduce_min3A_51[15] : f32 from vector<16xf32>
      %broadcast_in_dim3A_53 = vector.broadcast %reduce_min3A_52 : f32 to vector<16xf32>
      %scan3A_54 = arith.constant 0 : i32
      %scan3A_55 = arith.constant 0 : i32
      %scan3A_56 = arith.constant 33 : i32
      %scan3A_57 = arith.addi %scan3A_55, %scan3A_56 : i32
      %scan3A_58 = arith.constant 1 : i32
      %scan3A_59 = scf.for %scan3A_468 = %scan3A_55 to %scan3A_57 step %scan3A_58 iter_args(%scan3A_469 = %scan3A_54) -> (i32)  : i32 {
        %mul3A_470 = arith.constant 128 : i32
        %mul3A_471 = arith.muli %scan3A_468, %mul3A_470 : i32
        %broadcast_in_dim3A_472 = arith.constant 100000 : i32
        %broadcast_in_dim3A_473 = vector.broadcast %broadcast_in_dim3A_472 : i32 to vector<16xi32>
        %add3A_474 = arith.constant 0 : i32
        %add3A_475 = arith.addi %mul3A_471, %add3A_474 : i32
        %swap3A_476 = arith.index_cast %add3A_475 : i32 to index
        %swap3A_477 = tpu.vector_load %arg6[%swap3A_476] {strides = array<i32>} : memref<4224xi32, #tpu.memory_space<vmem>>, vector<16xi32>,
        tpu.vector_store %arg6[%swap3A_476], %broadcast_in_dim3A_473 {strides = array<i32>} : memref<4224xi32, #tpu.memory_space<vmem>>, vector<16xi32>,
        %broadcast_in_dim3A_478 = arith.constant 100000 : i32
        %broadcast_in_dim3A_479 = vector.broadcast %broadcast_in_dim3A_478 : i32 to vector<16xi32>
        %add3A_480 = arith.constant 16 : i32
        %add3A_481 = arith.addi %mul3A_471, %add3A_480 : i32
        %swap3A_482 = arith.index_cast %add3A_481 : i32 to index
        %swap3A_483 = tpu.vector_load %arg6[%swap3A_482] {strides = array<i32>} : memref<4224xi32, #tpu.memory_space<vmem>>, vector<16xi32>,
        tpu.vector_store %arg6[%swap3A_482], %broadcast_in_dim3A_479 {strides = array<i32>} : memref<4224xi32, #tpu.memory_space<vmem>>, vector<16xi32>,
        %broadcast_in_dim3A_484 = arith.constant 100000 : i32
        %broadcast_in_dim3A_485 = vector.broadcast %broadcast_in_dim3A_484 : i32 to vector<16xi32>
        %add3A_486 = arith.constant 32 : i32
        %add3A_487 = arith.addi %mul3A_471, %add3A_486 : i32
        %swap3A_488 = arith.index_cast %add3A_487 : i32 to index
        %swap3A_489 = tpu.vector_load %arg6[%swap3A_488] {strides = array<i32>} : memref<4224xi32, #tpu.memory_space<vmem>>, vector<16xi32>,
        tpu.vector_store %arg6[%swap3A_488], %broadcast_in_dim3A_485 {strides = array<i32>} : memref<4224xi32, #tpu.memory_space<vmem>>, vector<16xi32>,
        %broadcast_in_dim3A_490 = arith.constant 100000 : i32
        %broadcast_in_dim3A_491 = vector.broadcast %broadcast_in_dim3A_490 : i32 to vector<16xi32>
        %add3A_492 = arith.constant 48 : i32
        %add3A_493 = arith.addi %mul3A_471, %add3A_492 : i32
        %swap3A_494 = arith.index_cast %add3A_493 : i32 to index
        %swap3A_495 = tpu.vector_load %arg6[%swap3A_494] {strides = array<i32>} : memref<4224xi32, #tpu.memory_space<vmem>>, vector<16xi32>,
        tpu.vector_store %arg6[%swap3A_494], %broadcast_in_dim3A_491 {strides = array<i32>} : memref<4224xi32, #tpu.memory_space<vmem>>, vector<16xi32>,
        %broadcast_in_dim3A_496 = arith.constant 100000 : i32
        %broadcast_in_dim3A_497 = vector.broadcast %broadcast_in_dim3A_496 : i32 to vector<16xi32>
        %add3A_498 = arith.constant 64 : i32
        %add3A_499 = arith.addi %mul3A_471, %add3A_498 : i32
        %swap3A_500 = arith.index_cast %add3A_499 : i32 to index
        %swap3A_501 = tpu.vector_load %arg6[%swap3A_500] {strides = array<i32>} : memref<4224xi32, #tpu.memory_space<vmem>>, vector<16xi32>,
        tpu.vector_store %arg6[%swap3A_500], %broadcast_in_dim3A_497 {strides = array<i32>} : memref<4224xi32, #tpu.memory_space<vmem>>, vector<16xi32>,
        %broadcast_in_dim3A_502 = arith.constant 100000 : i32
        %broadcast_in_dim3A_503 = vector.broadcast %broadcast_in_dim3A_502 : i32 to vector<16xi32>
        %add3A_504 = arith.constant 80 : i32
        %add3A_505 = arith.addi %mul3A_471, %add3A_504 : i32
        %swap3A_506 = arith.index_cast %add3A_505 : i32 to index
        %swap3A_507 = tpu.vector_load %arg6[%swap3A_506] {strides = array<i32>} : memref<4224xi32, #tpu.memory_space<vmem>>, vector<16xi32>,
        tpu.vector_store %arg6[%swap3A_506], %broadcast_in_dim3A_503 {strides = array<i32>} : memref<4224xi32, #tpu.memory_space<vmem>>, vector<16xi32>,
        %broadcast_in_dim3A_508 = arith.constant 100000 : i32
        %broadcast_in_dim3A_509 = vector.broadcast %broadcast_in_dim3A_508 : i32 to vector<16xi32>
        %add3A_510 = arith.constant 96 : i32
        %add3A_511 = arith.addi %mul3A_471, %add3A_510 : i32
        %swap3A_512 = arith.index_cast %add3A_511 : i32 to index
        %swap3A_513 = tpu.vector_load %arg6[%swap3A_512] {strides = array<i32>} : memref<4224xi32, #tpu.memory_space<vmem>>, vector<16xi32>,
        tpu.vector_store %arg6[%swap3A_512], %broadcast_in_dim3A_509 {strides = array<i32>} : memref<4224xi32, #tpu.memory_space<vmem>>, vector<16xi32>,
        %broadcast_in_dim3A_514 = arith.constant 100000 : i32
        %broadcast_in_dim3A_515 = vector.broadcast %broadcast_in_dim3A_514 : i32 to vector<16xi32>
        %add3A_516 = arith.constant 112 : i32
        %add3A_517 = arith.addi %mul3A_471, %add3A_516 : i32
        %swap3A_518 = arith.index_cast %add3A_517 : i32 to index
        %swap3A_519 = tpu.vector_load %arg6[%swap3A_518] {strides = array<i32>} : memref<4224xi32, #tpu.memory_space<vmem>>, vector<16xi32>,
        tpu.vector_store %arg6[%swap3A_518], %broadcast_in_dim3A_515 {strides = array<i32>} : memref<4224xi32, #tpu.memory_space<vmem>>, vector<16xi32>,
        %scan3A_520 = arith.constant 0 : i32
        scf.yield %scan3A_520 : i32
      }
      %scan3A_60 = arith.constant 33 : i32
      %broadcast_in_dim3A_61 = arith.constant 0 : i32
      %broadcast_in_dim3A_62 = vector.broadcast %broadcast_in_dim3A_61 : i32 to vector<16xi32>
      %iota3A = tpu.iota {dimensions = array<i32: 0>} : vector<16xi32>
      %scan3A_63 = arith.constant 0 : i32
      %scan3A_64 = arith.constant 391 : i32
      %scan3A_65 = arith.addi %scan3A_63, %scan3A_64 : i32
      %scan3A_66 = arith.constant 1 : i32
      %scan3A_67:2 = scf.for %scan3A_468 = %scan3A_63 to %scan3A_65 step %scan3A_66 iter_args(%scan3A_469 = %broadcast_in_dim3A_62, %scan3A_470 = %iota3A) -> (vector<16xi32>, vector<16xi32>)  : i32 {
        %mul3A_471 = arith.constant 256 : i32
        %mul3A_472 = arith.muli %scan3A_468, %mul3A_471 : i32
        %add3A_473 = arith.constant 0 : i32
        %add3A_474 = arith.addi %mul3A_472, %add3A_473 : i32
        %get3A_475 = arith.index_cast %add3A_474 : i32 to index
        %get3A_476 = tpu.vector_load %arg5[%get3A_475] {strides = array<i32>} : memref<100096xf32, #tpu.memory_space<vmem>>, vector<16xf32>,
        %add3A_477 = arith.constant 16 : i32
        %add3A_478 = arith.addi %mul3A_472, %add3A_477 : i32
        %get3A_479 = arith.index_cast %add3A_478 : i32 to index
        %get3A_480 = tpu.vector_load %arg5[%get3A_479] {strides = array<i32>} : memref<100096xf32, #tpu.memory_space<vmem>>, vector<16xf32>,
        %add3A_481 = arith.constant 32 : i32
        %add3A_482 = arith.addi %mul3A_472, %add3A_481 : i32
        %get3A_483 = arith.index_cast %add3A_482 : i32 to index
        %get3A_484 = tpu.vector_load %arg5[%get3A_483] {strides = array<i32>} : memref<100096xf32, #tpu.memory_space<vmem>>, vector<16xf32>,
        %add3A_485 = arith.constant 48 : i32
        %add3A_486 = arith.addi %mul3A_472, %add3A_485 : i32
        %get3A_487 = arith.index_cast %add3A_486 : i32 to index
        %get3A_488 = tpu.vector_load %arg5[%get3A_487] {strides = array<i32>} : memref<100096xf32, #tpu.memory_space<vmem>>, vector<16xf32>,
        %add3A_489 = arith.constant 64 : i32
        %add3A_490 = arith.addi %mul3A_472, %add3A_489 : i32
        %get3A_491 = arith.index_cast %add3A_490 : i32 to index
        %get3A_492 = tpu.vector_load %arg5[%get3A_491] {strides = array<i32>} : memref<100096xf32, #tpu.memory_space<vmem>>, vector<16xf32>,
        %add3A_493 = arith.constant 80 : i32
        %add3A_494 = arith.addi %mul3A_472, %add3A_493 : i32
        %get3A_495 = arith.index_cast %add3A_494 : i32 to index
        %get3A_496 = tpu.vector_load %arg5[%get3A_495] {strides = array<i32>} : memref<100096xf32, #tpu.memory_space<vmem>>, vector<16xf32>,
        %add3A_497 = arith.constant 96 : i32
        %add3A_498 = arith.addi %mul3A_472, %add3A_497 : i32
        %get3A_499 = arith.index_cast %add3A_498 : i32 to index
        %get3A_500 = tpu.vector_load %arg5[%get3A_499] {strides = array<i32>} : memref<100096xf32, #tpu.memory_space<vmem>>, vector<16xf32>,
        %add3A_501 = arith.constant 112 : i32
        %add3A_502 = arith.addi %mul3A_472, %add3A_501 : i32
        %get3A_503 = arith.index_cast %add3A_502 : i32 to index
        %get3A_504 = tpu.vector_load %arg5[%get3A_503] {strides = array<i32>} : memref<100096xf32, #tpu.memory_space<vmem>>, vector<16xf32>,
        %add3A_505 = arith.constant 128 : i32
        %add3A_506 = arith.addi %mul3A_472, %add3A_505 : i32
        %get3A_507 = arith.index_cast %add3A_506 : i32 to index
        %get3A_508 = tpu.vector_load %arg5[%get3A_507] {strides = array<i32>} : memref<100096xf32, #tpu.memory_space<vmem>>, vector<16xf32>,
        %add3A_509 = arith.constant 144 : i32
        %add3A_510 = arith.addi %mul3A_472, %add3A_509 : i32
        %get3A_511 = arith.index_cast %add3A_510 : i32 to index
        %get3A_512 = tpu.vector_load %arg5[%get3A_511] {strides = array<i32>} : memref<100096xf32, #tpu.memory_space<vmem>>, vector<16xf32>,
        %add3A_513 = arith.constant 160 : i32
        %add3A_514 = arith.addi %mul3A_472, %add3A_513 : i32
        %get3A_515 = arith.index_cast %add3A_514 : i32 to index
        %get3A_516 = tpu.vector_load %arg5[%get3A_515] {strides = array<i32>} : memref<100096xf32, #tpu.memory_space<vmem>>, vector<16xf32>,
        %add3A_517 = arith.constant 176 : i32
        %add3A_518 = arith.addi %mul3A_472, %add3A_517 : i32
        %get3A_519 = arith.index_cast %add3A_518 : i32 to index
        %get3A_520 = tpu.vector_load %arg5[%get3A_519] {strides = array<i32>} : memref<100096xf32, #tpu.memory_space<vmem>>, vector<16xf32>,
        %add3A_521 = arith.constant 192 : i32
        %add3A_522 = arith.addi %mul3A_472, %add3A_521 : i32
        %get3A_523 = arith.index_cast %add3A_522 : i32 to index
        %get3A_524 = tpu.vector_load %arg5[%get3A_523] {strides = array<i32>} : memref<100096xf32, #tpu.memory_space<vmem>>, vector<16xf32>,
        %add3A_525 = arith.constant 208 : i32
        %add3A_526 = arith.addi %mul3A_472, %add3A_525 : i32
        %get3A_527 = arith.index_cast %add3A_526 : i32 to index
        %get3A_528 = tpu.vector_load %arg5[%get3A_527] {strides = array<i32>} : memref<100096xf32, #tpu.memory_space<vmem>>, vector<16xf32>,
        %add3A_529 = arith.constant 224 : i32
        %add3A_530 = arith.addi %mul3A_472, %add3A_529 : i32
        %get3A_531 = arith.index_cast %add3A_530 : i32 to index
        %get3A_532 = tpu.vector_load %arg5[%get3A_531] {strides = array<i32>} : memref<100096xf32, #tpu.memory_space<vmem>>, vector<16xf32>,
        %add3A_533 = arith.constant 240 : i32
        %add3A_534 = arith.addi %mul3A_472, %add3A_533 : i32
        %get3A_535 = arith.index_cast %add3A_534 : i32 to index
        %get3A_536 = tpu.vector_load %arg5[%get3A_535] {strides = array<i32>} : memref<100096xf32, #tpu.memory_space<vmem>>, vector<16xf32>,
        %ge3A_537 = arith.cmpf oge, %get3A_476, %broadcast_in_dim3A_53 : vector<16xf32>
        %ge3A_538 = arith.cmpf oge, %get3A_480, %broadcast_in_dim3A_53 : vector<16xf32>
        %ge3A_539 = arith.cmpf oge, %get3A_484, %broadcast_in_dim3A_53 : vector<16xf32>
        %ge3A_540 = arith.cmpf oge, %get3A_488, %broadcast_in_dim3A_53 : vector<16xf32>
        %ge3A_541 = arith.cmpf oge, %get3A_492, %broadcast_in_dim3A_53 : vector<16xf32>
        %ge3A_542 = arith.cmpf oge, %get3A_496, %broadcast_in_dim3A_53 : vector<16xf32>
        %ge3A_543 = arith.cmpf oge, %get3A_500, %broadcast_in_dim3A_53 : vector<16xf32>
        %ge3A_544 = arith.cmpf oge, %get3A_504, %broadcast_in_dim3A_53 : vector<16xf32>
        %ge3A_545 = arith.cmpf oge, %get3A_508, %broadcast_in_dim3A_53 : vector<16xf32>
        %ge3A_546 = arith.cmpf oge, %get3A_512, %broadcast_in_dim3A_53 : vector<16xf32>
        %ge3A_547 = arith.cmpf oge, %get3A_516, %broadcast_in_dim3A_53 : vector<16xf32>
        %ge3A_548 = arith.cmpf oge, %get3A_520, %broadcast_in_dim3A_53 : vector<16xf32>
        %ge3A_549 = arith.cmpf oge, %get3A_524, %broadcast_in_dim3A_53 : vector<16xf32>
        %ge3A_550 = arith.cmpf oge, %get3A_528, %broadcast_in_dim3A_53 : vector<16xf32>
        %ge3A_551 = arith.cmpf oge, %get3A_532, %broadcast_in_dim3A_53 : vector<16xf32>
        %ge3A_552 = arith.cmpf oge, %get3A_536, %broadcast_in_dim3A_53 : vector<16xf32>
        %all_reduce_population_count3A = tpu.all_reduce %ge3A_537 {dim = 0 : i64, kind = #tpu.reduction_kind<sum>} : vector<16xi1> -> vector<16xi32>
        %all_reduce_population_count3A_553 = tpu.all_reduce %ge3A_538 {dim = 0 : i64, kind = #tpu.reduction_kind<sum>} : vector<16xi1> -> vector<16xi32>
        %all_reduce_population_count3A_554 = tpu.all_reduce %ge3A_539 {dim = 0 : i64, kind = #tpu.reduction_kind<sum>} : vector<16xi1> -> vector<16xi32>
        %all_reduce_population_count3A_555 = tpu.all_reduce %ge3A_540 {dim = 0 : i64, kind = #tpu.reduction_kind<sum>} : vector<16xi1> -> vector<16xi32>
        %all_reduce_population_count3A_556 = tpu.all_reduce %ge3A_541 {dim = 0 : i64, kind = #tpu.reduction_kind<sum>} : vector<16xi1> -> vector<16xi32>
        %all_reduce_population_count3A_557 = tpu.all_reduce %ge3A_542 {dim = 0 : i64, kind = #tpu.reduction_kind<sum>} : vector<16xi1> -> vector<16xi32>
        %all_reduce_population_count3A_558 = tpu.all_reduce %ge3A_543 {dim = 0 : i64, kind = #tpu.reduction_kind<sum>} : vector<16xi1> -> vector<16xi32>
        %all_reduce_population_count3A_559 = tpu.all_reduce %ge3A_544 {dim = 0 : i64, kind = #tpu.reduction_kind<sum>} : vector<16xi1> -> vector<16xi32>
        %all_reduce_population_count3A_560 = tpu.all_reduce %ge3A_545 {dim = 0 : i64, kind = #tpu.reduction_kind<sum>} : vector<16xi1> -> vector<16xi32>
        %all_reduce_population_count3A_561 = tpu.all_reduce %ge3A_546 {dim = 0 : i64, kind = #tpu.reduction_kind<sum>} : vector<16xi1> -> vector<16xi32>
        %all_reduce_population_count3A_562 = tpu.all_reduce %ge3A_547 {dim = 0 : i64, kind = #tpu.reduction_kind<sum>} : vector<16xi1> -> vector<16xi32>
        %all_reduce_population_count3A_563 = tpu.all_reduce %ge3A_548 {dim = 0 : i64, kind = #tpu.reduction_kind<sum>} : vector<16xi1> -> vector<16xi32>
        %all_reduce_population_count3A_564 = tpu.all_reduce %ge3A_549 {dim = 0 : i64, kind = #tpu.reduction_kind<sum>} : vector<16xi1> -> vector<16xi32>
        %all_reduce_population_count3A_565 = tpu.all_reduce %ge3A_550 {dim = 0 : i64, kind = #tpu.reduction_kind<sum>} : vector<16xi1> -> vector<16xi32>
        %all_reduce_population_count3A_566 = tpu.all_reduce %ge3A_551 {dim = 0 : i64, kind = #tpu.reduction_kind<sum>} : vector<16xi1> -> vector<16xi32>
        %all_reduce_population_count3A_567 = tpu.all_reduce %ge3A_552 {dim = 0 : i64, kind = #tpu.reduction_kind<sum>} : vector<16xi1> -> vector<16xi32>
        %convert_element_type3A_568 = arith.extui %ge3A_537 : vector<16xi1> to vector<16xi32>
        %broadcast_in_dim3A_569 = arith.constant true
        %broadcast_in_dim3A_570 = vector.broadcast %broadcast_in_dim3A_569 : i1 to vector<16xi1>
        %masked_cumsum3A_571 = tpu.scan <sum>, %convert_element_type3A_568 masked %broadcast_in_dim3A_570 : vector<16xi32>, vector<16xi1> -> vector<16xi32>
        %convert_element_type3A_572 = arith.extui %ge3A_538 : vector<16xi1> to vector<16xi32>
        %broadcast_in_dim3A_573 = arith.constant true
        %broadcast_in_dim3A_574 = vector.broadcast %broadcast_in_dim3A_573 : i1 to vector<16xi1>
        %masked_cumsum3A_575 = tpu.scan <sum>, %convert_element_type3A_572 masked %broadcast_in_dim3A_574 : vector<16xi32>, vector<16xi1> -> vector<16xi32>
        %convert_element_type3A_576 = arith.extui %ge3A_539 : vector<16xi1> to vector<16xi32>
        %broadcast_in_dim3A_577 = arith.constant true
        %broadcast_in_dim3A_578 = vector.broadcast %broadcast_in_dim3A_577 : i1 to vector<16xi1>
        %masked_cumsum3A_579 = tpu.scan <sum>, %convert_element_type3A_576 masked %broadcast_in_dim3A_578 : vector<16xi32>, vector<16xi1> -> vector<16xi32>
        %convert_element_type3A_580 = arith.extui %ge3A_540 : vector<16xi1> to vector<16xi32>
        %broadcast_in_dim3A_581 = arith.constant true
        %broadcast_in_dim3A_582 = vector.broadcast %broadcast_in_dim3A_581 : i1 to vector<16xi1>
        %masked_cumsum3A_583 = tpu.scan <sum>, %convert_element_type3A_580 masked %broadcast_in_dim3A_582 : vector<16xi32>, vector<16xi1> -> vector<16xi32>
        %convert_element_type3A_584 = arith.extui %ge3A_541 : vector<16xi1> to vector<16xi32>
        %broadcast_in_dim3A_585 = arith.constant true
        %broadcast_in_dim3A_586 = vector.broadcast %broadcast_in_dim3A_585 : i1 to vector<16xi1>
        %masked_cumsum3A_587 = tpu.scan <sum>, %convert_element_type3A_584 masked %broadcast_in_dim3A_586 : vector<16xi32>, vector<16xi1> -> vector<16xi32>
        %convert_element_type3A_588 = arith.extui %ge3A_542 : vector<16xi1> to vector<16xi32>
        %broadcast_in_dim3A_589 = arith.constant true
        %broadcast_in_dim3A_590 = vector.broadcast %broadcast_in_dim3A_589 : i1 to vector<16xi1>
        %masked_cumsum3A_591 = tpu.scan <sum>, %convert_element_type3A_588 masked %broadcast_in_dim3A_590 : vector<16xi32>, vector<16xi1> -> vector<16xi32>
        %convert_element_type3A_592 = arith.extui %ge3A_543 : vector<16xi1> to vector<16xi32>
        %broadcast_in_dim3A_593 = arith.constant true
        %broadcast_in_dim3A_594 = vector.broadcast %broadcast_in_dim3A_593 : i1 to vector<16xi1>
        %masked_cumsum3A_595 = tpu.scan <sum>, %convert_element_type3A_592 masked %broadcast_in_dim3A_594 : vector<16xi32>, vector<16xi1> -> vector<16xi32>
        %convert_element_type3A_596 = arith.extui %ge3A_544 : vector<16xi1> to vector<16xi32>
        %broadcast_in_dim3A_597 = arith.constant true
        %broadcast_in_dim3A_598 = vector.broadcast %broadcast_in_dim3A_597 : i1 to vector<16xi1>
        %masked_cumsum3A_599 = tpu.scan <sum>, %convert_element_type3A_596 masked %broadcast_in_dim3A_598 : vector<16xi32>, vector<16xi1> -> vector<16xi32>
        %convert_element_type3A_600 = arith.extui %ge3A_545 : vector<16xi1> to vector<16xi32>
        %broadcast_in_dim3A_601 = arith.constant true
        %broadcast_in_dim3A_602 = vector.broadcast %broadcast_in_dim3A_601 : i1 to vector<16xi1>
        %masked_cumsum3A_603 = tpu.scan <sum>, %convert_element_type3A_600 masked %broadcast_in_dim3A_602 : vector<16xi32>, vector<16xi1> -> vector<16xi32>
        %convert_element_type3A_604 = arith.extui %ge3A_546 : vector<16xi1> to vector<16xi32>
        %broadcast_in_dim3A_605 = arith.constant true
        %broadcast_in_dim3A_606 = vector.broadcast %broadcast_in_dim3A_605 : i1 to vector<16xi1>
        %masked_cumsum3A_607 = tpu.scan <sum>, %convert_element_type3A_604 masked %broadcast_in_dim3A_606 : vector<16xi32>, vector<16xi1> -> vector<16xi32>
        %convert_element_type3A_608 = arith.extui %ge3A_547 : vector<16xi1> to vector<16xi32>
        %broadcast_in_dim3A_609 = arith.constant true
        %broadcast_in_dim3A_610 = vector.broadcast %broadcast_in_dim3A_609 : i1 to vector<16xi1>
        %masked_cumsum3A_611 = tpu.scan <sum>, %convert_element_type3A_608 masked %broadcast_in_dim3A_610 : vector<16xi32>, vector<16xi1> -> vector<16xi32>
        %convert_element_type3A_612 = arith.extui %ge3A_548 : vector<16xi1> to vector<16xi32>
        %broadcast_in_dim3A_613 = arith.constant true
        %broadcast_in_dim3A_614 = vector.broadcast %broadcast_in_dim3A_613 : i1 to vector<16xi1>
        %masked_cumsum3A_615 = tpu.scan <sum>, %convert_element_type3A_612 masked %broadcast_in_dim3A_614 : vector<16xi32>, vector<16xi1> -> vector<16xi32>
        %convert_element_type3A_616 = arith.extui %ge3A_549 : vector<16xi1> to vector<16xi32>
        %broadcast_in_dim3A_617 = arith.constant true
        %broadcast_in_dim3A_618 = vector.broadcast %broadcast_in_dim3A_617 : i1 to vector<16xi1>
        %masked_cumsum3A_619 = tpu.scan <sum>, %convert_element_type3A_616 masked %broadcast_in_dim3A_618 : vector<16xi32>, vector<16xi1> -> vector<16xi32>
        %convert_element_type3A_620 = arith.extui %ge3A_550 : vector<16xi1> to vector<16xi32>
        %broadcast_in_dim3A_621 = arith.constant true
        %broadcast_in_dim3A_622 = vector.broadcast %broadcast_in_dim3A_621 : i1 to vector<16xi1>
        %masked_cumsum3A_623 = tpu.scan <sum>, %convert_element_type3A_620 masked %broadcast_in_dim3A_622 : vector<16xi32>, vector<16xi1> -> vector<16xi32>
        %convert_element_type3A_624 = arith.extui %ge3A_551 : vector<16xi1> to vector<16xi32>
        %broadcast_in_dim3A_625 = arith.constant true
        %broadcast_in_dim3A_626 = vector.broadcast %broadcast_in_dim3A_625 : i1 to vector<16xi1>
        %masked_cumsum3A_627 = tpu.scan <sum>, %convert_element_type3A_624 masked %broadcast_in_dim3A_626 : vector<16xi32>, vector<16xi1> -> vector<16xi32>
        %convert_element_type3A_628 = arith.extui %ge3A_552 : vector<16xi1> to vector<16xi32>
        %broadcast_in_dim3A_629 = arith.constant true
        %broadcast_in_dim3A_630 = vector.broadcast %broadcast_in_dim3A_629 : i1 to vector<16xi1>
        %masked_cumsum3A_631 = tpu.scan <sum>, %convert_element_type3A_628 masked %broadcast_in_dim3A_630 : vector<16xi32>, vector<16xi1> -> vector<16xi32>
        %add3A_632 = arith.addi %scan3A_469, %masked_cumsum3A_571 : vector<16xi32>
        %sub3A_633 = arith.constant 1 : i32
        %sub3A_634 = vector.broadcast %sub3A_633 : i32 to vector<16xi32>
        %sub3A_635 = arith.subi %add3A_632, %sub3A_634 : vector<16xi32>
        %min3A_636 = arith.constant 4095 : i32
        %min3A_637 = vector.broadcast %min3A_636 : i32 to vector<16xi32>
        %min3A_638 = arith.minsi %sub3A_635, %min3A_637 : vector<16xi32>
        %add3A_639 = arith.constant 0 : i32
        %add3A_640 = vector.broadcast %add3A_639 : i32 to vector<16xi32>
        %add3A_641 = arith.addi %scan3A_470, %add3A_640 : vector<16xi32>
        tpu.vector_store_idx %arg6[%min3A_638], %add3A_641 masked %ge3A_537 : memref<4224xi32, #tpu.memory_space<vmem>>[vector<16xi32>], vector<16xi32>, vector<16xi1>
        %add3A_642 = arith.addi %scan3A_469, %all_reduce_population_count3A : vector<16xi32>
        %add3A_643 = arith.addi %add3A_642, %masked_cumsum3A_575 : vector<16xi32>
        %sub3A_644 = arith.constant 1 : i32
        %sub3A_645 = vector.broadcast %sub3A_644 : i32 to vector<16xi32>
        %sub3A_646 = arith.subi %add3A_643, %sub3A_645 : vector<16xi32>
        %min3A_647 = arith.constant 4095 : i32
        %min3A_648 = vector.broadcast %min3A_647 : i32 to vector<16xi32>
        %min3A_649 = arith.minsi %sub3A_646, %min3A_648 : vector<16xi32>
        %add3A_650 = arith.constant 16 : i32
        %add3A_651 = vector.broadcast %add3A_650 : i32 to vector<16xi32>
        %add3A_652 = arith.addi %scan3A_470, %add3A_651 : vector<16xi32>
        tpu.vector_store_idx %arg6[%min3A_649], %add3A_652 masked %ge3A_538 : memref<4224xi32, #tpu.memory_space<vmem>>[vector<16xi32>], vector<16xi32>, vector<16xi1>
        %add3A_653 = arith.addi %add3A_642, %all_reduce_population_count3A_553 : vector<16xi32>
        %add3A_654 = arith.addi %add3A_653, %masked_cumsum3A_579 : vector<16xi32>
        %sub3A_655 = arith.constant 1 : i32
        %sub3A_656 = vector.broadcast %sub3A_655 : i32 to vector<16xi32>
        %sub3A_657 = arith.subi %add3A_654, %sub3A_656 : vector<16xi32>
        %min3A_658 = arith.constant 4095 : i32
        %min3A_659 = vector.broadcast %min3A_658 : i32 to vector<16xi32>
        %min3A_660 = arith.minsi %sub3A_657, %min3A_659 : vector<16xi32>
        %add3A_661 = arith.constant 32 : i32
        %add3A_662 = vector.broadcast %add3A_661 : i32 to vector<16xi32>
        %add3A_663 = arith.addi %scan3A_470, %add3A_662 : vector<16xi32>
        tpu.vector_store_idx %arg6[%min3A_660], %add3A_663 masked %ge3A_539 : memref<4224xi32, #tpu.memory_space<vmem>>[vector<16xi32>], vector<16xi32>, vector<16xi1>
        %add3A_664 = arith.addi %add3A_653, %all_reduce_population_count3A_554 : vector<16xi32>
        %add3A_665 = arith.addi %add3A_664, %masked_cumsum3A_583 : vector<16xi32>
        %sub3A_666 = arith.constant 1 : i32
        %sub3A_667 = vector.broadcast %sub3A_666 : i32 to vector<16xi32>
        %sub3A_668 = arith.subi %add3A_665, %sub3A_667 : vector<16xi32>
        %min3A_669 = arith.constant 4095 : i32
        %min3A_670 = vector.broadcast %min3A_669 : i32 to vector<16xi32>
        %min3A_671 = arith.minsi %sub3A_668, %min3A_670 : vector<16xi32>
        %add3A_672 = arith.constant 48 : i32
        %add3A_673 = vector.broadcast %add3A_672 : i32 to vector<16xi32>
        %add3A_674 = arith.addi %scan3A_470, %add3A_673 : vector<16xi32>
        tpu.vector_store_idx %arg6[%min3A_671], %add3A_674 masked %ge3A_540 : memref<4224xi32, #tpu.memory_space<vmem>>[vector<16xi32>], vector<16xi32>, vector<16xi1>
        %add3A_675 = arith.addi %add3A_664, %all_reduce_population_count3A_555 : vector<16xi32>
        %add3A_676 = arith.addi %add3A_675, %masked_cumsum3A_587 : vector<16xi32>
        %sub3A_677 = arith.constant 1 : i32
        %sub3A_678 = vector.broadcast %sub3A_677 : i32 to vector<16xi32>
        %sub3A_679 = arith.subi %add3A_676, %sub3A_678 : vector<16xi32>
        %min3A_680 = arith.constant 4095 : i32
        %min3A_681 = vector.broadcast %min3A_680 : i32 to vector<16xi32>
        %min3A_682 = arith.minsi %sub3A_679, %min3A_681 : vector<16xi32>
        %add3A_683 = arith.constant 64 : i32
        %add3A_684 = vector.broadcast %add3A_683 : i32 to vector<16xi32>
        %add3A_685 = arith.addi %scan3A_470, %add3A_684 : vector<16xi32>
        tpu.vector_store_idx %arg6[%min3A_682], %add3A_685 masked %ge3A_541 : memref<4224xi32, #tpu.memory_space<vmem>>[vector<16xi32>], vector<16xi32>, vector<16xi1>
        %add3A_686 = arith.addi %add3A_675, %all_reduce_population_count3A_556 : vector<16xi32>
        %add3A_687 = arith.addi %add3A_686, %masked_cumsum3A_591 : vector<16xi32>
        %sub3A_688 = arith.constant 1 : i32
        %sub3A_689 = vector.broadcast %sub3A_688 : i32 to vector<16xi32>
        %sub3A_690 = arith.subi %add3A_687, %sub3A_689 : vector<16xi32>
        %min3A_691 = arith.constant 4095 : i32
        %min3A_692 = vector.broadcast %min3A_691 : i32 to vector<16xi32>
        %min3A_693 = arith.minsi %sub3A_690, %min3A_692 : vector<16xi32>
        %add3A_694 = arith.constant 80 : i32
        %add3A_695 = vector.broadcast %add3A_694 : i32 to vector<16xi32>
        %add3A_696 = arith.addi %scan3A_470, %add3A_695 : vector<16xi32>
        tpu.vector_store_idx %arg6[%min3A_693], %add3A_696 masked %ge3A_542 : memref<4224xi32, #tpu.memory_space<vmem>>[vector<16xi32>], vector<16xi32>, vector<16xi1>
        %add3A_697 = arith.addi %add3A_686, %all_reduce_population_count3A_557 : vector<16xi32>
        %add3A_698 = arith.addi %add3A_697, %masked_cumsum3A_595 : vector<16xi32>
        %sub3A_699 = arith.constant 1 : i32
        %sub3A_700 = vector.broadcast %sub3A_699 : i32 to vector<16xi32>
        %sub3A_701 = arith.subi %add3A_698, %sub3A_700 : vector<16xi32>
        %min3A_702 = arith.constant 4095 : i32
        %min3A_703 = vector.broadcast %min3A_702 : i32 to vector<16xi32>
        %min3A_704 = arith.minsi %sub3A_701, %min3A_703 : vector<16xi32>
        %add3A_705 = arith.constant 96 : i32
        %add3A_706 = vector.broadcast %add3A_705 : i32 to vector<16xi32>
        %add3A_707 = arith.addi %scan3A_470, %add3A_706 : vector<16xi32>
        tpu.vector_store_idx %arg6[%min3A_704], %add3A_707 masked %ge3A_543 : memref<4224xi32, #tpu.memory_space<vmem>>[vector<16xi32>], vector<16xi32>, vector<16xi1>
        %add3A_708 = arith.addi %add3A_697, %all_reduce_population_count3A_558 : vector<16xi32>
        %add3A_709 = arith.addi %add3A_708, %masked_cumsum3A_599 : vector<16xi32>
        %sub3A_710 = arith.constant 1 : i32
        %sub3A_711 = vector.broadcast %sub3A_710 : i32 to vector<16xi32>
        %sub3A_712 = arith.subi %add3A_709, %sub3A_711 : vector<16xi32>
        %min3A_713 = arith.constant 4095 : i32
        %min3A_714 = vector.broadcast %min3A_713 : i32 to vector<16xi32>
        %min3A_715 = arith.minsi %sub3A_712, %min3A_714 : vector<16xi32>
        %add3A_716 = arith.constant 112 : i32
        %add3A_717 = vector.broadcast %add3A_716 : i32 to vector<16xi32>
        %add3A_718 = arith.addi %scan3A_470, %add3A_717 : vector<16xi32>
        tpu.vector_store_idx %arg6[%min3A_715], %add3A_718 masked %ge3A_544 : memref<4224xi32, #tpu.memory_space<vmem>>[vector<16xi32>], vector<16xi32>, vector<16xi1>
        %add3A_719 = arith.addi %add3A_708, %all_reduce_population_count3A_559 : vector<16xi32>
        %add3A_720 = arith.addi %add3A_719, %masked_cumsum3A_603 : vector<16xi32>
        %sub3A_721 = arith.constant 1 : i32
        %sub3A_722 = vector.broadcast %sub3A_721 : i32 to vector<16xi32>
        %sub3A_723 = arith.subi %add3A_720, %sub3A_722 : vector<16xi32>
        %min3A_724 = arith.constant 4095 : i32
        %min3A_725 = vector.broadcast %min3A_724 : i32 to vector<16xi32>
        %min3A_726 = arith.minsi %sub3A_723, %min3A_725 : vector<16xi32>
        %add3A_727 = arith.constant 128 : i32
        %add3A_728 = vector.broadcast %add3A_727 : i32 to vector<16xi32>
        %add3A_729 = arith.addi %scan3A_470, %add3A_728 : vector<16xi32>
        tpu.vector_store_idx %arg6[%min3A_726], %add3A_729 masked %ge3A_545 : memref<4224xi32, #tpu.memory_space<vmem>>[vector<16xi32>], vector<16xi32>, vector<16xi1>
        %add3A_730 = arith.addi %add3A_719, %all_reduce_population_count3A_560 : vector<16xi32>
        %add3A_731 = arith.addi %add3A_730, %masked_cumsum3A_607 : vector<16xi32>
        %sub3A_732 = arith.constant 1 : i32
        %sub3A_733 = vector.broadcast %sub3A_732 : i32 to vector<16xi32>
        %sub3A_734 = arith.subi %add3A_731, %sub3A_733 : vector<16xi32>
        %min3A_735 = arith.constant 4095 : i32
        %min3A_736 = vector.broadcast %min3A_735 : i32 to vector<16xi32>
        %min3A_737 = arith.minsi %sub3A_734, %min3A_736 : vector<16xi32>
        %add3A_738 = arith.constant 144 : i32
        %add3A_739 = vector.broadcast %add3A_738 : i32 to vector<16xi32>
        %add3A_740 = arith.addi %scan3A_470, %add3A_739 : vector<16xi32>
        tpu.vector_store_idx %arg6[%min3A_737], %add3A_740 masked %ge3A_546 : memref<4224xi32, #tpu.memory_space<vmem>>[vector<16xi32>], vector<16xi32>, vector<16xi1>
        %add3A_741 = arith.addi %add3A_730, %all_reduce_population_count3A_561 : vector<16xi32>
        %add3A_742 = arith.addi %add3A_741, %masked_cumsum3A_611 : vector<16xi32>
        %sub3A_743 = arith.constant 1 : i32
        %sub3A_744 = vector.broadcast %sub3A_743 : i32 to vector<16xi32>
        %sub3A_745 = arith.subi %add3A_742, %sub3A_744 : vector<16xi32>
        %min3A_746 = arith.constant 4095 : i32
        %min3A_747 = vector.broadcast %min3A_746 : i32 to vector<16xi32>
        %min3A_748 = arith.minsi %sub3A_745, %min3A_747 : vector<16xi32>
        %add3A_749 = arith.constant 160 : i32
        %add3A_750 = vector.broadcast %add3A_749 : i32 to vector<16xi32>
        %add3A_751 = arith.addi %scan3A_470, %add3A_750 : vector<16xi32>
        tpu.vector_store_idx %arg6[%min3A_748], %add3A_751 masked %ge3A_547 : memref<4224xi32, #tpu.memory_space<vmem>>[vector<16xi32>], vector<16xi32>, vector<16xi1>
        %add3A_752 = arith.addi %add3A_741, %all_reduce_population_count3A_562 : vector<16xi32>
        %add3A_753 = arith.addi %add3A_752, %masked_cumsum3A_615 : vector<16xi32>
        %sub3A_754 = arith.constant 1 : i32
        %sub3A_755 = vector.broadcast %sub3A_754 : i32 to vector<16xi32>
        %sub3A_756 = arith.subi %add3A_753, %sub3A_755 : vector<16xi32>
        %min3A_757 = arith.constant 4095 : i32
        %min3A_758 = vector.broadcast %min3A_757 : i32 to vector<16xi32>
        %min3A_759 = arith.minsi %sub3A_756, %min3A_758 : vector<16xi32>
        %add3A_760 = arith.constant 176 : i32
        %add3A_761 = vector.broadcast %add3A_760 : i32 to vector<16xi32>
        %add3A_762 = arith.addi %scan3A_470, %add3A_761 : vector<16xi32>
        tpu.vector_store_idx %arg6[%min3A_759], %add3A_762 masked %ge3A_548 : memref<4224xi32, #tpu.memory_space<vmem>>[vector<16xi32>], vector<16xi32>, vector<16xi1>
        %add3A_763 = arith.addi %add3A_752, %all_reduce_population_count3A_563 : vector<16xi32>
        %add3A_764 = arith.addi %add3A_763, %masked_cumsum3A_619 : vector<16xi32>
        %sub3A_765 = arith.constant 1 : i32
        %sub3A_766 = vector.broadcast %sub3A_765 : i32 to vector<16xi32>
        %sub3A_767 = arith.subi %add3A_764, %sub3A_766 : vector<16xi32>
        %min3A_768 = arith.constant 4095 : i32
        %min3A_769 = vector.broadcast %min3A_768 : i32 to vector<16xi32>
        %min3A_770 = arith.minsi %sub3A_767, %min3A_769 : vector<16xi32>
        %add3A_771 = arith.constant 192 : i32
        %add3A_772 = vector.broadcast %add3A_771 : i32 to vector<16xi32>
        %add3A_773 = arith.addi %scan3A_470, %add3A_772 : vector<16xi32>
        tpu.vector_store_idx %arg6[%min3A_770], %add3A_773 masked %ge3A_549 : memref<4224xi32, #tpu.memory_space<vmem>>[vector<16xi32>], vector<16xi32>, vector<16xi1>
        %add3A_774 = arith.addi %add3A_763, %all_reduce_population_count3A_564 : vector<16xi32>
        %add3A_775 = arith.addi %add3A_774, %masked_cumsum3A_623 : vector<16xi32>
        %sub3A_776 = arith.constant 1 : i32
        %sub3A_777 = vector.broadcast %sub3A_776 : i32 to vector<16xi32>
        %sub3A_778 = arith.subi %add3A_775, %sub3A_777 : vector<16xi32>
        %min3A_779 = arith.constant 4095 : i32
        %min3A_780 = vector.broadcast %min3A_779 : i32 to vector<16xi32>
        %min3A_781 = arith.minsi %sub3A_778, %min3A_780 : vector<16xi32>
        %add3A_782 = arith.constant 208 : i32
        %add3A_783 = vector.broadcast %add3A_782 : i32 to vector<16xi32>
        %add3A_784 = arith.addi %scan3A_470, %add3A_783 : vector<16xi32>
        tpu.vector_store_idx %arg6[%min3A_781], %add3A_784 masked %ge3A_550 : memref<4224xi32, #tpu.memory_space<vmem>>[vector<16xi32>], vector<16xi32>, vector<16xi1>
        %add3A_785 = arith.addi %add3A_774, %all_reduce_population_count3A_565 : vector<16xi32>
        %add3A_786 = arith.addi %add3A_785, %masked_cumsum3A_627 : vector<16xi32>
        %sub3A_787 = arith.constant 1 : i32
        %sub3A_788 = vector.broadcast %sub3A_787 : i32 to vector<16xi32>
        %sub3A_789 = arith.subi %add3A_786, %sub3A_788 : vector<16xi32>
        %min3A_790 = arith.constant 4095 : i32
        %min3A_791 = vector.broadcast %min3A_790 : i32 to vector<16xi32>
        %min3A_792 = arith.minsi %sub3A_789, %min3A_791 : vector<16xi32>
        %add3A_793 = arith.constant 224 : i32
        %add3A_794 = vector.broadcast %add3A_793 : i32 to vector<16xi32>
        %add3A_795 = arith.addi %scan3A_470, %add3A_794 : vector<16xi32>
        tpu.vector_store_idx %arg6[%min3A_792], %add3A_795 masked %ge3A_551 : memref<4224xi32, #tpu.memory_space<vmem>>[vector<16xi32>], vector<16xi32>, vector<16xi1>
        %add3A_796 = arith.addi %add3A_785, %all_reduce_population_count3A_566 : vector<16xi32>
        %add3A_797 = arith.addi %add3A_796, %masked_cumsum3A_631 : vector<16xi32>
        %sub3A_798 = arith.constant 1 : i32
        %sub3A_799 = vector.broadcast %sub3A_798 : i32 to vector<16xi32>
        %sub3A_800 = arith.subi %add3A_797, %sub3A_799 : vector<16xi32>
        %min3A_801 = arith.constant 4095 : i32
        %min3A_802 = vector.broadcast %min3A_801 : i32 to vector<16xi32>
        %min3A_803 = arith.minsi %sub3A_800, %min3A_802 : vector<16xi32>
        %add3A_804 = arith.constant 240 : i32
        %add3A_805 = vector.broadcast %add3A_804 : i32 to vector<16xi32>
        %add3A_806 = arith.addi %scan3A_470, %add3A_805 : vector<16xi32>
        tpu.vector_store_idx %arg6[%min3A_803], %add3A_806 masked %ge3A_552 : memref<4224xi32, #tpu.memory_space<vmem>>[vector<16xi32>], vector<16xi32>, vector<16xi1>
        %add3A_807 = arith.addi %add3A_796, %all_reduce_population_count3A_567 : vector<16xi32>
        %min3A_808 = arith.constant 4096 : i32
        %min3A_809 = vector.broadcast %min3A_808 : i32 to vector<16xi32>
        %min3A_810 = arith.minsi %add3A_807, %min3A_809 : vector<16xi32>
        %add3A_811 = arith.constant 256 : i32
        %add3A_812 = vector.broadcast %add3A_811 : i32 to vector<16xi32>
        %add3A_813 = arith.addi %scan3A_470, %add3A_812 : vector<16xi32>
        scf.yield %min3A_810, %add3A_813 : vector<16xi32>, vector<16xi32>
      }
      %scan3A_68 = arith.constant 391 : i32
      %reduce_max3A = arith.constant true
      %reduce_max3A_69 = vector.broadcast %reduce_max3A : i1 to vector<16xi1>
      %reduce_max3A_70 = arith.constant -2147483648 : i32
      %reduce_max3A_71 = vector.broadcast %reduce_max3A_70 : i32 to vector<16xi32>
      %reduce_max3A_72 = arith.xori %scan3A_67#0, %reduce_max3A_71 : vector<16xi32>
      %reduce_max3A_73 = tpu.scan <max>, %reduce_max3A_72 masked %reduce_max3A_69 : vector<16xi32>, vector<16xi1> -> vector<16xi32>
      %reduce_max3A_74 = arith.xori %reduce_max3A_73, %reduce_max3A_71 : vector<16xi32>
      %reduce_max3A_75 = vector.extract %reduce_max3A_74[15] : i32 from vector<16xi32>
      %add3A_76 = arith.constant 63 : i32
      %add3A_77 = arith.addi %reduce_max3A_75, %add3A_76 : i32
      %jit3A = arith.constant 64 : i32
      %div3A = arith.divsi %add3A_77, %jit3A : i32
      %sign3A = arith.constant 0 : i32
      %sign3A_78 = arith.cmpi sgt, %add3A_77, %sign3A : i32
      %sign3A_79 = arith.extui %sign3A_78 : i1 to i32
      %sign3A_80 = arith.constant 0 : i32
      %sign3A_81 = arith.cmpi slt, %add3A_77, %sign3A_80 : i32
      %sign3A_82 = arith.extui %sign3A_81 : i1 to i32
      %sign3A_83 = arith.subi %sign3A_79, %sign3A_82 : i32
      %sign3A_84 = arith.constant 0 : i32
      %sign3A_85 = arith.cmpi sgt, %jit3A, %sign3A_84 : i32
      %sign3A_86 = arith.extui %sign3A_85 : i1 to i32
      %sign3A_87 = arith.constant 0 : i32
      %sign3A_88 = arith.cmpi slt, %jit3A, %sign3A_87 : i32
      %sign3A_89 = arith.extui %sign3A_88 : i1 to i32
      %sign3A_90 = arith.subi %sign3A_86, %sign3A_89 : i32
      %ne3A = arith.cmpi ne, %sign3A_83, %sign3A_90 : i32
      %rem3A = arith.remsi %add3A_77, %jit3A : i32
      %ne3A_91 = arith.constant 0 : i32
      %ne3A_92 = arith.cmpi ne, %rem3A, %ne3A_91 : i32
      %and3A = arith.andi %ne3A, %ne3A_92 : i1
      %sub3A = arith.constant 1 : i32
      %sub3A_93 = arith.subi %div3A, %sub3A : i32
      %select_n3A = arith.select %and3A, %sub3A_93, %div3A : i32
      %mul3A_94 = arith.constant 0 : i32
      %mul3A_95 = arith.constant 64 : i32
      %mul3A_96 = arith.muli %mul3A_94, %mul3A_95 : i32
      %add3A_97 = arith.constant 0 : i32
      %add3A_98 = arith.addi %mul3A_96, %add3A_97 : i32
      %get3A = arith.index_cast %add3A_98 : i32 to index
      %get3A_99 = tpu.vector_load %arg6[%get3A] {strides = array<i32>} : memref<4224xi32, #tpu.memory_space<vmem>>, vector<16xi32>,
      %add3A_100 = arith.constant 16 : i32
      %add3A_101 = arith.addi %mul3A_96, %add3A_100 : i32
      %get3A_102 = arith.index_cast %add3A_101 : i32 to index
      %get3A_103 = tpu.vector_load %arg6[%get3A_102] {strides = array<i32>} : memref<4224xi32, #tpu.memory_space<vmem>>, vector<16xi32>,
      %add3A_104 = arith.constant 32 : i32
      %add3A_105 = arith.addi %mul3A_96, %add3A_104 : i32
      %get3A_106 = arith.index_cast %add3A_105 : i32 to index
      %get3A_107 = tpu.vector_load %arg6[%get3A_106] {strides = array<i32>} : memref<4224xi32, #tpu.memory_space<vmem>>, vector<16xi32>,
      %add3A_108 = arith.constant 48 : i32
      %add3A_109 = arith.addi %mul3A_96, %add3A_108 : i32
      %get3A_110 = arith.index_cast %add3A_109 : i32 to index
      %get3A_111 = tpu.vector_load %arg6[%get3A_110] {strides = array<i32>} : memref<4224xi32, #tpu.memory_space<vmem>>, vector<16xi32>,
      %gather3A = tpu.vector_load_idx %arg5[%get3A_99] : memref<100096xf32, #tpu.memory_space<vmem>>[vector<16xi32>], vector<16xf32>,
      %gather3A_112 = tpu.vector_load_idx %arg5[%get3A_103] : memref<100096xf32, #tpu.memory_space<vmem>>[vector<16xi32>], vector<16xf32>,
      %gather3A_113 = tpu.vector_load_idx %arg5[%get3A_107] : memref<100096xf32, #tpu.memory_space<vmem>>[vector<16xi32>], vector<16xf32>,
      %gather3A_114 = tpu.vector_load_idx %arg5[%get3A_111] : memref<100096xf32, #tpu.memory_space<vmem>>[vector<16xi32>], vector<16xf32>,
      %masked_sort3A = arith.constant dense<true> : vector<16xi1>
      %masked_sort3A_115, %masked_sort3A_116, %masked_sort3A_117 = tpu.sort %gather3A, %get3A_99 masked %masked_sort3A {descending = true} : (vector<16xf32>, vector<16xi32>, vector<16xi1>) -> (vector<16xi1>, vector<16xf32>, vector<16xi32>)
      %masked_sort3A_118 = arith.constant dense<true> : vector<16xi1>
      %masked_sort3A_119, %masked_sort3A_120, %masked_sort3A_121 = tpu.sort %gather3A_112, %get3A_103 masked %masked_sort3A_118 {descending = true} : (vector<16xf32>, vector<16xi32>, vector<16xi1>) -> (vector<16xi1>, vector<16xf32>, vector<16xi32>)
      %masked_sort3A_122 = arith.constant dense<true> : vector<16xi1>
      %masked_sort3A_123, %masked_sort3A_124, %masked_sort3A_125 = tpu.sort %gather3A_113, %get3A_107 masked %masked_sort3A_122 {descending = true} : (vector<16xf32>, vector<16xi32>, vector<16xi1>) -> (vector<16xi1>, vector<16xf32>, vector<16xi32>)
      %masked_sort3A_126 = arith.constant dense<true> : vector<16xi1>
      %masked_sort3A_127, %masked_sort3A_128, %masked_sort3A_129 = tpu.sort %gather3A_114, %get3A_111 masked %masked_sort3A_126 {descending = true} : (vector<16xf32>, vector<16xi32>, vector<16xi1>) -> (vector<16xi1>, vector<16xf32>, vector<16xi32>)
      %rev3A = arith.constant 15 : i32
      %rev3A_130 = vector.broadcast %rev3A : i32 to vector<16xi32>
      %rev3A_131 = tpu.iota {dimensions = array<i32: 0>} : vector<16xi32>
      %rev3A_132 = arith.subi %rev3A_130, %rev3A_131 : vector<16xi32>
      %rev3A_133 = tpu.dynamic_gather %masked_sort3A_120[%rev3A_132] in [0] : vector<16xf32>, vector<16xi32> -> vector<16xf32>
      %rev3A_134 = arith.constant 15 : i32
      %rev3A_135 = vector.broadcast %rev3A_134 : i32 to vector<16xi32>
      %rev3A_136 = tpu.iota {dimensions = array<i32: 0>} : vector<16xi32>
      %rev3A_137 = arith.subi %rev3A_135, %rev3A_136 : vector<16xi32>
      %rev3A_138 = tpu.dynamic_gather %masked_sort3A_121[%rev3A_137] in [0] : vector<16xi32>, vector<16xi32> -> vector<16xi32>
      %ge3A = arith.cmpf oge, %masked_sort3A_116, %rev3A_133 : vector<16xf32>
      %select_n3A_139 = arith.select %ge3A, %masked_sort3A_116, %rev3A_133 : vector<16xi1>, vector<16xf32>
      %select_n3A_140 = arith.select %ge3A, %masked_sort3A_117, %rev3A_138 : vector<16xi1>, vector<16xi32>
      %select_n3A_141 = arith.select %ge3A, %rev3A_133, %masked_sort3A_116 : vector<16xi1>, vector<16xf32>
      %select_n3A_142 = arith.select %ge3A, %rev3A_138, %masked_sort3A_117 : vector<16xi1>, vector<16xi32>
      %masked_sort3A_143 = arith.constant dense<true> : vector<16xi1>
      %masked_sort3A_144, %masked_sort3A_145, %masked_sort3A_146 = tpu.sort %select_n3A_139, %select_n3A_140 masked %masked_sort3A_143 {descending = true} : (vector<16xf32>, vector<16xi32>, vector<16xi1>) -> (vector<16xi1>, vector<16xf32>, vector<16xi32>)
      %masked_sort3A_147 = arith.constant dense<true> : vector<16xi1>
      %masked_sort3A_148, %masked_sort3A_149, %masked_sort3A_150 = tpu.sort %select_n3A_141, %select_n3A_142 masked %masked_sort3A_147 {descending = true} : (vector<16xf32>, vector<16xi32>, vector<16xi1>) -> (vector<16xi1>, vector<16xf32>, vector<16xi32>)
      %rev3A_151 = arith.constant 15 : i32
      %rev3A_152 = vector.broadcast %rev3A_151 : i32 to vector<16xi32>
      %rev3A_153 = tpu.iota {dimensions = array<i32: 0>} : vector<16xi32>
      %rev3A_154 = arith.subi %rev3A_152, %rev3A_153 : vector<16xi32>
      %rev3A_155 = tpu.dynamic_gather %masked_sort3A_128[%rev3A_154] in [0] : vector<16xf32>, vector<16xi32> -> vector<16xf32>
      %rev3A_156 = arith.constant 15 : i32
      %rev3A_157 = vector.broadcast %rev3A_156 : i32 to vector<16xi32>
      %rev3A_158 = tpu.iota {dimensions = array<i32: 0>} : vector<16xi32>
      %rev3A_159 = arith.subi %rev3A_157, %rev3A_158 : vector<16xi32>
      %rev3A_160 = tpu.dynamic_gather %masked_sort3A_129[%rev3A_159] in [0] : vector<16xi32>, vector<16xi32> -> vector<16xi32>
      %ge3A_161 = arith.cmpf oge, %masked_sort3A_124, %rev3A_155 : vector<16xf32>
      %select_n3A_162 = arith.select %ge3A_161, %masked_sort3A_124, %rev3A_155 : vector<16xi1>, vector<16xf32>
      %select_n3A_163 = arith.select %ge3A_161, %masked_sort3A_125, %rev3A_160 : vector<16xi1>, vector<16xi32>
      %select_n3A_164 = arith.select %ge3A_161, %rev3A_155, %masked_sort3A_124 : vector<16xi1>, vector<16xf32>
      %select_n3A_165 = arith.select %ge3A_161, %rev3A_160, %masked_sort3A_125 : vector<16xi1>, vector<16xi32>
      %masked_sort3A_166 = arith.constant dense<true> : vector<16xi1>
      %masked_sort3A_167, %masked_sort3A_168, %masked_sort3A_169 = tpu.sort %select_n3A_162, %select_n3A_163 masked %masked_sort3A_166 {descending = true} : (vector<16xf32>, vector<16xi32>, vector<16xi1>) -> (vector<16xi1>, vector<16xf32>, vector<16xi32>)
      %masked_sort3A_170 = arith.constant dense<true> : vector<16xi1>
      %masked_sort3A_171, %masked_sort3A_172, %masked_sort3A_173 = tpu.sort %select_n3A_164, %select_n3A_165 masked %masked_sort3A_170 {descending = true} : (vector<16xf32>, vector<16xi32>, vector<16xi1>) -> (vector<16xi1>, vector<16xf32>, vector<16xi32>)
      %rev3A_174 = arith.constant 15 : i32
      %rev3A_175 = vector.broadcast %rev3A_174 : i32 to vector<16xi32>
      %rev3A_176 = tpu.iota {dimensions = array<i32: 0>} : vector<16xi32>
      %rev3A_177 = arith.subi %rev3A_175, %rev3A_176 : vector<16xi32>
      %rev3A_178 = tpu.dynamic_gather %masked_sort3A_172[%rev3A_177] in [0] : vector<16xf32>, vector<16xi32> -> vector<16xf32>
      %rev3A_179 = arith.constant 15 : i32
      %rev3A_180 = vector.broadcast %rev3A_179 : i32 to vector<16xi32>
      %rev3A_181 = tpu.iota {dimensions = array<i32: 0>} : vector<16xi32>
      %rev3A_182 = arith.subi %rev3A_180, %rev3A_181 : vector<16xi32>
      %rev3A_183 = tpu.dynamic_gather %masked_sort3A_168[%rev3A_182] in [0] : vector<16xf32>, vector<16xi32> -> vector<16xf32>
      %rev3A_184 = arith.constant 15 : i32
      %rev3A_185 = vector.broadcast %rev3A_184 : i32 to vector<16xi32>
      %rev3A_186 = tpu.iota {dimensions = array<i32: 0>} : vector<16xi32>
      %rev3A_187 = arith.subi %rev3A_185, %rev3A_186 : vector<16xi32>
      %rev3A_188 = tpu.dynamic_gather %masked_sort3A_173[%rev3A_187] in [0] : vector<16xi32>, vector<16xi32> -> vector<16xi32>
      %rev3A_189 = arith.constant 15 : i32
      %rev3A_190 = vector.broadcast %rev3A_189 : i32 to vector<16xi32>
      %rev3A_191 = tpu.iota {dimensions = array<i32: 0>} : vector<16xi32>
      %rev3A_192 = arith.subi %rev3A_190, %rev3A_191 : vector<16xi32>
      %rev3A_193 = tpu.dynamic_gather %masked_sort3A_169[%rev3A_192] in [0] : vector<16xi32>, vector<16xi32> -> vector<16xi32>
      %ge3A_194 = arith.cmpf oge, %masked_sort3A_145, %rev3A_178 : vector<16xf32>
      %select_n3A_195 = arith.select %ge3A_194, %masked_sort3A_145, %rev3A_178 : vector<16xi1>, vector<16xf32>
      %select_n3A_196 = arith.select %ge3A_194, %masked_sort3A_146, %rev3A_188 : vector<16xi1>, vector<16xi32>
      %select_n3A_197 = arith.select %ge3A_194, %rev3A_178, %masked_sort3A_145 : vector<16xi1>, vector<16xf32>
      %select_n3A_198 = arith.select %ge3A_194, %rev3A_188, %masked_sort3A_146 : vector<16xi1>, vector<16xi32>
      %ge3A_199 = arith.cmpf oge, %masked_sort3A_149, %rev3A_183 : vector<16xf32>
      %select_n3A_200 = arith.select %ge3A_199, %masked_sort3A_149, %rev3A_183 : vector<16xi1>, vector<16xf32>
      %select_n3A_201 = arith.select %ge3A_199, %masked_sort3A_150, %rev3A_193 : vector<16xi1>, vector<16xi32>
      %select_n3A_202 = arith.select %ge3A_199, %rev3A_183, %masked_sort3A_149 : vector<16xi1>, vector<16xf32>
      %select_n3A_203 = arith.select %ge3A_199, %rev3A_193, %masked_sort3A_150 : vector<16xi1>, vector<16xi32>
      %ge3A_204 = arith.cmpf oge, %select_n3A_195, %select_n3A_200 : vector<16xf32>
      %select_n3A_205 = arith.select %ge3A_204, %select_n3A_195, %select_n3A_200 : vector<16xi1>, vector<16xf32>
      %select_n3A_206 = arith.select %ge3A_204, %select_n3A_196, %select_n3A_201 : vector<16xi1>, vector<16xi32>
      %select_n3A_207 = arith.select %ge3A_204, %select_n3A_200, %select_n3A_195 : vector<16xi1>, vector<16xf32>
      %select_n3A_208 = arith.select %ge3A_204, %select_n3A_201, %select_n3A_196 : vector<16xi1>, vector<16xi32>
      %masked_sort3A_209 = arith.constant dense<true> : vector<16xi1>
      %masked_sort3A_210, %masked_sort3A_211, %masked_sort3A_212 = tpu.sort %select_n3A_205, %select_n3A_206 masked %masked_sort3A_209 {descending = true} : (vector<16xf32>, vector<16xi32>, vector<16xi1>) -> (vector<16xi1>, vector<16xf32>, vector<16xi32>)
      %masked_sort3A_213 = arith.constant dense<true> : vector<16xi1>
      %masked_sort3A_214, %masked_sort3A_215, %masked_sort3A_216 = tpu.sort %select_n3A_207, %select_n3A_208 masked %masked_sort3A_213 {descending = true} : (vector<16xf32>, vector<16xi32>, vector<16xi1>) -> (vector<16xi1>, vector<16xf32>, vector<16xi32>)
      %ge3A_217 = arith.cmpf oge, %select_n3A_197, %select_n3A_202 : vector<16xf32>
      %select_n3A_218 = arith.select %ge3A_217, %select_n3A_197, %select_n3A_202 : vector<16xi1>, vector<16xf32>
      %select_n3A_219 = arith.select %ge3A_217, %select_n3A_198, %select_n3A_203 : vector<16xi1>, vector<16xi32>
      %select_n3A_220 = arith.select %ge3A_217, %select_n3A_202, %select_n3A_197 : vector<16xi1>, vector<16xf32>
      %select_n3A_221 = arith.select %ge3A_217, %select_n3A_203, %select_n3A_198 : vector<16xi1>, vector<16xi32>
      %masked_sort3A_222 = arith.constant dense<true> : vector<16xi1>
      %masked_sort3A_223, %masked_sort3A_224, %masked_sort3A_225 = tpu.sort %select_n3A_218, %select_n3A_219 masked %masked_sort3A_222 {descending = true} : (vector<16xf32>, vector<16xi32>, vector<16xi1>) -> (vector<16xi1>, vector<16xf32>, vector<16xi32>)
      %masked_sort3A_226 = arith.constant dense<true> : vector<16xi1>
      %masked_sort3A_227, %masked_sort3A_228, %masked_sort3A_229 = tpu.sort %select_n3A_220, %select_n3A_221 masked %masked_sort3A_226 {descending = true} : (vector<16xf32>, vector<16xi32>, vector<16xi1>) -> (vector<16xi1>, vector<16xf32>, vector<16xi32>)
      %while3A = arith.constant 1 : i32
      %while3A_230 = arith.subi %select_n3A, %while3A : i32
      %while3A_231 = arith.addi %while3A, %while3A_230 : i32
      %while3A_232 = arith.constant 1 : i32
      %while3A_233 = arith.divsi %while3A_230, %while3A_232 : i32
      %while3A_234 = arith.muli %while3A_233, %while3A_232 : i32
      %while3A_235 = arith.addi %while3A, %while3A_234 : i32
      %while3A_236 = arith.constant 1 : i32
      %while3A_237:8 = scf.for %while3A_468 = %while3A to %while3A_235 step %while3A_236 iter_args(%while3A_469 = %masked_sort3A_211, %while3A_470 = %masked_sort3A_215, %while3A_471 = %masked_sort3A_224, %while3A_472 = %masked_sort3A_228, %while3A_473 = %masked_sort3A_212, %while3A_474 = %masked_sort3A_216, %while3A_475 = %masked_sort3A_225, %while3A_476 = %masked_sort3A_229) -> (vector<16xf32>, vector<16xf32>, vector<16xf32>, vector<16xf32>, vector<16xi32>, vector<16xi32>, vector<16xi32>, vector<16xi32>)  : i32 {
        %mul3A_477 = arith.constant 64 : i32
        %mul3A_478 = arith.muli %while3A_468, %mul3A_477 : i32
        %add3A_479 = arith.constant 0 : i32
        %add3A_480 = arith.addi %mul3A_478, %add3A_479 : i32
        %get3A_481 = arith.index_cast %add3A_480 : i32 to index
        %get3A_482 = tpu.vector_load %arg6[%get3A_481] {strides = array<i32>} : memref<4224xi32, #tpu.memory_space<vmem>>, vector<16xi32>,
        %add3A_483 = arith.constant 16 : i32
        %add3A_484 = arith.addi %mul3A_478, %add3A_483 : i32
        %get3A_485 = arith.index_cast %add3A_484 : i32 to index
        %get3A_486 = tpu.vector_load %arg6[%get3A_485] {strides = array<i32>} : memref<4224xi32, #tpu.memory_space<vmem>>, vector<16xi32>,
        %add3A_487 = arith.constant 32 : i32
        %add3A_488 = arith.addi %mul3A_478, %add3A_487 : i32
        %get3A_489 = arith.index_cast %add3A_488 : i32 to index
        %get3A_490 = tpu.vector_load %arg6[%get3A_489] {strides = array<i32>} : memref<4224xi32, #tpu.memory_space<vmem>>, vector<16xi32>,
        %add3A_491 = arith.constant 48 : i32
        %add3A_492 = arith.addi %mul3A_478, %add3A_491 : i32
        %get3A_493 = arith.index_cast %add3A_492 : i32 to index
        %get3A_494 = tpu.vector_load %arg6[%get3A_493] {strides = array<i32>} : memref<4224xi32, #tpu.memory_space<vmem>>, vector<16xi32>,
        %gather3A_495 = tpu.vector_load_idx %arg5[%get3A_482] : memref<100096xf32, #tpu.memory_space<vmem>>[vector<16xi32>], vector<16xf32>,
        %gather3A_496 = tpu.vector_load_idx %arg5[%get3A_486] : memref<100096xf32, #tpu.memory_space<vmem>>[vector<16xi32>], vector<16xf32>,
        %gather3A_497 = tpu.vector_load_idx %arg5[%get3A_490] : memref<100096xf32, #tpu.memory_space<vmem>>[vector<16xi32>], vector<16xf32>,
        %gather3A_498 = tpu.vector_load_idx %arg5[%get3A_494] : memref<100096xf32, #tpu.memory_space<vmem>>[vector<16xi32>], vector<16xf32>,
        %masked_sort3A_499 = arith.constant dense<true> : vector<16xi1>
        %masked_sort3A_500, %masked_sort3A_501, %masked_sort3A_502 = tpu.sort %gather3A_495, %get3A_482 masked %masked_sort3A_499 {descending = true} : (vector<16xf32>, vector<16xi32>, vector<16xi1>) -> (vector<16xi1>, vector<16xf32>, vector<16xi32>)
        %masked_sort3A_503 = arith.constant dense<true> : vector<16xi1>
        %masked_sort3A_504, %masked_sort3A_505, %masked_sort3A_506 = tpu.sort %gather3A_496, %get3A_486 masked %masked_sort3A_503 {descending = true} : (vector<16xf32>, vector<16xi32>, vector<16xi1>) -> (vector<16xi1>, vector<16xf32>, vector<16xi32>)
        %masked_sort3A_507 = arith.constant dense<true> : vector<16xi1>
        %masked_sort3A_508, %masked_sort3A_509, %masked_sort3A_510 = tpu.sort %gather3A_497, %get3A_490 masked %masked_sort3A_507 {descending = true} : (vector<16xf32>, vector<16xi32>, vector<16xi1>) -> (vector<16xi1>, vector<16xf32>, vector<16xi32>)
        %masked_sort3A_511 = arith.constant dense<true> : vector<16xi1>
        %masked_sort3A_512, %masked_sort3A_513, %masked_sort3A_514 = tpu.sort %gather3A_498, %get3A_494 masked %masked_sort3A_511 {descending = true} : (vector<16xf32>, vector<16xi32>, vector<16xi1>) -> (vector<16xi1>, vector<16xf32>, vector<16xi32>)
        %rev3A_515 = arith.constant 15 : i32
        %rev3A_516 = vector.broadcast %rev3A_515 : i32 to vector<16xi32>
        %rev3A_517 = tpu.iota {dimensions = array<i32: 0>} : vector<16xi32>
        %rev3A_518 = arith.subi %rev3A_516, %rev3A_517 : vector<16xi32>
        %rev3A_519 = tpu.dynamic_gather %masked_sort3A_505[%rev3A_518] in [0] : vector<16xf32>, vector<16xi32> -> vector<16xf32>
        %rev3A_520 = arith.constant 15 : i32
        %rev3A_521 = vector.broadcast %rev3A_520 : i32 to vector<16xi32>
        %rev3A_522 = tpu.iota {dimensions = array<i32: 0>} : vector<16xi32>
        %rev3A_523 = arith.subi %rev3A_521, %rev3A_522 : vector<16xi32>
        %rev3A_524 = tpu.dynamic_gather %masked_sort3A_506[%rev3A_523] in [0] : vector<16xi32>, vector<16xi32> -> vector<16xi32>
        %ge3A_525 = arith.cmpf oge, %masked_sort3A_501, %rev3A_519 : vector<16xf32>
        %select_n3A_526 = arith.select %ge3A_525, %masked_sort3A_501, %rev3A_519 : vector<16xi1>, vector<16xf32>
        %select_n3A_527 = arith.select %ge3A_525, %masked_sort3A_502, %rev3A_524 : vector<16xi1>, vector<16xi32>
        %select_n3A_528 = arith.select %ge3A_525, %rev3A_519, %masked_sort3A_501 : vector<16xi1>, vector<16xf32>
        %select_n3A_529 = arith.select %ge3A_525, %rev3A_524, %masked_sort3A_502 : vector<16xi1>, vector<16xi32>
        %masked_sort3A_530 = arith.constant dense<true> : vector<16xi1>
        %masked_sort3A_531, %masked_sort3A_532, %masked_sort3A_533 = tpu.sort %select_n3A_526, %select_n3A_527 masked %masked_sort3A_530 {descending = true} : (vector<16xf32>, vector<16xi32>, vector<16xi1>) -> (vector<16xi1>, vector<16xf32>, vector<16xi32>)
        %masked_sort3A_534 = arith.constant dense<true> : vector<16xi1>
        %masked_sort3A_535, %masked_sort3A_536, %masked_sort3A_537 = tpu.sort %select_n3A_528, %select_n3A_529 masked %masked_sort3A_534 {descending = true} : (vector<16xf32>, vector<16xi32>, vector<16xi1>) -> (vector<16xi1>, vector<16xf32>, vector<16xi32>)
        %rev3A_538 = arith.constant 15 : i32
        %rev3A_539 = vector.broadcast %rev3A_538 : i32 to vector<16xi32>
        %rev3A_540 = tpu.iota {dimensions = array<i32: 0>} : vector<16xi32>
        %rev3A_541 = arith.subi %rev3A_539, %rev3A_540 : vector<16xi32>
        %rev3A_542 = tpu.dynamic_gather %masked_sort3A_513[%rev3A_541] in [0] : vector<16xf32>, vector<16xi32> -> vector<16xf32>
        %rev3A_543 = arith.constant 15 : i32
        %rev3A_544 = vector.broadcast %rev3A_543 : i32 to vector<16xi32>
        %rev3A_545 = tpu.iota {dimensions = array<i32: 0>} : vector<16xi32>
        %rev3A_546 = arith.subi %rev3A_544, %rev3A_545 : vector<16xi32>
        %rev3A_547 = tpu.dynamic_gather %masked_sort3A_514[%rev3A_546] in [0] : vector<16xi32>, vector<16xi32> -> vector<16xi32>
        %ge3A_548 = arith.cmpf oge, %masked_sort3A_509, %rev3A_542 : vector<16xf32>
        %select_n3A_549 = arith.select %ge3A_548, %masked_sort3A_509, %rev3A_542 : vector<16xi1>, vector<16xf32>
        %select_n3A_550 = arith.select %ge3A_548, %masked_sort3A_510, %rev3A_547 : vector<16xi1>, vector<16xi32>
        %select_n3A_551 = arith.select %ge3A_548, %rev3A_542, %masked_sort3A_509 : vector<16xi1>, vector<16xf32>
        %select_n3A_552 = arith.select %ge3A_548, %rev3A_547, %masked_sort3A_510 : vector<16xi1>, vector<16xi32>
        %masked_sort3A_553 = arith.constant dense<true> : vector<16xi1>
        %masked_sort3A_554, %masked_sort3A_555, %masked_sort3A_556 = tpu.sort %select_n3A_549, %select_n3A_550 masked %masked_sort3A_553 {descending = true} : (vector<16xf32>, vector<16xi32>, vector<16xi1>) -> (vector<16xi1>, vector<16xf32>, vector<16xi32>)
        %masked_sort3A_557 = arith.constant dense<true> : vector<16xi1>
        %masked_sort3A_558, %masked_sort3A_559, %masked_sort3A_560 = tpu.sort %select_n3A_551, %select_n3A_552 masked %masked_sort3A_557 {descending = true} : (vector<16xf32>, vector<16xi32>, vector<16xi1>) -> (vector<16xi1>, vector<16xf32>, vector<16xi32>)
        %rev3A_561 = arith.constant 15 : i32
        %rev3A_562 = vector.broadcast %rev3A_561 : i32 to vector<16xi32>
        %rev3A_563 = tpu.iota {dimensions = array<i32: 0>} : vector<16xi32>
        %rev3A_564 = arith.subi %rev3A_562, %rev3A_563 : vector<16xi32>
        %rev3A_565 = tpu.dynamic_gather %masked_sort3A_559[%rev3A_564] in [0] : vector<16xf32>, vector<16xi32> -> vector<16xf32>
        %rev3A_566 = arith.constant 15 : i32
        %rev3A_567 = vector.broadcast %rev3A_566 : i32 to vector<16xi32>
        %rev3A_568 = tpu.iota {dimensions = array<i32: 0>} : vector<16xi32>
        %rev3A_569 = arith.subi %rev3A_567, %rev3A_568 : vector<16xi32>
        %rev3A_570 = tpu.dynamic_gather %masked_sort3A_555[%rev3A_569] in [0] : vector<16xf32>, vector<16xi32> -> vector<16xf32>
        %rev3A_571 = arith.constant 15 : i32
        %rev3A_572 = vector.broadcast %rev3A_571 : i32 to vector<16xi32>
        %rev3A_573 = tpu.iota {dimensions = array<i32: 0>} : vector<16xi32>
        %rev3A_574 = arith.subi %rev3A_572, %rev3A_573 : vector<16xi32>
        %rev3A_575 = tpu.dynamic_gather %masked_sort3A_560[%rev3A_574] in [0] : vector<16xi32>, vector<16xi32> -> vector<16xi32>
        %rev3A_576 = arith.constant 15 : i32
        %rev3A_577 = vector.broadcast %rev3A_576 : i32 to vector<16xi32>
        %rev3A_578 = tpu.iota {dimensions = array<i32: 0>} : vector<16xi32>
        %rev3A_579 = arith.subi %rev3A_577, %rev3A_578 : vector<16xi32>
        %rev3A_580 = tpu.dynamic_gather %masked_sort3A_556[%rev3A_579] in [0] : vector<16xi32>, vector<16xi32> -> vector<16xi32>
        %ge3A_581 = arith.cmpf oge, %masked_sort3A_532, %rev3A_565 : vector<16xf32>
        %select_n3A_582 = arith.select %ge3A_581, %masked_sort3A_532, %rev3A_565 : vector<16xi1>, vector<16xf32>
        %select_n3A_583 = arith.select %ge3A_581, %masked_sort3A_533, %rev3A_575 : vector<16xi1>, vector<16xi32>
        %select_n3A_584 = arith.select %ge3A_581, %rev3A_565, %masked_sort3A_532 : vector<16xi1>, vector<16xf32>
        %select_n3A_585 = arith.select %ge3A_581, %rev3A_575, %masked_sort3A_533 : vector<16xi1>, vector<16xi32>
        %ge3A_586 = arith.cmpf oge, %masked_sort3A_536, %rev3A_570 : vector<16xf32>
        %select_n3A_587 = arith.select %ge3A_586, %masked_sort3A_536, %rev3A_570 : vector<16xi1>, vector<16xf32>
        %select_n3A_588 = arith.select %ge3A_586, %masked_sort3A_537, %rev3A_580 : vector<16xi1>, vector<16xi32>
        %select_n3A_589 = arith.select %ge3A_586, %rev3A_570, %masked_sort3A_536 : vector<16xi1>, vector<16xf32>
        %select_n3A_590 = arith.select %ge3A_586, %rev3A_580, %masked_sort3A_537 : vector<16xi1>, vector<16xi32>
        %ge3A_591 = arith.cmpf oge, %select_n3A_582, %select_n3A_587 : vector<16xf32>
        %select_n3A_592 = arith.select %ge3A_591, %select_n3A_582, %select_n3A_587 : vector<16xi1>, vector<16xf32>
        %select_n3A_593 = arith.select %ge3A_591, %select_n3A_583, %select_n3A_588 : vector<16xi1>, vector<16xi32>
        %select_n3A_594 = arith.select %ge3A_591, %select_n3A_587, %select_n3A_582 : vector<16xi1>, vector<16xf32>
        %select_n3A_595 = arith.select %ge3A_591, %select_n3A_588, %select_n3A_583 : vector<16xi1>, vector<16xi32>
        %masked_sort3A_596 = arith.constant dense<true> : vector<16xi1>
        %masked_sort3A_597, %masked_sort3A_598, %masked_sort3A_599 = tpu.sort %select_n3A_592, %select_n3A_593 masked %masked_sort3A_596 {descending = true} : (vector<16xf32>, vector<16xi32>, vector<16xi1>) -> (vector<16xi1>, vector<16xf32>, vector<16xi32>)
        %masked_sort3A_600 = arith.constant dense<true> : vector<16xi1>
        %masked_sort3A_601, %masked_sort3A_602, %masked_sort3A_603 = tpu.sort %select_n3A_594, %select_n3A_595 masked %masked_sort3A_600 {descending = true} : (vector<16xf32>, vector<16xi32>, vector<16xi1>) -> (vector<16xi1>, vector<16xf32>, vector<16xi32>)
        %ge3A_604 = arith.cmpf oge, %select_n3A_584, %select_n3A_589 : vector<16xf32>
        %select_n3A_605 = arith.select %ge3A_604, %select_n3A_584, %select_n3A_589 : vector<16xi1>, vector<16xf32>
        %select_n3A_606 = arith.select %ge3A_604, %select_n3A_585, %select_n3A_590 : vector<16xi1>, vector<16xi32>
        %select_n3A_607 = arith.select %ge3A_604, %select_n3A_589, %select_n3A_584 : vector<16xi1>, vector<16xf32>
        %select_n3A_608 = arith.select %ge3A_604, %select_n3A_590, %select_n3A_585 : vector<16xi1>, vector<16xi32>
        %masked_sort3A_609 = arith.constant dense<true> : vector<16xi1>
        %masked_sort3A_610, %masked_sort3A_611, %masked_sort3A_612 = tpu.sort %select_n3A_605, %select_n3A_606 masked %masked_sort3A_609 {descending = true} : (vector<16xf32>, vector<16xi32>, vector<16xi1>) -> (vector<16xi1>, vector<16xf32>, vector<16xi32>)
        %masked_sort3A_613 = arith.constant dense<true> : vector<16xi1>
        %masked_sort3A_614, %masked_sort3A_615, %masked_sort3A_616 = tpu.sort %select_n3A_607, %select_n3A_608 masked %masked_sort3A_613 {descending = true} : (vector<16xf32>, vector<16xi32>, vector<16xi1>) -> (vector<16xi1>, vector<16xf32>, vector<16xi32>)
        %rev3A_617 = arith.constant 15 : i32
        %rev3A_618 = vector.broadcast %rev3A_617 : i32 to vector<16xi32>
        %rev3A_619 = tpu.iota {dimensions = array<i32: 0>} : vector<16xi32>
        %rev3A_620 = arith.subi %rev3A_618, %rev3A_619 : vector<16xi32>
        %rev3A_621 = tpu.dynamic_gather %masked_sort3A_615[%rev3A_620] in [0] : vector<16xf32>, vector<16xi32> -> vector<16xf32>
        %rev3A_622 = arith.constant 15 : i32
        %rev3A_623 = vector.broadcast %rev3A_622 : i32 to vector<16xi32>
        %rev3A_624 = tpu.iota {dimensions = array<i32: 0>} : vector<16xi32>
        %rev3A_625 = arith.subi %rev3A_623, %rev3A_624 : vector<16xi32>
        %rev3A_626 = tpu.dynamic_gather %masked_sort3A_611[%rev3A_625] in [0] : vector<16xf32>, vector<16xi32> -> vector<16xf32>
        %rev3A_627 = arith.constant 15 : i32
        %rev3A_628 = vector.broadcast %rev3A_627 : i32 to vector<16xi32>
        %rev3A_629 = tpu.iota {dimensions = array<i32: 0>} : vector<16xi32>
        %rev3A_630 = arith.subi %rev3A_628, %rev3A_629 : vector<16xi32>
        %rev3A_631 = tpu.dynamic_gather %masked_sort3A_602[%rev3A_630] in [0] : vector<16xf32>, vector<16xi32> -> vector<16xf32>
        %rev3A_632 = arith.constant 15 : i32
        %rev3A_633 = vector.broadcast %rev3A_632 : i32 to vector<16xi32>
        %rev3A_634 = tpu.iota {dimensions = array<i32: 0>} : vector<16xi32>
        %rev3A_635 = arith.subi %rev3A_633, %rev3A_634 : vector<16xi32>
        %rev3A_636 = tpu.dynamic_gather %masked_sort3A_598[%rev3A_635] in [0] : vector<16xf32>, vector<16xi32> -> vector<16xf32>
        %rev3A_637 = arith.constant 15 : i32
        %rev3A_638 = vector.broadcast %rev3A_637 : i32 to vector<16xi32>
        %rev3A_639 = tpu.iota {dimensions = array<i32: 0>} : vector<16xi32>
        %rev3A_640 = arith.subi %rev3A_638, %rev3A_639 : vector<16xi32>
        %rev3A_641 = tpu.dynamic_gather %masked_sort3A_616[%rev3A_640] in [0] : vector<16xi32>, vector<16xi32> -> vector<16xi32>
        %rev3A_642 = arith.constant 15 : i32
        %rev3A_643 = vector.broadcast %rev3A_642 : i32 to vector<16xi32>
        %rev3A_644 = tpu.iota {dimensions = array<i32: 0>} : vector<16xi32>
        %rev3A_645 = arith.subi %rev3A_643, %rev3A_644 : vector<16xi32>
        %rev3A_646 = tpu.dynamic_gather %masked_sort3A_612[%rev3A_645] in [0] : vector<16xi32>, vector<16xi32> -> vector<16xi32>
        %rev3A_647 = arith.constant 15 : i32
        %rev3A_648 = vector.broadcast %rev3A_647 : i32 to vector<16xi32>
        %rev3A_649 = tpu.iota {dimensions = array<i32: 0>} : vector<16xi32>
        %rev3A_650 = arith.subi %rev3A_648, %rev3A_649 : vector<16xi32>
        %rev3A_651 = tpu.dynamic_gather %masked_sort3A_603[%rev3A_650] in [0] : vector<16xi32>, vector<16xi32> -> vector<16xi32>
        %rev3A_652 = arith.constant 15 : i32
        %rev3A_653 = vector.broadcast %rev3A_652 : i32 to vector<16xi32>
        %rev3A_654 = tpu.iota {dimensions = array<i32: 0>} : vector<16xi32>
        %rev3A_655 = arith.subi %rev3A_653, %rev3A_654 : vector<16xi32>
        %rev3A_656 = tpu.dynamic_gather %masked_sort3A_599[%rev3A_655] in [0] : vector<16xi32>, vector<16xi32> -> vector<16xi32>
        %ge3A_657 = arith.cmpf oge, %while3A_469, %rev3A_621 : vector<16xf32>
        %select_n3A_658 = arith.select %ge3A_657, %while3A_469, %rev3A_621 : vector<16xi1>, vector<16xf32>
        %select_n3A_659 = arith.select %ge3A_657, %while3A_473, %rev3A_641 : vector<16xi1>, vector<16xi32>
        %ge3A_660 = arith.cmpf oge, %while3A_470, %rev3A_626 : vector<16xf32>
        %select_n3A_661 = arith.select %ge3A_660, %while3A_470, %rev3A_626 : vector<16xi1>, vector<16xf32>
        %select_n3A_662 = arith.select %ge3A_660, %while3A_474, %rev3A_646 : vector<16xi1>, vector<16xi32>
        %ge3A_663 = arith.cmpf oge, %while3A_471, %rev3A_631 : vector<16xf32>
        %select_n3A_664 = arith.select %ge3A_663, %while3A_471, %rev3A_631 : vector<16xi1>, vector<16xf32>
        %select_n3A_665 = arith.select %ge3A_663, %while3A_475, %rev3A_651 : vector<16xi1>, vector<16xi32>
        %ge3A_666 = arith.cmpf oge, %while3A_472, %rev3A_636 : vector<16xf32>
        %select_n3A_667 = arith.select %ge3A_666, %while3A_472, %rev3A_636 : vector<16xi1>, vector<16xf32>
        %select_n3A_668 = arith.select %ge3A_666, %while3A_476, %rev3A_656 : vector<16xi1>, vector<16xi32>
        %ge3A_669 = arith.cmpf oge, %select_n3A_658, %select_n3A_664 : vector<16xf32>
        %select_n3A_670 = arith.select %ge3A_669, %select_n3A_658, %select_n3A_664 : vector<16xi1>, vector<16xf32>
        %select_n3A_671 = arith.select %ge3A_669, %select_n3A_659, %select_n3A_665 : vector<16xi1>, vector<16xi32>
        %select_n3A_672 = arith.select %ge3A_669, %select_n3A_664, %select_n3A_658 : vector<16xi1>, vector<16xf32>
        %select_n3A_673 = arith.select %ge3A_669, %select_n3A_665, %select_n3A_659 : vector<16xi1>, vector<16xi32>
        %ge3A_674 = arith.cmpf oge, %select_n3A_661, %select_n3A_667 : vector<16xf32>
        %select_n3A_675 = arith.select %ge3A_674, %select_n3A_661, %select_n3A_667 : vector<16xi1>, vector<16xf32>
        %select_n3A_676 = arith.select %ge3A_674, %select_n3A_662, %select_n3A_668 : vector<16xi1>, vector<16xi32>
        %select_n3A_677 = arith.select %ge3A_674, %select_n3A_667, %select_n3A_661 : vector<16xi1>, vector<16xf32>
        %select_n3A_678 = arith.select %ge3A_674, %select_n3A_668, %select_n3A_662 : vector<16xi1>, vector<16xi32>
        %ge3A_679 = arith.cmpf oge, %select_n3A_670, %select_n3A_675 : vector<16xf32>
        %select_n3A_680 = arith.select %ge3A_679, %select_n3A_670, %select_n3A_675 : vector<16xi1>, vector<16xf32>
        %select_n3A_681 = arith.select %ge3A_679, %select_n3A_671, %select_n3A_676 : vector<16xi1>, vector<16xi32>
        %select_n3A_682 = arith.select %ge3A_679, %select_n3A_675, %select_n3A_670 : vector<16xi1>, vector<16xf32>
        %select_n3A_683 = arith.select %ge3A_679, %select_n3A_676, %select_n3A_671 : vector<16xi1>, vector<16xi32>
        %masked_sort3A_684 = arith.constant dense<true> : vector<16xi1>
        %masked_sort3A_685, %masked_sort3A_686, %masked_sort3A_687 = tpu.sort %select_n3A_680, %select_n3A_681 masked %masked_sort3A_684 {descending = true} : (vector<16xf32>, vector<16xi32>, vector<16xi1>) -> (vector<16xi1>, vector<16xf32>, vector<16xi32>)
        %masked_sort3A_688 = arith.constant dense<true> : vector<16xi1>
        %masked_sort3A_689, %masked_sort3A_690, %masked_sort3A_691 = tpu.sort %select_n3A_682, %select_n3A_683 masked %masked_sort3A_688 {descending = true} : (vector<16xf32>, vector<16xi32>, vector<16xi1>) -> (vector<16xi1>, vector<16xf32>, vector<16xi32>)
        %ge3A_692 = arith.cmpf oge, %select_n3A_672, %select_n3A_677 : vector<16xf32>
        %select_n3A_693 = arith.select %ge3A_692, %select_n3A_672, %select_n3A_677 : vector<16xi1>, vector<16xf32>
        %select_n3A_694 = arith.select %ge3A_692, %select_n3A_673, %select_n3A_678 : vector<16xi1>, vector<16xi32>
        %select_n3A_695 = arith.select %ge3A_692, %select_n3A_677, %select_n3A_672 : vector<16xi1>, vector<16xf32>
        %select_n3A_696 = arith.select %ge3A_692, %select_n3A_678, %select_n3A_673 : vector<16xi1>, vector<16xi32>
        %masked_sort3A_697 = arith.constant dense<true> : vector<16xi1>
        %masked_sort3A_698, %masked_sort3A_699, %masked_sort3A_700 = tpu.sort %select_n3A_693, %select_n3A_694 masked %masked_sort3A_697 {descending = true} : (vector<16xf32>, vector<16xi32>, vector<16xi1>) -> (vector<16xi1>, vector<16xf32>, vector<16xi32>)
        %masked_sort3A_701 = arith.constant dense<true> : vector<16xi1>
        %masked_sort3A_702, %masked_sort3A_703, %masked_sort3A_704 = tpu.sort %select_n3A_695, %select_n3A_696 masked %masked_sort3A_701 {descending = true} : (vector<16xf32>, vector<16xi32>, vector<16xi1>) -> (vector<16xi1>, vector<16xf32>, vector<16xi32>)
        scf.yield %masked_sort3A_686, %masked_sort3A_690, %masked_sort3A_699, %masked_sort3A_703, %masked_sort3A_687, %masked_sort3A_691, %masked_sort3A_700, %masked_sort3A_704 : vector<16xf32>, vector<16xf32>, vector<16xf32>, vector<16xf32>, vector<16xi32>, vector<16xi32>, vector<16xi32>, vector<16xi32>
      }
      %while3A_238 = arith.constant 1 : i32
      %while3A_239:8 = scf.for %while3A_468 = %while3A_235 to %while3A_231 step %while3A_238 iter_args(%while3A_469 = %while3A_237#0, %while3A_470 = %while3A_237#1, %while3A_471 = %while3A_237#2, %while3A_472 = %while3A_237#3, %while3A_473 = %while3A_237#4, %while3A_474 = %while3A_237#5, %while3A_475 = %while3A_237#6, %while3A_476 = %while3A_237#7) -> (vector<16xf32>, vector<16xf32>, vector<16xf32>, vector<16xf32>, vector<16xi32>, vector<16xi32>, vector<16xi32>, vector<16xi32>)  : i32 {
        %mul3A_477 = arith.constant 64 : i32
        %mul3A_478 = arith.muli %while3A_468, %mul3A_477 : i32
        %add3A_479 = arith.constant 0 : i32
        %add3A_480 = arith.addi %mul3A_478, %add3A_479 : i32
        %get3A_481 = arith.index_cast %add3A_480 : i32 to index
        %get3A_482 = tpu.vector_load %arg6[%get3A_481] {strides = array<i32>} : memref<4224xi32, #tpu.memory_space<vmem>>, vector<16xi32>,
        %add3A_483 = arith.constant 16 : i32
        %add3A_484 = arith.addi %mul3A_478, %add3A_483 : i32
        %get3A_485 = arith.index_cast %add3A_484 : i32 to index
        %get3A_486 = tpu.vector_load %arg6[%get3A_485] {strides = array<i32>} : memref<4224xi32, #tpu.memory_space<vmem>>, vector<16xi32>,
        %add3A_487 = arith.constant 32 : i32
        %add3A_488 = arith.addi %mul3A_478, %add3A_487 : i32
        %get3A_489 = arith.index_cast %add3A_488 : i32 to index
        %get3A_490 = tpu.vector_load %arg6[%get3A_489] {strides = array<i32>} : memref<4224xi32, #tpu.memory_space<vmem>>, vector<16xi32>,
        %add3A_491 = arith.constant 48 : i32
        %add3A_492 = arith.addi %mul3A_478, %add3A_491 : i32
        %get3A_493 = arith.index_cast %add3A_492 : i32 to index
        %get3A_494 = tpu.vector_load %arg6[%get3A_493] {strides = array<i32>} : memref<4224xi32, #tpu.memory_space<vmem>>, vector<16xi32>,
        %gather3A_495 = tpu.vector_load_idx %arg5[%get3A_482] : memref<100096xf32, #tpu.memory_space<vmem>>[vector<16xi32>], vector<16xf32>,
        %gather3A_496 = tpu.vector_load_idx %arg5[%get3A_486] : memref<100096xf32, #tpu.memory_space<vmem>>[vector<16xi32>], vector<16xf32>,
        %gather3A_497 = tpu.vector_load_idx %arg5[%get3A_490] : memref<100096xf32, #tpu.memory_space<vmem>>[vector<16xi32>], vector<16xf32>,
        %gather3A_498 = tpu.vector_load_idx %arg5[%get3A_494] : memref<100096xf32, #tpu.memory_space<vmem>>[vector<16xi32>], vector<16xf32>,
        %masked_sort3A_499 = arith.constant dense<true> : vector<16xi1>
        %masked_sort3A_500, %masked_sort3A_501, %masked_sort3A_502 = tpu.sort %gather3A_495, %get3A_482 masked %masked_sort3A_499 {descending = true} : (vector<16xf32>, vector<16xi32>, vector<16xi1>) -> (vector<16xi1>, vector<16xf32>, vector<16xi32>)
        %masked_sort3A_503 = arith.constant dense<true> : vector<16xi1>
        %masked_sort3A_504, %masked_sort3A_505, %masked_sort3A_506 = tpu.sort %gather3A_496, %get3A_486 masked %masked_sort3A_503 {descending = true} : (vector<16xf32>, vector<16xi32>, vector<16xi1>) -> (vector<16xi1>, vector<16xf32>, vector<16xi32>)
        %masked_sort3A_507 = arith.constant dense<true> : vector<16xi1>
        %masked_sort3A_508, %masked_sort3A_509, %masked_sort3A_510 = tpu.sort %gather3A_497, %get3A_490 masked %masked_sort3A_507 {descending = true} : (vector<16xf32>, vector<16xi32>, vector<16xi1>) -> (vector<16xi1>, vector<16xf32>, vector<16xi32>)
        %masked_sort3A_511 = arith.constant dense<true> : vector<16xi1>
        %masked_sort3A_512, %masked_sort3A_513, %masked_sort3A_514 = tpu.sort %gather3A_498, %get3A_494 masked %masked_sort3A_511 {descending = true} : (vector<16xf32>, vector<16xi32>, vector<16xi1>) -> (vector<16xi1>, vector<16xf32>, vector<16xi32>)
        %rev3A_515 = arith.constant 15 : i32
        %rev3A_516 = vector.broadcast %rev3A_515 : i32 to vector<16xi32>
        %rev3A_517 = tpu.iota {dimensions = array<i32: 0>} : vector<16xi32>
        %rev3A_518 = arith.subi %rev3A_516, %rev3A_517 : vector<16xi32>
        %rev3A_519 = tpu.dynamic_gather %masked_sort3A_505[%rev3A_518] in [0] : vector<16xf32>, vector<16xi32> -> vector<16xf32>
        %rev3A_520 = arith.constant 15 : i32
        %rev3A_521 = vector.broadcast %rev3A_520 : i32 to vector<16xi32>
        %rev3A_522 = tpu.iota {dimensions = array<i32: 0>} : vector<16xi32>
        %rev3A_523 = arith.subi %rev3A_521, %rev3A_522 : vector<16xi32>
        %rev3A_524 = tpu.dynamic_gather %masked_sort3A_506[%rev3A_523] in [0] : vector<16xi32>, vector<16xi32> -> vector<16xi32>
        %ge3A_525 = arith.cmpf oge, %masked_sort3A_501, %rev3A_519 : vector<16xf32>
        %select_n3A_526 = arith.select %ge3A_525, %masked_sort3A_501, %rev3A_519 : vector<16xi1>, vector<16xf32>
        %select_n3A_527 = arith.select %ge3A_525, %masked_sort3A_502, %rev3A_524 : vector<16xi1>, vector<16xi32>
        %select_n3A_528 = arith.select %ge3A_525, %rev3A_519, %masked_sort3A_501 : vector<16xi1>, vector<16xf32>
        %select_n3A_529 = arith.select %ge3A_525, %rev3A_524, %masked_sort3A_502 : vector<16xi1>, vector<16xi32>
        %masked_sort3A_530 = arith.constant dense<true> : vector<16xi1>
        %masked_sort3A_531, %masked_sort3A_532, %masked_sort3A_533 = tpu.sort %select_n3A_526, %select_n3A_527 masked %masked_sort3A_530 {descending = true} : (vector<16xf32>, vector<16xi32>, vector<16xi1>) -> (vector<16xi1>, vector<16xf32>, vector<16xi32>)
        %masked_sort3A_534 = arith.constant dense<true> : vector<16xi1>
        %masked_sort3A_535, %masked_sort3A_536, %masked_sort3A_537 = tpu.sort %select_n3A_528, %select_n3A_529 masked %masked_sort3A_534 {descending = true} : (vector<16xf32>, vector<16xi32>, vector<16xi1>) -> (vector<16xi1>, vector<16xf32>, vector<16xi32>)
        %rev3A_538 = arith.constant 15 : i32
        %rev3A_539 = vector.broadcast %rev3A_538 : i32 to vector<16xi32>
        %rev3A_540 = tpu.iota {dimensions = array<i32: 0>} : vector<16xi32>
        %rev3A_541 = arith.subi %rev3A_539, %rev3A_540 : vector<16xi32>
        %rev3A_542 = tpu.dynamic_gather %masked_sort3A_513[%rev3A_541] in [0] : vector<16xf32>, vector<16xi32> -> vector<16xf32>
        %rev3A_543 = arith.constant 15 : i32
        %rev3A_544 = vector.broadcast %rev3A_543 : i32 to vector<16xi32>
        %rev3A_545 = tpu.iota {dimensions = array<i32: 0>} : vector<16xi32>
        %rev3A_546 = arith.subi %rev3A_544, %rev3A_545 : vector<16xi32>
        %rev3A_547 = tpu.dynamic_gather %masked_sort3A_514[%rev3A_546] in [0] : vector<16xi32>, vector<16xi32> -> vector<16xi32>
        %ge3A_548 = arith.cmpf oge, %masked_sort3A_509, %rev3A_542 : vector<16xf32>
        %select_n3A_549 = arith.select %ge3A_548, %masked_sort3A_509, %rev3A_542 : vector<16xi1>, vector<16xf32>
        %select_n3A_550 = arith.select %ge3A_548, %masked_sort3A_510, %rev3A_547 : vector<16xi1>, vector<16xi32>
        %select_n3A_551 = arith.select %ge3A_548, %rev3A_542, %masked_sort3A_509 : vector<16xi1>, vector<16xf32>
        %select_n3A_552 = arith.select %ge3A_548, %rev3A_547, %masked_sort3A_510 : vector<16xi1>, vector<16xi32>
        %masked_sort3A_553 = arith.constant dense<true> : vector<16xi1>
        %masked_sort3A_554, %masked_sort3A_555, %masked_sort3A_556 = tpu.sort %select_n3A_549, %select_n3A_550 masked %masked_sort3A_553 {descending = true} : (vector<16xf32>, vector<16xi32>, vector<16xi1>) -> (vector<16xi1>, vector<16xf32>, vector<16xi32>)
        %masked_sort3A_557 = arith.constant dense<true> : vector<16xi1>
        %masked_sort3A_558, %masked_sort3A_559, %masked_sort3A_560 = tpu.sort %select_n3A_551, %select_n3A_552 masked %masked_sort3A_557 {descending = true} : (vector<16xf32>, vector<16xi32>, vector<16xi1>) -> (vector<16xi1>, vector<16xf32>, vector<16xi32>)
        %rev3A_561 = arith.constant 15 : i32
        %rev3A_562 = vector.broadcast %rev3A_561 : i32 to vector<16xi32>
        %rev3A_563 = tpu.iota {dimensions = array<i32: 0>} : vector<16xi32>
        %rev3A_564 = arith.subi %rev3A_562, %rev3A_563 : vector<16xi32>
        %rev3A_565 = tpu.dynamic_gather %masked_sort3A_559[%rev3A_564] in [0] : vector<16xf32>, vector<16xi32> -> vector<16xf32>
        %rev3A_566 = arith.constant 15 : i32
        %rev3A_567 = vector.broadcast %rev3A_566 : i32 to vector<16xi32>
        %rev3A_568 = tpu.iota {dimensions = array<i32: 0>} : vector<16xi32>
        %rev3A_569 = arith.subi %rev3A_567, %rev3A_568 : vector<16xi32>
        %rev3A_570 = tpu.dynamic_gather %masked_sort3A_555[%rev3A_569] in [0] : vector<16xf32>, vector<16xi32> -> vector<16xf32>
        %rev3A_571 = arith.constant 15 : i32
        %rev3A_572 = vector.broadcast %rev3A_571 : i32 to vector<16xi32>
        %rev3A_573 = tpu.iota {dimensions = array<i32: 0>} : vector<16xi32>
        %rev3A_574 = arith.subi %rev3A_572, %rev3A_573 : vector<16xi32>
        %rev3A_575 = tpu.dynamic_gather %masked_sort3A_560[%rev3A_574] in [0] : vector<16xi32>, vector<16xi32> -> vector<16xi32>
        %rev3A_576 = arith.constant 15 : i32
        %rev3A_577 = vector.broadcast %rev3A_576 : i32 to vector<16xi32>
        %rev3A_578 = tpu.iota {dimensions = array<i32: 0>} : vector<16xi32>
        %rev3A_579 = arith.subi %rev3A_577, %rev3A_578 : vector<16xi32>
        %rev3A_580 = tpu.dynamic_gather %masked_sort3A_556[%rev3A_579] in [0] : vector<16xi32>, vector<16xi32> -> vector<16xi32>
        %ge3A_581 = arith.cmpf oge, %masked_sort3A_532, %rev3A_565 : vector<16xf32>
        %select_n3A_582 = arith.select %ge3A_581, %masked_sort3A_532, %rev3A_565 : vector<16xi1>, vector<16xf32>
        %select_n3A_583 = arith.select %ge3A_581, %masked_sort3A_533, %rev3A_575 : vector<16xi1>, vector<16xi32>
        %select_n3A_584 = arith.select %ge3A_581, %rev3A_565, %masked_sort3A_532 : vector<16xi1>, vector<16xf32>
        %select_n3A_585 = arith.select %ge3A_581, %rev3A_575, %masked_sort3A_533 : vector<16xi1>, vector<16xi32>
        %ge3A_586 = arith.cmpf oge, %masked_sort3A_536, %rev3A_570 : vector<16xf32>
        %select_n3A_587 = arith.select %ge3A_586, %masked_sort3A_536, %rev3A_570 : vector<16xi1>, vector<16xf32>
        %select_n3A_588 = arith.select %ge3A_586, %masked_sort3A_537, %rev3A_580 : vector<16xi1>, vector<16xi32>
        %select_n3A_589 = arith.select %ge3A_586, %rev3A_570, %masked_sort3A_536 : vector<16xi1>, vector<16xf32>
        %select_n3A_590 = arith.select %ge3A_586, %rev3A_580, %masked_sort3A_537 : vector<16xi1>, vector<16xi32>
        %ge3A_591 = arith.cmpf oge, %select_n3A_582, %select_n3A_587 : vector<16xf32>
        %select_n3A_592 = arith.select %ge3A_591, %select_n3A_582, %select_n3A_587 : vector<16xi1>, vector<16xf32>
        %select_n3A_593 = arith.select %ge3A_591, %select_n3A_583, %select_n3A_588 : vector<16xi1>, vector<16xi32>
        %select_n3A_594 = arith.select %ge3A_591, %select_n3A_587, %select_n3A_582 : vector<16xi1>, vector<16xf32>
        %select_n3A_595 = arith.select %ge3A_591, %select_n3A_588, %select_n3A_583 : vector<16xi1>, vector<16xi32>
        %masked_sort3A_596 = arith.constant dense<true> : vector<16xi1>
        %masked_sort3A_597, %masked_sort3A_598, %masked_sort3A_599 = tpu.sort %select_n3A_592, %select_n3A_593 masked %masked_sort3A_596 {descending = true} : (vector<16xf32>, vector<16xi32>, vector<16xi1>) -> (vector<16xi1>, vector<16xf32>, vector<16xi32>)
        %masked_sort3A_600 = arith.constant dense<true> : vector<16xi1>
        %masked_sort3A_601, %masked_sort3A_602, %masked_sort3A_603 = tpu.sort %select_n3A_594, %select_n3A_595 masked %masked_sort3A_600 {descending = true} : (vector<16xf32>, vector<16xi32>, vector<16xi1>) -> (vector<16xi1>, vector<16xf32>, vector<16xi32>)
        %ge3A_604 = arith.cmpf oge, %select_n3A_584, %select_n3A_589 : vector<16xf32>
        %select_n3A_605 = arith.select %ge3A_604, %select_n3A_584, %select_n3A_589 : vector<16xi1>, vector<16xf32>
        %select_n3A_606 = arith.select %ge3A_604, %select_n3A_585, %select_n3A_590 : vector<16xi1>, vector<16xi32>
        %select_n3A_607 = arith.select %ge3A_604, %select_n3A_589, %select_n3A_584 : vector<16xi1>, vector<16xf32>
        %select_n3A_608 = arith.select %ge3A_604, %select_n3A_590, %select_n3A_585 : vector<16xi1>, vector<16xi32>
        %masked_sort3A_609 = arith.constant dense<true> : vector<16xi1>
        %masked_sort3A_610, %masked_sort3A_611, %masked_sort3A_612 = tpu.sort %select_n3A_605, %select_n3A_606 masked %masked_sort3A_609 {descending = true} : (vector<16xf32>, vector<16xi32>, vector<16xi1>) -> (vector<16xi1>, vector<16xf32>, vector<16xi32>)
        %masked_sort3A_613 = arith.constant dense<true> : vector<16xi1>
        %masked_sort3A_614, %masked_sort3A_615, %masked_sort3A_616 = tpu.sort %select_n3A_607, %select_n3A_608 masked %masked_sort3A_613 {descending = true} : (vector<16xf32>, vector<16xi32>, vector<16xi1>) -> (vector<16xi1>, vector<16xf32>, vector<16xi32>)
        %rev3A_617 = arith.constant 15 : i32
        %rev3A_618 = vector.broadcast %rev3A_617 : i32 to vector<16xi32>
        %rev3A_619 = tpu.iota {dimensions = array<i32: 0>} : vector<16xi32>
        %rev3A_620 = arith.subi %rev3A_618, %rev3A_619 : vector<16xi32>
        %rev3A_621 = tpu.dynamic_gather %masked_sort3A_615[%rev3A_620] in [0] : vector<16xf32>, vector<16xi32> -> vector<16xf32>
        %rev3A_622 = arith.constant 15 : i32
        %rev3A_623 = vector.broadcast %rev3A_622 : i32 to vector<16xi32>
        %rev3A_624 = tpu.iota {dimensions = array<i32: 0>} : vector<16xi32>
        %rev3A_625 = arith.subi %rev3A_623, %rev3A_624 : vector<16xi32>
        %rev3A_626 = tpu.dynamic_gather %masked_sort3A_611[%rev3A_625] in [0] : vector<16xf32>, vector<16xi32> -> vector<16xf32>
        %rev3A_627 = arith.constant 15 : i32
        %rev3A_628 = vector.broadcast %rev3A_627 : i32 to vector<16xi32>
        %rev3A_629 = tpu.iota {dimensions = array<i32: 0>} : vector<16xi32>
        %rev3A_630 = arith.subi %rev3A_628, %rev3A_629 : vector<16xi32>
        %rev3A_631 = tpu.dynamic_gather %masked_sort3A_602[%rev3A_630] in [0] : vector<16xf32>, vector<16xi32> -> vector<16xf32>
        %rev3A_632 = arith.constant 15 : i32
        %rev3A_633 = vector.broadcast %rev3A_632 : i32 to vector<16xi32>
        %rev3A_634 = tpu.iota {dimensions = array<i32: 0>} : vector<16xi32>
        %rev3A_635 = arith.subi %rev3A_633, %rev3A_634 : vector<16xi32>
        %rev3A_636 = tpu.dynamic_gather %masked_sort3A_598[%rev3A_635] in [0] : vector<16xf32>, vector<16xi32> -> vector<16xf32>
        %rev3A_637 = arith.constant 15 : i32
        %rev3A_638 = vector.broadcast %rev3A_637 : i32 to vector<16xi32>
        %rev3A_639 = tpu.iota {dimensions = array<i32: 0>} : vector<16xi32>
        %rev3A_640 = arith.subi %rev3A_638, %rev3A_639 : vector<16xi32>
        %rev3A_641 = tpu.dynamic_gather %masked_sort3A_616[%rev3A_640] in [0] : vector<16xi32>, vector<16xi32> -> vector<16xi32>
        %rev3A_642 = arith.constant 15 : i32
        %rev3A_643 = vector.broadcast %rev3A_642 : i32 to vector<16xi32>
        %rev3A_644 = tpu.iota {dimensions = array<i32: 0>} : vector<16xi32>
        %rev3A_645 = arith.subi %rev3A_643, %rev3A_644 : vector<16xi32>
        %rev3A_646 = tpu.dynamic_gather %masked_sort3A_612[%rev3A_645] in [0] : vector<16xi32>, vector<16xi32> -> vector<16xi32>
        %rev3A_647 = arith.constant 15 : i32
        %rev3A_648 = vector.broadcast %rev3A_647 : i32 to vector<16xi32>
        %rev3A_649 = tpu.iota {dimensions = array<i32: 0>} : vector<16xi32>
        %rev3A_650 = arith.subi %rev3A_648, %rev3A_649 : vector<16xi32>
        %rev3A_651 = tpu.dynamic_gather %masked_sort3A_603[%rev3A_650] in [0] : vector<16xi32>, vector<16xi32> -> vector<16xi32>
        %rev3A_652 = arith.constant 15 : i32
        %rev3A_653 = vector.broadcast %rev3A_652 : i32 to vector<16xi32>
        %rev3A_654 = tpu.iota {dimensions = array<i32: 0>} : vector<16xi32>
        %rev3A_655 = arith.subi %rev3A_653, %rev3A_654 : vector<16xi32>
        %rev3A_656 = tpu.dynamic_gather %masked_sort3A_599[%rev3A_655] in [0] : vector<16xi32>, vector<16xi32> -> vector<16xi32>
        %ge3A_657 = arith.cmpf oge, %while3A_469, %rev3A_621 : vector<16xf32>
        %select_n3A_658 = arith.select %ge3A_657, %while3A_469, %rev3A_621 : vector<16xi1>, vector<16xf32>
        %select_n3A_659 = arith.select %ge3A_657, %while3A_473, %rev3A_641 : vector<16xi1>, vector<16xi32>
        %ge3A_660 = arith.cmpf oge, %while3A_470, %rev3A_626 : vector<16xf32>
        %select_n3A_661 = arith.select %ge3A_660, %while3A_470, %rev3A_626 : vector<16xi1>, vector<16xf32>
        %select_n3A_662 = arith.select %ge3A_660, %while3A_474, %rev3A_646 : vector<16xi1>, vector<16xi32>
        %ge3A_663 = arith.cmpf oge, %while3A_471, %rev3A_631 : vector<16xf32>
        %select_n3A_664 = arith.select %ge3A_663, %while3A_471, %rev3A_631 : vector<16xi1>, vector<16xf32>
        %select_n3A_665 = arith.select %ge3A_663, %while3A_475, %rev3A_651 : vector<16xi1>, vector<16xi32>
        %ge3A_666 = arith.cmpf oge, %while3A_472, %rev3A_636 : vector<16xf32>
        %select_n3A_667 = arith.select %ge3A_666, %while3A_472, %rev3A_636 : vector<16xi1>, vector<16xf32>
        %select_n3A_668 = arith.select %ge3A_666, %while3A_476, %rev3A_656 : vector<16xi1>, vector<16xi32>
        %ge3A_669 = arith.cmpf oge, %select_n3A_658, %select_n3A_664 : vector<16xf32>
        %select_n3A_670 = arith.select %ge3A_669, %select_n3A_658, %select_n3A_664 : vector<16xi1>, vector<16xf32>
        %select_n3A_671 = arith.select %ge3A_669, %select_n3A_659, %select_n3A_665 : vector<16xi1>, vector<16xi32>
        %select_n3A_672 = arith.select %ge3A_669, %select_n3A_664, %select_n3A_658 : vector<16xi1>, vector<16xf32>
        %select_n3A_673 = arith.select %ge3A_669, %select_n3A_665, %select_n3A_659 : vector<16xi1>, vector<16xi32>
        %ge3A_674 = arith.cmpf oge, %select_n3A_661, %select_n3A_667 : vector<16xf32>
        %select_n3A_675 = arith.select %ge3A_674, %select_n3A_661, %select_n3A_667 : vector<16xi1>, vector<16xf32>
        %select_n3A_676 = arith.select %ge3A_674, %select_n3A_662, %select_n3A_668 : vector<16xi1>, vector<16xi32>
        %select_n3A_677 = arith.select %ge3A_674, %select_n3A_667, %select_n3A_661 : vector<16xi1>, vector<16xf32>
        %select_n3A_678 = arith.select %ge3A_674, %select_n3A_668, %select_n3A_662 : vector<16xi1>, vector<16xi32>
        %ge3A_679 = arith.cmpf oge, %select_n3A_670, %select_n3A_675 : vector<16xf32>
        %select_n3A_680 = arith.select %ge3A_679, %select_n3A_670, %select_n3A_675 : vector<16xi1>, vector<16xf32>
        %select_n3A_681 = arith.select %ge3A_679, %select_n3A_671, %select_n3A_676 : vector<16xi1>, vector<16xi32>
        %select_n3A_682 = arith.select %ge3A_679, %select_n3A_675, %select_n3A_670 : vector<16xi1>, vector<16xf32>
        %select_n3A_683 = arith.select %ge3A_679, %select_n3A_676, %select_n3A_671 : vector<16xi1>, vector<16xi32>
        %masked_sort3A_684 = arith.constant dense<true> : vector<16xi1>
        %masked_sort3A_685, %masked_sort3A_686, %masked_sort3A_687 = tpu.sort %select_n3A_680, %select_n3A_681 masked %masked_sort3A_684 {descending = true} : (vector<16xf32>, vector<16xi32>, vector<16xi1>) -> (vector<16xi1>, vector<16xf32>, vector<16xi32>)
        %masked_sort3A_688 = arith.constant dense<true> : vector<16xi1>
        %masked_sort3A_689, %masked_sort3A_690, %masked_sort3A_691 = tpu.sort %select_n3A_682, %select_n3A_683 masked %masked_sort3A_688 {descending = true} : (vector<16xf32>, vector<16xi32>, vector<16xi1>) -> (vector<16xi1>, vector<16xf32>, vector<16xi32>)
        %ge3A_692 = arith.cmpf oge, %select_n3A_672, %select_n3A_677 : vector<16xf32>
        %select_n3A_693 = arith.select %ge3A_692, %select_n3A_672, %select_n3A_677 : vector<16xi1>, vector<16xf32>
        %select_n3A_694 = arith.select %ge3A_692, %select_n3A_673, %select_n3A_678 : vector<16xi1>, vector<16xi32>
        %select_n3A_695 = arith.select %ge3A_692, %select_n3A_677, %select_n3A_672 : vector<16xi1>, vector<16xf32>
        %select_n3A_696 = arith.select %ge3A_692, %select_n3A_678, %select_n3A_673 : vector<16xi1>, vector<16xi32>
        %masked_sort3A_697 = arith.constant dense<true> : vector<16xi1>
        %masked_sort3A_698, %masked_sort3A_699, %masked_sort3A_700 = tpu.sort %select_n3A_693, %select_n3A_694 masked %masked_sort3A_697 {descending = true} : (vector<16xf32>, vector<16xi32>, vector<16xi1>) -> (vector<16xi1>, vector<16xf32>, vector<16xi32>)
        %masked_sort3A_701 = arith.constant dense<true> : vector<16xi1>
        %masked_sort3A_702, %masked_sort3A_703, %masked_sort3A_704 = tpu.sort %select_n3A_695, %select_n3A_696 masked %masked_sort3A_701 {descending = true} : (vector<16xf32>, vector<16xi32>, vector<16xi1>) -> (vector<16xi1>, vector<16xf32>, vector<16xi32>)
        scf.yield %masked_sort3A_686, %masked_sort3A_690, %masked_sort3A_699, %masked_sort3A_703, %masked_sort3A_687, %masked_sort3A_691, %masked_sort3A_700, %masked_sort3A_704 : vector<16xf32>, vector<16xf32>, vector<16xf32>, vector<16xf32>, vector<16xi32>, vector<16xi32>, vector<16xi32>, vector<16xi32>
      }
      %swap3A_240 = arith.constant 0 : index
      %swap3A_241 = tpu.vector_load %arg7[%swap3A_240] {strides = array<i32>} : memref<64xf32, #tpu.memory_space<vmem>>, vector<16xf32>,
      tpu.vector_store %arg7[%swap3A_240], %while3A_239#0 {strides = array<i32>} : memref<64xf32, #tpu.memory_space<vmem>>, vector<16xf32>,
      %swap3A_242 = arith.constant 16 : index
      %swap3A_243 = tpu.vector_load %arg7[%swap3A_242] {strides = array<i32>} : memref<64xf32, #tpu.memory_space<vmem>>, vector<16xf32>,
      tpu.vector_store %arg7[%swap3A_242], %while3A_239#1 {strides = array<i32>} : memref<64xf32, #tpu.memory_space<vmem>>, vector<16xf32>,
      %swap3A_244 = arith.constant 32 : index
      %swap3A_245 = tpu.vector_load %arg7[%swap3A_244] {strides = array<i32>} : memref<64xf32, #tpu.memory_space<vmem>>, vector<16xf32>,
      tpu.vector_store %arg7[%swap3A_244], %while3A_239#2 {strides = array<i32>} : memref<64xf32, #tpu.memory_space<vmem>>, vector<16xf32>,
      %swap3A_246 = arith.constant 48 : index
      %swap3A_247 = tpu.vector_load %arg7[%swap3A_246] {strides = array<i32>} : memref<64xf32, #tpu.memory_space<vmem>>, vector<16xf32>,
      tpu.vector_store %arg7[%swap3A_246], %while3A_239#3 {strides = array<i32>} : memref<64xf32, #tpu.memory_space<vmem>>, vector<16xf32>,
      %broadcast_in_dim3A_248 = arith.constant 49 : i32
      %broadcast_in_dim3A_249 = vector.broadcast %broadcast_in_dim3A_248 : i32 to vector<16xi32>
      %gather3A_250 = tpu.vector_load_idx %arg7[%broadcast_in_dim3A_249] : memref<64xf32, #tpu.memory_space<vmem>>[vector<16xi32>], vector<16xf32>,
      %broadcast_in_dim3A_251 = arith.constant 0 : i32
      %broadcast_in_dim3A_252 = vector.broadcast %broadcast_in_dim3A_251 : i32 to vector<16xi32>
      %gather3A_253 = tpu.vector_load_idx %arg7[%broadcast_in_dim3A_252] : memref<64xf32, #tpu.memory_space<vmem>>[vector<16xi32>], vector<16xf32>,
      %ge3A_254 = arith.cmpf oge, %while3A_239#0, %gather3A_250 : vector<16xf32>
      %sub3A_255 = arith.subf %while3A_239#0, %gather3A_253 : vector<16xf32>
      %exp3A = math.exp %sub3A_255 : vector<16xf32>
      %jit3A_256 = arith.constant 0.000000e+00 : f32
      %broadcast_in_dim3A_257 = vector.broadcast %jit3A_256 : f32 to vector<16xf32>
      %select_n3A_258 = arith.select %ge3A_254, %exp3A, %broadcast_in_dim3A_257 : vector<16xi1>, vector<16xf32>
      %ge3A_259 = arith.cmpf oge, %while3A_239#1, %gather3A_250 : vector<16xf32>
      %sub3A_260 = arith.subf %while3A_239#1, %gather3A_253 : vector<16xf32>
      %exp3A_261 = math.exp %sub3A_260 : vector<16xf32>
      %jit3A_262 = arith.constant 0.000000e+00 : f32
      %broadcast_in_dim3A_263 = vector.broadcast %jit3A_262 : f32 to vector<16xf32>
      %select_n3A_264 = arith.select %ge3A_259, %exp3A_261, %broadcast_in_dim3A_263 : vector<16xi1>, vector<16xf32>
      %ge3A_265 = arith.cmpf oge, %while3A_239#2, %gather3A_250 : vector<16xf32>
      %sub3A_266 = arith.subf %while3A_239#2, %gather3A_253 : vector<16xf32>
      %exp3A_267 = math.exp %sub3A_266 : vector<16xf32>
      %jit3A_268 = arith.constant 0.000000e+00 : f32
      %broadcast_in_dim3A_269 = vector.broadcast %jit3A_268 : f32 to vector<16xf32>
      %select_n3A_270 = arith.select %ge3A_265, %exp3A_267, %broadcast_in_dim3A_269 : vector<16xi1>, vector<16xf32>
      %ge3A_271 = arith.cmpf oge, %while3A_239#3, %gather3A_250 : vector<16xf32>
      %sub3A_272 = arith.subf %while3A_239#3, %gather3A_253 : vector<16xf32>
      %exp3A_273 = math.exp %sub3A_272 : vector<16xf32>
      %jit3A_274 = arith.constant 0.000000e+00 : f32
      %broadcast_in_dim3A_275 = vector.broadcast %jit3A_274 : f32 to vector<16xf32>
      %select_n3A_276 = arith.select %ge3A_271, %exp3A_273, %broadcast_in_dim3A_275 : vector<16xi1>, vector<16xf32>
      %reduce_sum3A = arith.constant true
      %reduce_sum3A_277 = vector.broadcast %reduce_sum3A : i1 to vector<16xi1>
      %reduce_sum3A_278 = tpu.scan <sum>, %select_n3A_258 masked %reduce_sum3A_277 : vector<16xf32>, vector<16xi1> -> vector<16xf32>
      %reduce_sum3A_279 = vector.extract %reduce_sum3A_278[15] : f32 from vector<16xf32>
      %reduce_sum3A_280 = arith.constant true
      %reduce_sum3A_281 = vector.broadcast %reduce_sum3A_280 : i1 to vector<16xi1>
      %reduce_sum3A_282 = tpu.scan <sum>, %select_n3A_264 masked %reduce_sum3A_281 : vector<16xf32>, vector<16xi1> -> vector<16xf32>
      %reduce_sum3A_283 = vector.extract %reduce_sum3A_282[15] : f32 from vector<16xf32>
      %add3A_284 = arith.addf %reduce_sum3A_279, %reduce_sum3A_283 : f32
      %reduce_sum3A_285 = arith.constant true
      %reduce_sum3A_286 = vector.broadcast %reduce_sum3A_285 : i1 to vector<16xi1>
      %reduce_sum3A_287 = tpu.scan <sum>, %select_n3A_270 masked %reduce_sum3A_286 : vector<16xf32>, vector<16xi1> -> vector<16xf32>
      %reduce_sum3A_288 = vector.extract %reduce_sum3A_287[15] : f32 from vector<16xf32>
      %add3A_289 = arith.addf %add3A_284, %reduce_sum3A_288 : f32
      %reduce_sum3A_290 = arith.constant true
      %reduce_sum3A_291 = vector.broadcast %reduce_sum3A_290 : i1 to vector<16xi1>
      %reduce_sum3A_292 = tpu.scan <sum>, %select_n3A_276 masked %reduce_sum3A_291 : vector<16xf32>, vector<16xi1> -> vector<16xf32>
      %reduce_sum3A_293 = vector.extract %reduce_sum3A_292[15] : f32 from vector<16xf32>
      %add3A_294 = arith.addf %add3A_289, %reduce_sum3A_293 : f32
      %div3A_295 = vector.broadcast %add3A_294 : f32 to vector<16xf32>
      %div3A_296 = arith.divf %select_n3A_258, %div3A_295 : vector<16xf32>
      %div3A_297 = vector.broadcast %add3A_294 : f32 to vector<16xf32>
      %div3A_298 = arith.divf %select_n3A_264, %div3A_297 : vector<16xf32>
      %div3A_299 = vector.broadcast %add3A_294 : f32 to vector<16xf32>
      %div3A_300 = arith.divf %select_n3A_270, %div3A_299 : vector<16xf32>
      %div3A_301 = vector.broadcast %add3A_294 : f32 to vector<16xf32>
      %div3A_302 = arith.divf %select_n3A_276, %div3A_301 : vector<16xf32>
      %reduce_sum3A_303 = arith.constant true
      %reduce_sum3A_304 = vector.broadcast %reduce_sum3A_303 : i1 to vector<16xi1>
      %reduce_sum3A_305 = tpu.scan <sum>, %div3A_296 masked %reduce_sum3A_304 : vector<16xf32>, vector<16xi1> -> vector<16xf32>
      %reduce_sum3A_306 = vector.extract %reduce_sum3A_305[15] : f32 from vector<16xf32>
      %reduce_sum3A_307 = arith.constant true
      %reduce_sum3A_308 = vector.broadcast %reduce_sum3A_307 : i1 to vector<16xi1>
      %reduce_sum3A_309 = tpu.scan <sum>, %div3A_298 masked %reduce_sum3A_308 : vector<16xf32>, vector<16xi1> -> vector<16xf32>
      %reduce_sum3A_310 = vector.extract %reduce_sum3A_309[15] : f32 from vector<16xf32>
      %reduce_sum3A_311 = arith.constant true
      %reduce_sum3A_312 = vector.broadcast %reduce_sum3A_311 : i1 to vector<16xi1>
      %reduce_sum3A_313 = tpu.scan <sum>, %div3A_300 masked %reduce_sum3A_312 : vector<16xf32>, vector<16xi1> -> vector<16xf32>
      %reduce_sum3A_314 = vector.extract %reduce_sum3A_313[15] : f32 from vector<16xf32>
      %reduce_sum3A_315 = arith.constant true
      %reduce_sum3A_316 = vector.broadcast %reduce_sum3A_315 : i1 to vector<16xi1>
      %reduce_sum3A_317 = tpu.scan <sum>, %div3A_302 masked %reduce_sum3A_316 : vector<16xf32>, vector<16xi1> -> vector<16xf32>
      %reduce_sum3A_318 = vector.extract %reduce_sum3A_317[15] : f32 from vector<16xf32>
      %broadcast_in_dim3A_319 = arith.constant true
      %broadcast_in_dim3A_320 = vector.broadcast %broadcast_in_dim3A_319 : i1 to vector<16xi1>
      %masked_cumsum3A = tpu.scan <sum>, %div3A_296 masked %broadcast_in_dim3A_320 : vector<16xf32>, vector<16xi1> -> vector<16xf32>
      %broadcast_in_dim3A_321 = arith.constant true
      %broadcast_in_dim3A_322 = vector.broadcast %broadcast_in_dim3A_321 : i1 to vector<16xi1>
      %masked_cumsum3A_323 = tpu.scan <sum>, %div3A_298 masked %broadcast_in_dim3A_322 : vector<16xf32>, vector<16xi1> -> vector<16xf32>
      %add3A_324 = vector.broadcast %reduce_sum3A_306 : f32 to vector<16xf32>
      %add3A_325 = arith.addf %masked_cumsum3A_323, %add3A_324 : vector<16xf32>
      %broadcast_in_dim3A_326 = arith.constant true
      %broadcast_in_dim3A_327 = vector.broadcast %broadcast_in_dim3A_326 : i1 to vector<16xi1>
      %masked_cumsum3A_328 = tpu.scan <sum>, %div3A_300 masked %broadcast_in_dim3A_327 : vector<16xf32>, vector<16xi1> -> vector<16xf32>
      %add3A_329 = arith.addf %reduce_sum3A_306, %reduce_sum3A_310 : f32
      %add3A_330 = vector.broadcast %add3A_329 : f32 to vector<16xf32>
      %add3A_331 = arith.addf %masked_cumsum3A_328, %add3A_330 : vector<16xf32>
      %broadcast_in_dim3A_332 = arith.constant true
      %broadcast_in_dim3A_333 = vector.broadcast %broadcast_in_dim3A_332 : i1 to vector<16xi1>
      %masked_cumsum3A_334 = tpu.scan <sum>, %div3A_302 masked %broadcast_in_dim3A_333 : vector<16xf32>, vector<16xi1> -> vector<16xf32>
      %add3A_335 = arith.addf %reduce_sum3A_306, %reduce_sum3A_310 : f32
      %add3A_336 = arith.addf %add3A_335, %reduce_sum3A_314 : f32
      %add3A_337 = vector.broadcast %add3A_336 : f32 to vector<16xf32>
      %add3A_338 = arith.addf %masked_cumsum3A_334, %add3A_337 : vector<16xf32>
      %le3A = arith.constant 0.899999976 : f32
      %le3A_339 = vector.broadcast %le3A : f32 to vector<16xf32>
      %le3A_340 = arith.cmpf ole, %masked_cumsum3A, %le3A_339 : vector<16xf32>
      %convert_element_type3A = arith.extui %le3A_340 : vector<16xi1> to vector<16xi32>
      %reduce_sum3A_341 = arith.constant true
      %reduce_sum3A_342 = vector.broadcast %reduce_sum3A_341 : i1 to vector<16xi1>
      %reduce_sum3A_343 = tpu.scan <sum>, %convert_element_type3A masked %reduce_sum3A_342 : vector<16xi32>, vector<16xi1> -> vector<16xi32>
      %reduce_sum3A_344 = vector.extract %reduce_sum3A_343[15] : i32 from vector<16xi32>
      %add3A_345 = arith.constant 0 : i32
      %add3A_346 = arith.addi %add3A_345, %reduce_sum3A_344 : i32
      %le3A_347 = arith.constant 0.899999976 : f32
      %le3A_348 = vector.broadcast %le3A_347 : f32 to vector<16xf32>
      %le3A_349 = arith.cmpf ole, %add3A_325, %le3A_348 : vector<16xf32>
      %convert_element_type3A_350 = arith.extui %le3A_349 : vector<16xi1> to vector<16xi32>
      %reduce_sum3A_351 = arith.constant true
      %reduce_sum3A_352 = vector.broadcast %reduce_sum3A_351 : i1 to vector<16xi1>
      %reduce_sum3A_353 = tpu.scan <sum>, %convert_element_type3A_350 masked %reduce_sum3A_352 : vector<16xi32>, vector<16xi1> -> vector<16xi32>
      %reduce_sum3A_354 = vector.extract %reduce_sum3A_353[15] : i32 from vector<16xi32>
      %add3A_355 = arith.addi %add3A_346, %reduce_sum3A_354 : i32
      %le3A_356 = arith.constant 0.899999976 : f32
      %le3A_357 = vector.broadcast %le3A_356 : f32 to vector<16xf32>
      %le3A_358 = arith.cmpf ole, %add3A_331, %le3A_357 : vector<16xf32>
      %convert_element_type3A_359 = arith.extui %le3A_358 : vector<16xi1> to vector<16xi32>
      %reduce_sum3A_360 = arith.constant true
      %reduce_sum3A_361 = vector.broadcast %reduce_sum3A_360 : i1 to vector<16xi1>
      %reduce_sum3A_362 = tpu.scan <sum>, %convert_element_type3A_359 masked %reduce_sum3A_361 : vector<16xi32>, vector<16xi1> -> vector<16xi32>
      %reduce_sum3A_363 = vector.extract %reduce_sum3A_362[15] : i32 from vector<16xi32>
      %add3A_364 = arith.addi %add3A_355, %reduce_sum3A_363 : i32
      %le3A_365 = arith.constant 0.899999976 : f32
      %le3A_366 = vector.broadcast %le3A_365 : f32 to vector<16xf32>
      %le3A_367 = arith.cmpf ole, %add3A_338, %le3A_366 : vector<16xf32>
      %convert_element_type3A_368 = arith.extui %le3A_367 : vector<16xi1> to vector<16xi32>
      %reduce_sum3A_369 = arith.constant true
      %reduce_sum3A_370 = vector.broadcast %reduce_sum3A_369 : i1 to vector<16xi1>
      %reduce_sum3A_371 = tpu.scan <sum>, %convert_element_type3A_368 masked %reduce_sum3A_370 : vector<16xi32>, vector<16xi1> -> vector<16xi32>
      %reduce_sum3A_372 = vector.extract %reduce_sum3A_371[15] : i32 from vector<16xi32>
      %add3A_373 = arith.addi %add3A_364, %reduce_sum3A_372 : i32
      %add3A_374 = arith.constant 1 : i32
      %add3A_375 = arith.addi %add3A_373, %add3A_374 : i32
      %sub3A_376 = arith.constant 1 : i32
      %sub3A_377 = arith.subi %add3A_375, %sub3A_376 : i32
      %broadcast_in_dim3A_378 = vector.broadcast %sub3A_377 : i32 to vector<16xi32>
      %gather3A_379 = tpu.vector_load_idx %arg7[%broadcast_in_dim3A_378] : memref<64xf32, #tpu.memory_space<vmem>>[vector<16xi32>], vector<16xf32>,
      %gt3A = arith.cmpf ogt, %while3A_239#0, %gather3A_379 : vector<16xf32>
      %convert_element_type3A_380 = arith.extui %gt3A : vector<16xi1> to vector<16xi32>
      %reduce_sum3A_381 = arith.constant true
      %reduce_sum3A_382 = vector.broadcast %reduce_sum3A_381 : i1 to vector<16xi1>
      %reduce_sum3A_383 = tpu.scan <sum>, %convert_element_type3A_380 masked %reduce_sum3A_382 : vector<16xi32>, vector<16xi1> -> vector<16xi32>
      %reduce_sum3A_384 = vector.extract %reduce_sum3A_383[15] : i32 from vector<16xi32>
      %add3A_385 = arith.constant 0 : i32
      %add3A_386 = arith.addi %add3A_385, %reduce_sum3A_384 : i32
      %gt3A_387 = arith.cmpf ogt, %while3A_239#1, %gather3A_379 : vector<16xf32>
      %convert_element_type3A_388 = arith.extui %gt3A_387 : vector<16xi1> to vector<16xi32>
      %reduce_sum3A_389 = arith.constant true
      %reduce_sum3A_390 = vector.broadcast %reduce_sum3A_389 : i1 to vector<16xi1>
      %reduce_sum3A_391 = tpu.scan <sum>, %convert_element_type3A_388 masked %reduce_sum3A_390 : vector<16xi32>, vector<16xi1> -> vector<16xi32>
      %reduce_sum3A_392 = vector.extract %reduce_sum3A_391[15] : i32 from vector<16xi32>
      %add3A_393 = arith.addi %add3A_386, %reduce_sum3A_392 : i32
      %gt3A_394 = arith.cmpf ogt, %while3A_239#2, %gather3A_379 : vector<16xf32>
      %convert_element_type3A_395 = arith.extui %gt3A_394 : vector<16xi1> to vector<16xi32>
      %reduce_sum3A_396 = arith.constant true
      %reduce_sum3A_397 = vector.broadcast %reduce_sum3A_396 : i1 to vector<16xi1>
      %reduce_sum3A_398 = tpu.scan <sum>, %convert_element_type3A_395 masked %reduce_sum3A_397 : vector<16xi32>, vector<16xi1> -> vector<16xi32>
      %reduce_sum3A_399 = vector.extract %reduce_sum3A_398[15] : i32 from vector<16xi32>
      %add3A_400 = arith.addi %add3A_393, %reduce_sum3A_399 : i32
      %gt3A_401 = arith.cmpf ogt, %while3A_239#3, %gather3A_379 : vector<16xf32>
      %convert_element_type3A_402 = arith.extui %gt3A_401 : vector<16xi1> to vector<16xi32>
      %reduce_sum3A_403 = arith.constant true
      %reduce_sum3A_404 = vector.broadcast %reduce_sum3A_403 : i1 to vector<16xi1>
      %reduce_sum3A_405 = tpu.scan <sum>, %convert_element_type3A_402 masked %reduce_sum3A_404 : vector<16xi32>, vector<16xi1> -> vector<16xi32>
      %reduce_sum3A_406 = vector.extract %reduce_sum3A_405[15] : i32 from vector<16xi32>
      %add3A_407 = arith.addi %add3A_400, %reduce_sum3A_406 : i32
      %sub3A_408 = arith.subi %add3A_375, %add3A_407 : i32
      %eq3A = arith.cmpf oeq, %while3A_239#0, %gather3A_379 : vector<16xf32>
      %swap3A_409 = arith.constant 0 : i32
      %swap3A_410 = arith.index_cast %swap3A_409 : i32 to index
      %swap3A_411 = tpu.vector_load %arg8[%swap3A_410] masked %eq3A {strides = array<i32>} : memref<96xi32, #tpu.memory_space<vmem>>, vector<16xi32>, vector<16xi1>
      tpu.vector_store %arg8[%swap3A_410], %while3A_239#4 masked %eq3A {strides = array<i32>} : memref<96xi32, #tpu.memory_space<vmem>>, vector<16xi32>, vector<16xi1>
      %convert_element_type3A_412 = arith.extui %eq3A : vector<16xi1> to vector<16xi32>
      %reduce_sum3A_413 = arith.constant true
      %reduce_sum3A_414 = vector.broadcast %reduce_sum3A_413 : i1 to vector<16xi1>
      %reduce_sum3A_415 = tpu.scan <sum>, %convert_element_type3A_412 masked %reduce_sum3A_414 : vector<16xi32>, vector<16xi1> -> vector<16xi32>
      %reduce_sum3A_416 = vector.extract %reduce_sum3A_415[15] : i32 from vector<16xi32>
      %add3A_417 = arith.constant 0 : i32
      %add3A_418 = arith.addi %add3A_417, %reduce_sum3A_416 : i32
      %eq3A_419 = arith.cmpf oeq, %while3A_239#1, %gather3A_379 : vector<16xf32>
      %swap3A_420 = arith.index_cast %add3A_418 : i32 to index
      %swap3A_421 = tpu.vector_load %arg8[%swap3A_420] masked %eq3A_419 {strides = array<i32>} : memref<96xi32, #tpu.memory_space<vmem>>, vector<16xi32>, vector<16xi1>
      tpu.vector_store %arg8[%swap3A_420], %while3A_239#5 masked %eq3A_419 {strides = array<i32>} : memref<96xi32, #tpu.memory_space<vmem>>, vector<16xi32>, vector<16xi1>
      %convert_element_type3A_422 = arith.extui %eq3A_419 : vector<16xi1> to vector<16xi32>
      %reduce_sum3A_423 = arith.constant true
      %reduce_sum3A_424 = vector.broadcast %reduce_sum3A_423 : i1 to vector<16xi1>
      %reduce_sum3A_425 = tpu.scan <sum>, %convert_element_type3A_422 masked %reduce_sum3A_424 : vector<16xi32>, vector<16xi1> -> vector<16xi32>
      %reduce_sum3A_426 = vector.extract %reduce_sum3A_425[15] : i32 from vector<16xi32>
      %add3A_427 = arith.addi %add3A_418, %reduce_sum3A_426 : i32
      %eq3A_428 = arith.cmpf oeq, %while3A_239#2, %gather3A_379 : vector<16xf32>
      %swap3A_429 = arith.index_cast %add3A_427 : i32 to index
      %swap3A_430 = tpu.vector_load %arg8[%swap3A_429] masked %eq3A_428 {strides = array<i32>} : memref<96xi32, #tpu.memory_space<vmem>>, vector<16xi32>, vector<16xi1>
      tpu.vector_store %arg8[%swap3A_429], %while3A_239#6 masked %eq3A_428 {strides = array<i32>} : memref<96xi32, #tpu.memory_space<vmem>>, vector<16xi32>, vector<16xi1>
      %convert_element_type3A_431 = arith.extui %eq3A_428 : vector<16xi1> to vector<16xi32>
      %reduce_sum3A_432 = arith.constant true
      %reduce_sum3A_433 = vector.broadcast %reduce_sum3A_432 : i1 to vector<16xi1>
      %reduce_sum3A_434 = tpu.scan <sum>, %convert_element_type3A_431 masked %reduce_sum3A_433 : vector<16xi32>, vector<16xi1> -> vector<16xi32>
      %reduce_sum3A_435 = vector.extract %reduce_sum3A_434[15] : i32 from vector<16xi32>
      %add3A_436 = arith.addi %add3A_427, %reduce_sum3A_435 : i32
      %eq3A_437 = arith.cmpf oeq, %while3A_239#3, %gather3A_379 : vector<16xf32>
      %swap3A_438 = arith.index_cast %add3A_436 : i32 to index
      %swap3A_439 = tpu.vector_load %arg8[%swap3A_438] masked %eq3A_437 {strides = array<i32>} : memref<96xi32, #tpu.memory_space<vmem>>, vector<16xi32>, vector<16xi1>
      tpu.vector_store %arg8[%swap3A_438], %while3A_239#7 masked %eq3A_437 {strides = array<i32>} : memref<96xi32, #tpu.memory_space<vmem>>, vector<16xi32>, vector<16xi1>
      %convert_element_type3A_440 = arith.extui %eq3A_437 : vector<16xi1> to vector<16xi32>
      %reduce_sum3A_441 = arith.constant true
      %reduce_sum3A_442 = vector.broadcast %reduce_sum3A_441 : i1 to vector<16xi1>
      %reduce_sum3A_443 = tpu.scan <sum>, %convert_element_type3A_440 masked %reduce_sum3A_442 : vector<16xi32>, vector<16xi1> -> vector<16xi32>
      %reduce_sum3A_444 = vector.extract %reduce_sum3A_443[15] : i32 from vector<16xi32>
      %add3A_445 = arith.addi %add3A_436, %reduce_sum3A_444 : i32
      %broadcast_in_dim3A_446 = arith.constant 2147483647 : i32
      %broadcast_in_dim3A_447 = vector.broadcast %broadcast_in_dim3A_446 : i32 to vector<16xi32>
      %swap3A_448 = arith.index_cast %add3A_445 : i32 to index
      %swap3A_449 = tpu.vector_load %arg8[%swap3A_448] {strides = array<i32>} : memref<96xi32, #tpu.memory_space<vmem>>, vector<16xi32>,
      tpu.vector_store %arg8[%swap3A_448], %broadcast_in_dim3A_447 {strides = array<i32>} : memref<96xi32, #tpu.memory_space<vmem>>, vector<16xi32>,
      %get3A_450 = arith.constant 0 : index
      %get3A_451 = tpu.vector_load %arg8[%get3A_450] {strides = array<i32>} : memref<96xi32, #tpu.memory_space<vmem>>, vector<16xi32>,
      %sort3A = arith.constant dense<true> : vector<16xi1>
      %sort3A_452, %sort3A_453, %sort3A_454 = tpu.sort %get3A_451, %get3A_451 masked %sort3A : (vector<16xi32>, vector<16xi32>, vector<16xi1>) -> (vector<16xi1>, vector<16xi32>, vector<16xi32>)
      %swap3A_455 = arith.constant 0 : index
      %swap3A_456 = tpu.vector_load %arg8[%swap3A_455] {strides = array<i32>} : memref<96xi32, #tpu.memory_space<vmem>>, vector<16xi32>,
      tpu.vector_store %arg8[%swap3A_455], %sort3A_453 {strides = array<i32>} : memref<96xi32, #tpu.memory_space<vmem>>, vector<16xi32>,
      %min3A_457 = arith.constant 16 : i32
      %min3A_458 = arith.minsi %sub3A_408, %min3A_457 : i32
      %sub3A_459 = arith.constant 1 : i32
      %sub3A_460 = arith.subi %min3A_458, %sub3A_459 : i32
      %broadcast_in_dim3A_461 = vector.broadcast %sub3A_460 : i32 to vector<16xi32>
      %gather3A_462 = tpu.vector_load_idx %arg8[%broadcast_in_dim3A_461] : memref<96xi32, #tpu.memory_space<vmem>>[vector<16xi32>], vector<16xi32>,
      %swap3A_463 = arith.constant 0 : index
      %swap3A_464 = tpu.vector_load %arg9[%swap3A_463] {strides = array<i32>} : memref<16xf32, #tpu.memory_space<vmem>>, vector<16xf32>,
      tpu.vector_store %arg9[%swap3A_463], %gather3A_379 {strides = array<i32>} : memref<16xf32, #tpu.memory_space<vmem>>, vector<16xf32>,
      %swap3A_465 = arith.constant 0 : index
      %swap3A_466 = tpu.vector_load %arg10[%swap3A_465] {strides = array<i32>} : memref<16xi32, #tpu.memory_space<vmem>>, vector<16xi32>,
      tpu.vector_store %arg10[%swap3A_465], %gather3A_462 {strides = array<i32>} : memref<16xi32, #tpu.memory_space<vmem>>, vector<16xi32>,
      "tpu.region"() ({
        %run_scoped3A = tpu.sem_alloc : memref<!tpu.dma_semaphore, #tpu.memory_space<semaphore_mem>>
        %dma_start3A = arith.constant 0 : i32
        %dma_start3A_468 = tpu.memref_slice %arg3[%add3A_33, %dma_start3A] : memref<64x16xf32, #tpu.memory_space<hbm>> -> memref<1x16xf32, #tpu.memory_space<hbm>>
        %dma_start3A_469 = tpu.memref_squeeze %dma_start3A_468 : memref<1x16xf32, #tpu.memory_space<hbm>> -> memref<16xf32, #tpu.memory_space<hbm>>
        %dma_start3A_470 = arith.constant 0 : i32
        %dma_start3A_471 = tpu.memref_slice %arg3[%add3A_33, %dma_start3A_470] : memref<64x16xf32, #tpu.memory_space<hbm>> -> memref<1x16xf32, #tpu.memory_space<hbm>>
        %dma_start3A_472 = tpu.memref_squeeze %dma_start3A_471 : memref<1x16xf32, #tpu.memory_space<hbm>> -> memref<16xf32, #tpu.memory_space<hbm>>
        tpu.enqueue_dma source(%arg9 : memref<16xf32, #tpu.memory_space<vmem>>) target(%dma_start3A_472 : memref<16xf32, #tpu.memory_space<hbm>>) target_semaphore(%run_scoped3A : memref<!tpu.dma_semaphore, #tpu.memory_space<semaphore_mem>>)
        %dma_wait3A = arith.constant 0 : i32
        %dma_wait3A_473 = tpu.memref_slice %arg3[%add3A_33, %dma_wait3A] : memref<64x16xf32, #tpu.memory_space<hbm>> -> memref<1x16xf32, #tpu.memory_space<hbm>>
        %dma_wait3A_474 = tpu.memref_squeeze %dma_wait3A_473 : memref<1x16xf32, #tpu.memory_space<hbm>> -> memref<16xf32, #tpu.memory_space<hbm>>
        %dma_wait3A_475 = arith.constant 0 : i32
        %dma_wait3A_476 = tpu.memref_slice %arg3[%add3A_33, %dma_wait3A_475] : memref<64x16xf32, #tpu.memory_space<hbm>> -> memref<1x16xf32, #tpu.memory_space<hbm>>
        %dma_wait3A_477 = tpu.memref_squeeze %dma_wait3A_476 : memref<1x16xf32, #tpu.memory_space<hbm>> -> memref<16xf32, #tpu.memory_space<hbm>>
        tpu.wait_dma2 semaphore(%run_scoped3A : memref<!tpu.dma_semaphore, #tpu.memory_space<semaphore_mem>>) src(%arg9 : memref<16xf32, #tpu.memory_space<vmem>>) dst(%dma_wait3A_477 : memref<16xf32, #tpu.memory_space<hbm>>)
        tpu.yield
      }) : () -> ()
      "tpu.region"() ({
        %run_scoped3A = tpu.sem_alloc : memref<!tpu.dma_semaphore, #tpu.memory_space<semaphore_mem>>
        %dma_start3A = arith.constant 0 : i32
        %dma_start3A_468 = tpu.memref_slice %arg4[%add3A_33, %dma_start3A] : memref<64x16xi32, #tpu.memory_space<hbm>> -> memref<1x16xi32, #tpu.memory_space<hbm>>
        %dma_start3A_469 = tpu.memref_squeeze %dma_start3A_468 : memref<1x16xi32, #tpu.memory_space<hbm>> -> memref<16xi32, #tpu.memory_space<hbm>>
        %dma_start3A_470 = arith.constant 0 : i32
        %dma_start3A_471 = tpu.memref_slice %arg4[%add3A_33, %dma_start3A_470] : memref<64x16xi32, #tpu.memory_space<hbm>> -> memref<1x16xi32, #tpu.memory_space<hbm>>
        %dma_start3A_472 = tpu.memref_squeeze %dma_start3A_471 : memref<1x16xi32, #tpu.memory_space<hbm>> -> memref<16xi32, #tpu.memory_space<hbm>>
        tpu.enqueue_dma source(%arg10 : memref<16xi32, #tpu.memory_space<vmem>>) target(%dma_start3A_472 : memref<16xi32, #tpu.memory_space<hbm>>) target_semaphore(%run_scoped3A : memref<!tpu.dma_semaphore, #tpu.memory_space<semaphore_mem>>)
        %dma_wait3A = arith.constant 0 : i32
        %dma_wait3A_473 = tpu.memref_slice %arg4[%add3A_33, %dma_wait3A] : memref<64x16xi32, #tpu.memory_space<hbm>> -> memref<1x16xi32, #tpu.memory_space<hbm>>
        %dma_wait3A_474 = tpu.memref_squeeze %dma_wait3A_473 : memref<1x16xi32, #tpu.memory_space<hbm>> -> memref<16xi32, #tpu.memory_space<hbm>>
        %dma_wait3A_475 = arith.constant 0 : i32
        %dma_wait3A_476 = tpu.memref_slice %arg4[%add3A_33, %dma_wait3A_475] : memref<64x16xi32, #tpu.memory_space<hbm>> -> memref<1x16xi32, #tpu.memory_space<hbm>>
        %dma_wait3A_477 = tpu.memref_squeeze %dma_wait3A_476 : memref<1x16xi32, #tpu.memory_space<hbm>> -> memref<16xi32, #tpu.memory_space<hbm>>
        tpu.wait_dma2 semaphore(%run_scoped3A : memref<!tpu.dma_semaphore, #tpu.memory_space<semaphore_mem>>) src(%arg10 : memref<16xi32, #tpu.memory_space<vmem>>) dst(%dma_wait3A_477 : memref<16xi32, #tpu.memory_space<hbm>>)
        tpu.yield
      }) : () -> ()
      %scan3A_467 = arith.constant 0 : i32
      scf.yield %scan3A_467 : i32
    }
    %scan3A_28 = arith.constant 2 : i32
    return
  }
}

module attributes {stable_mosaic.version = 14 : i64} {
  func.func @_mask_body(%arg0: i32, %arg1: memref<64x16xf32, #tpu.memory_space<vmem>>, %arg2: memref<64x16xi32, #tpu.memory_space<vmem>>, %arg3: memref<64x6400xf32, #tpu.memory_space<vmem>>, %arg4: memref<64x6400xf32, #tpu.memory_space<vmem>>) attributes {dimension_semantics = [#tpu.dimension_semantics<arbitrary>], iteration_bounds = array<i64: 16>, scalar_prefetch = 0 : i64, scratch_operands = 0 : i64, tpu.core_type = #tpu.core_type<tc>, window_params = [{pipeline_mode = #tpu.pipeline_mode<synchronous>, transform_indices = @transform_0, window_bounds = array<i64: 64, 16>}, {pipeline_mode = #tpu.pipeline_mode<synchronous>, transform_indices = @transform_1, window_bounds = array<i64: 64, 16>}, {transform_indices = @transform_2, window_bounds = array<i64: 64, 6400>}, {transform_indices = @transform_3, window_bounds = array<i64: 64, 6400>}]} {
    %get3A = arith.constant 0 : index
    %get3A_0 = arith.constant 0 : index
    %get3A_1 = vector.load %arg1[%get3A, %get3A_0] : memref<64x16xf32, #tpu.memory_space<vmem>>, vector<64x1xf32>
    %get3A_2 = arith.constant 0 : index
    %get3A_3 = arith.constant 0 : index
    %get3A_4 = vector.load %arg2[%get3A_2, %get3A_3] : memref<64x16xi32, #tpu.memory_space<vmem>>, vector<64x1xi32>
    %get3A_5 = arith.constant 0 : index
    %get3A_6 = arith.constant 0 : index
    %get3A_7 = vector.load %arg3[%get3A_5, %get3A_6] : memref<64x6400xf32, #tpu.memory_space<vmem>>, vector<64x6400xf32>
    %iota3A = tpu.iota {dimensions = array<i32: 1>} : vector<64x6400xi32>
    %mul3A = arith.constant 6400 : i32
    %mul3A_8 = arith.muli %arg0, %mul3A : i32
    %add3A = vector.broadcast %mul3A_8 : i32 to vector<64x6400xi32>
    %add3A_9 = arith.addi %iota3A, %add3A : vector<64x6400xi32>
    %gt3A = vector.broadcast %get3A_1 : vector<64x1xf32> to vector<64x6400xf32>
    %gt3A_10 = arith.cmpf ogt, %get3A_7, %gt3A : vector<64x6400xf32>
    %eq3A = vector.broadcast %get3A_1 : vector<64x1xf32> to vector<64x6400xf32>
    %eq3A_11 = arith.cmpf oeq, %get3A_7, %eq3A : vector<64x6400xf32>
    %le3A = vector.broadcast %get3A_4 : vector<64x1xi32> to vector<64x6400xi32>
    %le3A_12 = arith.cmpi sle, %add3A_9, %le3A : vector<64x6400xi32>
    %and3A = arith.andi %eq3A_11, %le3A_12 : vector<64x6400xi1>
    %or3A = arith.ori %gt3A_10, %and3A : vector<64x6400xi1>
    %jit3A = arith.constant 0xFF800000 : f32
    %broadcast_in_dim3A = vector.broadcast %jit3A : f32 to vector<64x6400xf32>
    %select_n3A = arith.select %or3A, %get3A_7, %broadcast_in_dim3A : vector<64x6400xi1>, vector<64x6400xf32>
    %swap3A = arith.constant 0 : index
    %swap3A_13 = arith.constant 0 : index
    %swap3A_14 = vector.load %arg4[%swap3A, %swap3A_13] : memref<64x6400xf32, #tpu.memory_space<vmem>>, vector<64x6400xf32>
    tpu.vector_store %arg4[%swap3A, %swap3A_13], %select_n3A {strides = array<i32>} : memref<64x6400xf32, #tpu.memory_space<vmem>>, vector<64x6400xf32>,
    return
  }
  func.func @transform_0(%arg0: i32) -> (i32, i32) {
    %c0_i32 = arith.constant 0 : i32
    %c0_i32_0 = arith.constant 0 : i32
    %c0_i32_1 = arith.constant 0 : i32
    return %c0_i32, %c0_i32_0 : i32, i32
  }
  func.func @transform_1(%arg0: i32) -> (i32, i32) {
    %c0_i32 = arith.constant 0 : i32
    %c0_i32_0 = arith.constant 0 : i32
    %c0_i32_1 = arith.constant 0 : i32
    return %c0_i32, %c0_i32_0 : i32, i32
  }
  func.func @transform_2(%arg0: i32) -> (i32, i32) {
    %c0_i32 = arith.constant 0 : i32
    %c0_i32_0 = arith.constant 0 : i32
    return %c0_i32, %arg0 : i32, i32
  }
  func.func @transform_3(%arg0: i32) -> (i32, i32) {
    %c0_i32 = arith.constant 0 : i32
    %c0_i32_0 = arith.constant 0 : i32
    return %c0_i32, %arg0 : i32, i32
  }
}

</mosaic_0001>

<sc_bundles>
// kernel: kernel.4.cloned.1.call-start
scs
__scs_entry_jumppad:
0x0: {  	(pc) =	sbr.rel $0x88, $3  }
0x1: {  	(tag) =	ssettag $0x0;
	lr =	simm.s32 $0x1  }
0x2: {  	[smem:$0x3FA0] =	sst lr;
	_ =	strace $0xD0000000  }
0x3: {  	_ = 	snop  }
0x4: {  	_ = 	snop  }
0x5: {  	_ = 	snop  }
0x6: {  	_ = 	snop  }
0x7: {  	_ = 	snop  }
__scs_overlays_trampoline_lowered:
0x8: {  	[smem:$0x3FAF] =	sst s0  }
0x9: {  	[smem:$0x3FB0] =	sst s1  }
0xa: {  	[smem:$0x3FB1] =	sst s2  }
0xb: {  	[smem:$0x3FB2] =	sst s3  }
0xc: {  	[smem:$0x3FB3] =	sst s4  }
0xd: {  	[smem:$0x3FB4] =	sst s5  }
0xe: {  	[smem:$0x3FB5] =	sst s6  }
0xf: {  	[smem:$0x3FB6] =	sst s7  }
0x10: {  	[smem:$0x3FB7] =	sst s8  }
0x11: {  	[smem:$0x3FB8] =	sst s9;
	s0 =	simm.s32 @!p0 $0x0  }
0x12: {  	s1 =	sld [smem:$0x3F9E];
	s0 =	simm.s32 @p0 $0x1  }
0x13: {  	[smem:$0x3FB9] =	sst s0;
	s0 =	simm.s32 @!p1 $0x0  }
0x14: {  	s2 =	sld [smem:$0x3F9D];
	s0 =	simm.s32 @p1 $0x1  }
0x15: {  	[smem:$0x3FBA] =	sst s0;
	s0 =	simm.s32 @!p2 $0x0  }
0x16: {  	s3 =	sld [smem:$0x3FDB];
	s0 =	simm.s32 @p2 $0x1  }
0x17: {  	s4 =	simm.s32 $0x1BF5;
	[smem:$0x3FBC] =	sst s0  }
0x18: {  	s0 =	sld [smem:$0x3F9F];
	_ =	swait.ge [sflag:s4], $0x0  }
0x19: {  	s7 =	sld [smem:$0x3FA0]  }
0x1a: {  	s8 =	sadd.s32 $0xFFFFE003, lr  }
0x1b: {  	s9 =	sadd.s32 $0xFFFFFEF7, lr;
	s5 =	simm.s32 $0xFFFFFFFF;
	p2 =	slt.u32 s8, $0xFFFFF086  }
0x1c: {  	p1 =	slt.u32 s9, $0xF7A;
	s5 =	simm.s32 @!p2 $0x0  }
0x1d: {  	s5 =	simm.s32 @p1 $0x1;
	p0 =	seq.s32 s7, s2  }
0x1e: {  	s7 =	smul.u32 @!p0 $0xF7A, s2;
	p2 =	seq.s32 @!p0 s5, $0x0  }
0x1f: {  	s9 =	smul.u32 $0xF7A, s1;
	s8 =	simm.s32 @!p0 $0x1BF5;
	p2 =	por !p2, p0  }
0x20: {  	[sflag:s8] =	ssyncset.s32 @!p0 $0xFFFFF086;
	s6 =	sadd.s32 @!p0 s3, s7;
	s7 =	simm.s32 @!p0 $0x108  }
0x21: {  	s3 =	sadd.s32 s3, s9;
	s6 =	sadd.s32 @!p0 $0x88, s6;
	s7 =	simm.s32 @p2 $0x1082  }
0x22: {  	[simem:s7], [sflag:s8] =	dma.local @!p0 [hbm:s6], $0xF7A  }
0x23: {  	s9 =	sor.u32 $0xD0000000, s2;
	s6 =	simm.s32 $0x108;
	_ =	swait.ge @!p0 [sflag:s8], $0x0  }
0x24: {  	s3 =	sadd.s32 $0x88, s3;
	s6 =	simm.s32 @!p1 $0x1082;
	[sflag:s4] =	ssyncset.s32 $0xFFFFF086  }
0x25: {  	[simem:s6], [sflag:s4] =	dma.local [hbm:s3], $0xF7A  }
0x26: {  	[smem:$0x3FA0] =	sst s1;
	(tag) =	ssettag s2;
	_ =	strace s9  }
0x27: {  	s1 =	sld [smem:$0x3FB0]  }
0x28: {  	s2 =	sld [smem:$0x3FB1]  }
0x29: {  	s4 =	sld [smem:$0x3FB3]  }
0x2a: {  	p0 =	seq.s32 s5, $0x0;
	s5 =	sld [smem:$0x3FB4]  }
0x2b: {  	s6 =	sld [smem:$0x3FB5]  }
0x2c: {  	s7 =	sld [smem:$0x3FB6]  }
0x2d: {  	s3 =	simm.s32 $0x108;
	s8 =	sld [smem:$0x3FB7]  }
0x2e: {  	s3 =	simm.s32 @!p0 $0x1082;
	s9 =	sld [smem:$0x3FB8]  }
0x2f: {  	lr =	sadd.s32 s0, s3;
	s0 =	sld [smem:$0x3FAF]  }
0x30: {  	s3 =	sld [smem:$0x3FB2]  }
0x31: {  	[smem:$0x3FBB] =	sst s10  }
0x32: {  	s10 =	sld [smem:$0x3FB9];
	_ =	sdelay $0x3  }
0x33: {  	p0 =	seq.s32 s10, $0x1;
	s10 =	sld [smem:$0x3FBB];
	_ =	sdelay $0x3  }
0x34: {  	[smem:$0x3FBB] =	sst s10  }
0x35: {  	s10 =	sld [smem:$0x3FBA];
	_ =	sdelay $0x3  }
0x36: {  	p1 =	seq.s32 s10, $0x1;
	s10 =	sld [smem:$0x3FBB];
	_ =	sdelay $0x3  }
0x37: {  	[smem:$0x3FBB] =	sst s10  }
0x38: {  	s10 =	sld [smem:$0x3FBC]  }
0x39: {  	_ = 	snop;
	(pc) =	sbr.ind lr, $3  }
0x3a: {  	_ = 	snop  }
0x3b: {  	_ = 	snop  }
0x3c: {  	p2 =	seq.s32 s10, $0x1;
	s10 =	sld [smem:$0x3FBB]  }
0x3d: {  	_ =	shalt  }
0x3e: {  	_ =	shalt  }
0x3f: {  	_ =	shalt  }
0x40: {  	_ =	shalt  }
0x41: {  	_ =	shalt  }
0x42: {  	_ =	shalt  }
0x43: {  	_ =	shalt  }
0x44: {  	_ =	shalt  }
0x45: {  	_ =	shalt  }
0x46: {  	_ =	shalt  }
0x47: {  	_ =	shalt  }
0x48: {  	_ =	shalt  }
0x49: {  	_ =	shalt  }
0x4a: {  	_ =	shalt  }
0x4b: {  	_ =	shalt  }
0x4c: {  	_ =	shalt  }
0x4d: {  	_ =	shalt  }
0x4e: {  	_ =	shalt  }
0x4f: {  	_ =	shalt  }
0x50: {  	_ =	shalt  }
0x51: {  	_ =	shalt  }
0x52: {  	_ =	shalt  }
0x53: {  	_ =	shalt  }
0x54: {  	_ =	shalt  }
0x55: {  	_ =	shalt  }
0x56: {  	_ =	shalt  }
0x57: {  	_ =	shalt  }
0x58: {  	_ =	shalt  }
0x59: {  	_ =	shalt  }
0x5a: {  	_ =	shalt  }
0x5b: {  	_ =	shalt  }
0x5c: {  	_ =	shalt  }
0x5d: {  	_ =	shalt  }
0x5e: {  	_ =	shalt  }
0x5f: {  	_ =	shalt  }
0x60: {  	_ =	shalt  }
0x61: {  	_ =	shalt  }
0x62: {  	_ =	shalt  }
0x63: {  	_ =	shalt  }
0x64: {  	_ =	shalt  }
0x65: {  	_ =	shalt  }
0x66: {  	_ =	shalt  }
0x67: {  	_ =	shalt  }
0x68: {  	_ =	shalt  }
0x69: {  	_ =	shalt  }
0x6a: {  	_ =	shalt  }
0x6b: {  	_ =	shalt  }
0x6c: {  	_ =	shalt  }
0x6d: {  	_ =	shalt  }
0x6e: {  	_ =	shalt  }
0x6f: {  	_ =	shalt  }
0x70: {  	_ =	shalt  }
0x71: {  	_ =	shalt  }
0x72: {  	_ =	shalt  }
0x73: {  	_ =	shalt  }
0x74: {  	_ =	shalt  }
0x75: {  	_ =	shalt  }
0x76: {  	_ =	shalt  }
0x77: {  	_ =	shalt  }
0x78: {  	_ =	shalt  }
0x79: {  	_ =	shalt  }
0x7a: {  	_ =	shalt  }
0x7b: {  	_ =	shalt  }
0x7c: {  	_ =	shalt  }
0x7d: {  	_ =	shalt  }
0x7e: {  	_ =	shalt  }
0x7f: {  	_ =	shalt  }
0x80: {  	_ =	shalt  }
0x81: {  	_ =	shalt  }
0x82: {  	_ =	shalt  }
0x83: {  	_ =	shalt  }
0x84: {  	_ =	shalt  }
0x85: {  	_ =	shalt  }
0x86: {  	_ =	shalt  }
0x87: {  	_ =	shalt  }
.Lfunc_end0:
.L_simem_size_0:
called_computation_lowered:
.L_overlay_start_0:
0x88: {  	s2 =	sld [smem:$0x3FD9]  }
0x89: {  	s3 =	sld [smem:$0x3FFE];
	_ =	sdelay $0x1  }
0x8a: {  	s1 =	srdreg.scid  }
0x8b: {  	s0 =	sand.u32 $0x1, s1  }
0x8c: {  	s17 =	sshll.u32 s0, $0xA;
	s2 =	sadd.s32 s3, s2  }
0x8d: {  	s2 =	sadd.s32 s2, s17  }
0x8e: {  	[smem:$0x3FC7] =	sst s2  }
0x8f: {  	_ = 	snop  }
0x90: {  	s2 =	sld [smem:$0x3FD0];
	(tm) =	ssettm $0x1  }
0x91: {  	s18 =	sld [smem:$0x3FFB];
	_ =	sdelay $0x3  }
0x92: {  	_ =	strace s18  }
0x93: {  	s3 =	sld [smem:$0x3FFC];
	_ =	sdelay $0x3  }
0x94: {  	_ =	strace s3  }
0x95: {  	s3 =	sld [smem:$0x3FFD];
	_ =	sdelay $0x3  }
0x96: {  	_ =	strace s3  }
0x97: {  	_ =	strace $0x8FFFFFFF  }
0x98: {  	s19 =	sld [smem:$0x3FDB];
	_ =	sdelay $0x1  }
0x99: {  	s4 =	simm.s32 $_scs_section_size  }
0x9a: {  	s5 =	simm.s32 $_size__tile_overlayer_lowered;
	s6 =	simm.s32 $_tile_overlayer_lowered  }
0x9b: {  	s22 =	simm.s32 $0x1BFF;
	s21 =	sshll.u32 s6, $0x1;
	s3 =	sadd.s32 s4, s19  }
0x9c: {  	s7 =	simm.s32 $0x0;
	s20 =	sshll.u32 s5, $0x1;
	s5 =	sadd.s32 s21, s3  }
0x9d: {  	[timem:s7], [sflag:s22] =	dma.local [hbm:s5], s20  }
0x9e: {  	_ =	swait.ge [sflag:s22], s20  }
0x9f: {  	s4 =	ssub.s32 $0x0, s20;
	[sflag:s22] =	ssyncset.done $0x0  }
0xa0: {  	[sflag:s22] =	ssyncadd.s32 s4;
	_ =	sdelay $0x1  }
0xa1: {  	s23 =	simm.s32 $0x1B8B  }
0xa2: {  	_ =	swait.ge [sflag:s23], $0x1  }
0xa3: {  	[sflag:s23] =	ssyncset.done $0x0  }
0xa4: {  	s25 =	simm.s32 $0x1B8E;
	s24 =	sld [smem:$0x3FFE];
	[sflag:s23] =	ssyncadd.s32 $0xFFFFFFFF  }
0xa5: {  	s26 =	simm.s32 $execute0_lowered;
	[smem:$0x3FD2] =	sst s25  }
0xa6: {  	s5 =	sshll.u32 s26, $0x1;
	_ =	strace $0x80000046;
	[dreg:$0x1] =	wrdreg $0xFFFFFFFF  }
0xa7: {  	s28 =	simm.s32 $_size_execute0_lowered;
	s3 =	sadd.s32 s3, s5;
	[dreg:$0x0] =	wrdreg $0x0  }
0xa8: {  	s5 =	sshll.u32 s28, $0x1;
	[dreg:$0x2] =	wrdreg s3  }
0xa9: {  	[dreg:$0x3] =	wrdreg s5  }
0xaa: {  	[dreg:$0x4] =	wrdreg $0xC0  }
0xab: {  	_ =	task [dreg:s7], $0x5FFFF  }
0xac: {  	[dreg:$0x1] =	wrdreg $0xFFFFFFFF  }
0xad: {  	[dreg:$0x0] =	wrdreg $0x60  }
0xae: {  	[dreg:$0x2] =	wrdreg s2  }
0xaf: {  	[dreg:$0x3] =	wrdreg s24  }
0xb0: {  	[dreg:$0x4] =	wrdreg $0x9  }
0xb1: {  	_ =	task.clear_ibuf [dreg:s7], $0x5FFFF;
	_ =	strace $0x90000046  }
0xb2: {  	s29 =	simm.s32 $0x9;
	_ =	strace $0x80000048  }
0xb3: {  	_ =	swait.ge [sflag:s29], $0x1  }
0xb4: {  	[sflag:s29] =	ssyncadd.s32 $0xFFFFFFFF  }
0xb5: {  	_ =	strace $0x90000048  }
0xb6: {  	_ =	sfence  }
0xb7: {  	s30 =	sld [smem:$0x0];
	_ =	sdelay $0x2  }
0xb8: {  	s31 =	sshll.u32 s1, $0xD;
	s1 =	sshrl.u32 s1, $0x2  }
0xb9: {  	s3 =	sand.u32 $0x4000, s31;
	s1 =	sadd.s32 s1, s30  }
0xba: {  	s0 =	sor.u32 s3, s0;
	s1 =	sshll.u32 s1, $0x11  }
0xbb: {  	s0 =	sor.u32 s1, s0  }
0xbc: {  	s0 =	sadd.s32 $0x8F2B, s0  }
0xbd: {  	[sflag:s0] =	ssyncadd.remote.s32 $0x1  }
0xbe: {  	_ =	sfence.sel $0xFFFF  }
0xbf: {  	[dreg:$0x0] =	wrdreg $0xFFFFFFFF;
	(pc) =	sbr.abs _section_cstart, $3  }
0xc0: {  	[dreg:$0x1] =	wrdreg $0xFFFFFFFF  }
0xc1: {  	_ =	task.clear_ibuf [dreg:s7], $0x2FFFF;
	_ =	strace $0x9FFFFFFF  }
0xc2: {  	(tm) =	ssettm $0x7FFFFFFF  }
0xc3: {  	_ =	shalt  }
tec
execute0_lowered:
.L_overlay_start_1:
0x0: {  	(tag) =	ssettag $0x1  }
0x1: {  	s1 =	rddreg [dreg:$0x0]  }
0x2: {  	s4 =	rddreg [dreg:$0x1];
	s3 =	srdreg.scid  }
0x3: {  	s0 =	rddreg [dreg:$0x2];
	s2 =	simm.s32 $0x0;
	s9 =	simm.s32 $0x1  }
0x4: {  	s10 =	simm.s32 $0x18700;
	s11 =	simm.s32 $0x19780;
	s12 =	simm.s32 $0x197C0  }
.Ltmp0:
0x5: {  	s13 =	simm.s32 $0x19820;
	s3 =	sand.u32 $0x1, s3;
	(pc) =	sbr.rel .LBB2_1-.Ltmp0, $4  }
0x6: {  	v0 =	vlaneseq.u32;
	s14 =	simm.s32 $0x19830;
	s15 =	simm.s32 $0x0;
	s7 =	ssub.s32 $0x2, s3  }
0x7: {  	[smem:$0x7FF] =	sst s2;
	s5 =	sadd.s32 $0xA00, s4;
	v3 =	vmul.u32 $0xFFFFFFFF, v0;
	s8 =	sshrl.u32 s7, $0x1  }
0x8: {  	v1 =	vimm.s32 $0x186A0;
	v2 =	vimm.s32 $0x0;
	v4 =	vimm.s32 $0x31;
	s6 =	sadd.s32 $0x800, s4;
	s4 =	stileid.u32;
	s8 =	ssub.s32 s7, s8  }
0x9: {  	v5 =	vimm.s32 $0x7FFFFFFF;
	v0 =	vimm.f32 $-Inf;
	_ =	strace $0x80000047;
	v3 =	vadd.s32 $0xF, v3;
	s7 =	sshll.u32 s4, $0x1;
	s8 =	smax.u32 s8, $0x1  }
.LBB2_20:
0xa: {  	s15 =	sadd.s32 $0x1, s15  }
0xb: {  	p0 =	sne.s32 s15, s8  }
.Ltmp1:
0xc: {  	_ = 	snop;
	(pc) =	sbr.rel @!p0 .LBB2_21-.Ltmp1, $1  }
0xd: {  	_ =	sdelay $0x3  }
.LBB2_1:
0xe: {  	[tilespmem:$0x186A0] =	vst v0  }
.Ltmp2:
0xf: {  	[tilespmem:$0x186B0] =	vst v0;
	(pc) =	sbr.rel .LBB2_2-.Ltmp2, $4  }
0x10: {  	[tilespmem:$0x186C0] =	vst v0  }
0x11: {  	[tilespmem:$0x186D0] =	vst v0  }
0x12: {  	[tilespmem:$0x186E0] =	vst v0  }
0x13: {  	[tilespmem:$0x186F0] =	vst v0;
	p1 =	por $0x1, $0x1;
	s16 =	simm.s32 $0x0  }
.LBB2_10:
0x14: {  	v32 =	vmovc v7;
	v34 =	vmovc v8;
	v39 =	vmov v10;
	v35 =	vmov v13;
	v41 =	vmov v6  }
.LBB2_18:
0x15: {  	_ = 	snop  }
0x16: {  	(xrf1) =	vsort.dscd.msk.f32 @p2 $0xffff, v26, v24  }
0x17: {  	v26 =	vsel @p3 vm0, v32, v27;
	vm2 =	vge.f32 @p3 v36, v40;
	v27 =	vsel @p3 vm1, v34, v31  }
0x18: {  	vm1 =	vge.f32 @p3 v39, v37;
	v31 =	vsel @p3 vm2, v40, v36;
	v32 =	vsel @p3 vm2, v36, v40  }
0x19: {  	v50 =	vld.idx.msk [tilespmem:v21+s2+$0x0], $0xffff;
	(xrf1) =	vsort.dscd.msk.f32 $0xffff, v28, v19;
	v19 =	vsel @p3 vm0, v35, v29;
	v28 =	vsel @p3 vm1, v39, v37  }
0x1a: {  	v29 =	vsel @p3 vm2, v27, v38;
	(xrf1) =	vsort.dscd.msk.f32 $0xffff, v18, v25;
	vm0 =	vge.f32 @p3 v19, v28  }
0x1b: {  	v18 =	vsel @p3 vm1, v41, v33;
	(xrf1) =	vsort.dscd.msk.f32 $0xffff, v30, v20;
	v20 =	vsel @p3 vm0, v19, v28  }
0x1c: {  	v27 =	vsel @p3 vm2, v38, v27;
	v25 =	vsel @p3 vm0, v26, v18;
	vm1 =	vge.f32 @p3 v32, v20  }
0x1d: {  	v30 =	vsel @p3 vm1, v20, v32;
	v33 =	vsel @p3 vm1, v25, v29;
	v25 =	vsel @p3 vm1, v29, v25  }
0x1e: {  	v19 =	vsel @p3 vm0, v28, v19;
	(xrf1) =	vsort.dscd.msk.f32 $0xffff, v50, v21;
	v21, v24, _ =	vpop @p1 (xrf1);
	v20 =	vsel @p3 vm1, v32, v20  }
0x1f: {  	v18 =	vsel @p3 vm0, v18, v26;
	vm0 =	vge.f32 @p3 v31, v19;
	v34, v35, _ =	vpop @p1 (xrf1);
	(xrf1) =	vsort.dscd.msk.f32 @p3 $0xffff, v30, v33  }
0x20: {  	v21 =	vperm.xlane @p1 v21, v3;
	v29 =	vperm.xlane @p1 v34, v3;
	(xrf1) =	vsort.dscd.msk.f32 @p3 $0xffff, v20, v25;
	v30, v32, _ =	vpop @p1 (xrf1)  }
0x21: {  	(xrf1) =	vsort.dscd.msk.f32 @p2 $0xffff, v22, v23;
	v22 =	vperm.xlane @p1 v24, v3;
	v23 =	vsel @p3 vm0, v18, v27;
	v20, v25, _ =	vpop @p1 (xrf1)  }
0x22: {  	v18 =	vsel @p3 vm0, v27, v18;
	v27 =	vperm.xlane @p1 v35, v3;
	vm1 =	vge.f32 @p1 v20, v21  }
0x23: {  	v24 =	vsel @p1 vm1, v20, v21;
	v20 =	vsel @p1 vm1, v21, v20;
	v21 =	vsel @p3 vm0, v19, v31  }
0x24: {  	v26 =	vsel @p1 vm1, v25, v22;
	v19 =	vsel @p3 vm0, v31, v19;
	vm0 =	vge.f32 @p1 v30, v29  }
0x25: {  	v22 =	vsel @p1 vm1, v22, v25;
	(xrf1) =	vsort.dscd.msk.f32 @p3 $0xffff, v21, v23;
	v31 =	vsel @p1 vm0, v30, v29  }
0x26: {  	v25, v28, _ =	vpop @p2 (xrf1);
	v29 =	vsel @p1 vm0, v29, v30;
	v34 =	vsel @p1 vm0, v32, v27;
	v27 =	vsel @p1 vm0, v27, v32  }
0x27: {  	v25 =	vperm.xlane @p2 v25, v3;
	v28 =	vperm.xlane @p2 v28, v3;
	vm0 =	vge.f32 @p1 v24, v31  }
0x28: {  	(xrf1) =	vsort.dscd.msk.f32 @p3 $0xffff, v19, v18;
	vm2 =	vge.f32 @p1 v20, v29;
	v36 =	vsel @p1 vm0, v24, v31  }
0x29: {  	v21, v23, _ =	vpop @p2 (xrf1);
	v37 =	vsel @p1 vm0, v34, v26;
	v26 =	vsel @p1 vm0, v26, v34;
	v24 =	vsel @p1 vm0, v31, v24  }
0x2a: {  	v44 =	vsel @p1 vm2, v22, v27;
	v40 =	vsel @p1 vm2, v20, v29;
	v22 =	vsel @p1 vm2, v27, v22  }
0x2b: {  	v20 =	vsel @p1 vm2, v29, v20;
	v18 =	vperm.xlane @p2 v21, v3;
	v23 =	vperm.xlane @p2 v23, v3;
	v19, v21, _ =	vpop @p2 (xrf1)  }
0x2c: {  	v17 =	vpsel p1, v24, v17;
	v15 =	vpsel p1, v37, v15;
	v14 =	vpsel p1, v36, v14;
	v52, v51, _ =	vpop (xrf1)  }
0x2d: {  	v16 =	vpsel p1, v26, v16;
	v21 =	vperm.xlane @p2 v21, v3;
	v30 =	vperm.xlane v52, v3;
	v55, v54, _ =	vpop (xrf1)  }
0x2e: {  	v19 =	vperm.xlane @p2 v19, v3;
	v23 =	vpsel p2, v23, v0;
	v53 =	vperm.xlane v51, v3;
	v57, v56, _ =	vpop (xrf1)  }
0x2f: {  	vm4 =	vge.f32 v55, v30;
	v59, v58, _ =	vpop (xrf1);
	v38 =	vperm.xlane v57, v3;
	v39 =	vperm.xlane v56, v3  }
0x30: {  	v60 =	vsel vm4, v55, v30;
	v61 =	vsel vm4, v54, v53;
	v42, v43, _ =	vpop @p3 (xrf1);
	v30 =	vsel vm4, v30, v55  }
0x31: {  	v32 =	vsel vm4, v53, v54;
	v33 =	vpsel p3, v42, v13;
	vm3 =	vge.f32 v59, v38  }
0x32: {  	(xrf1) =	vsort.dscd.msk.f32 $0xffff, v30, v32;
	v62 =	vsel vm3, v58, v39;
	v39 =	vsel vm3, v39, v58  }
0x33: {  	vm1 =	vge.f32 @p2 v33, v25;
	v35, v42, _ =	vpop @p3 (xrf1);
	(xrf1) =	vsort.dscd.msk.f32 $0xffff, v60, v61;
	v63 =	vsel vm3, v38, v59  }
0x34: {  	v34 =	vsel vm3, v59, v38;
	v25 =	vpsel p2, v25, v0;
	v30 =	vpsel p3, v35, v12  }
0x35: {  	v24 =	vpsel p3, v42, v8;
	vm0 =	vge.f32 @p2 v30, v18;
	v31, v35, _ =	vpop @p2 (xrf1);
	(xrf1) =	vsort.dscd.msk.f32 $0xffff, v63, v39  }
0x36: {  	v35 =	vperm.xlane @p2 v35, v3;
	v18 =	vsel @p2 vm0, v30, v18;
	v38, v39, _ =	vpop @p3 (xrf1);
	(xrf1) =	vsort.dscd.msk.f32 $0xffff, v34, v62  }
0x37: {  	v31 =	vperm.xlane @p2 v31, v3;
	v18 =	vpsel p2, v18, v0;
	v27, v32, _ =	vpop @p3 (xrf1);
	(xrf1) =	vsort.dscd.msk.f32 @p1 $0xffff, v40, v44  }
0x38: {  	v30 =	vpsel p2, v35, v0;
	v27 =	vpsel p3, v27, v11;
	v29 =	vpsel p3, v32, v9  }
0x39: {  	vm1 =	vmmov @p2 vm1;
	(xrf1) =	vsort.dscd.msk.f32 @p1 $0xffff, v20, v22;
	v20 =	vpsel p3, v43, v7;
	v22 =	vpsel p2, v28, v0  }
0x3a: {  	vm0 =	vmmov @p2 vm0;
	v28 =	vpsel p2, v31, v0;
	vm2 =	vge.f32 @p2 v27, v19;
	(xrf1) =	vsort.dscd.msk.f32 @p1 $0xffff, v17, v15  }
0x3b: {  	v15 =	vsel @p2 vm1, v20, v22;
	v17 =	vsel @p2 vm0, v24, v23;
	v20 =	vsel @p2 vm1, v33, v25  }
0x3c: {  	v19 =	vsel @p2 vm2, v27, v19;
	v21 =	vsel @p2 vm2, v29, v21;
	v27 =	vpsel p3, v38, v10  }
0x3d: {  	v29 =	vpsel p3, v39, v6;
	v19 =	vpsel p2, v19, v0;
	vm3 =	vge.f32 @p2 v27, v28  }
0x3e: {  	v21 =	vpsel p2, v21, v0;
	vm2 =	vge.f32 @p2 v18, v19;
	v22 =	vsel @p2 vm3, v27, v28  }
0x3f: {  	v24 =	vsel @p2 vm3, v29, v30;
	v23 =	vsel @p2 vm2, v19, v18;
	vm0 =	vge.f32 @p2 v20, v22  }
0x40: {  	v18 =	vsel @p2 vm2, v18, v19;
	v19 =	vsel @p2 vm2, v17, v21;
	v25 =	vsel @p2 vm0, v20, v22  }
0x41: {  	v17 =	vsel @p2 vm2, v21, v17;
	v26 =	vsel @p2 vm0, v15, v24;
	vm1 =	vge.f32 @p2 v18, v25  }
0x42: {  	v21 =	vsel @p2 vm1, v18, v25;
	v18 =	vsel @p2 vm1, v25, v18;
	v25 =	vsel @p2 vm1, v26, v19  }
0x43: {  	v19 =	vsel @p2 vm1, v19, v26;
	(xrf1) =	vsort.dscd.msk.f32 @p2 $0xffff, v18, v25;
	v18 =	vsel @p2 vm0, v22, v20  }
0x44: {  	v15 =	vsel @p2 vm0, v24, v15;
	(xrf1) =	vsort.dscd.msk.f32 @p2 $0xffff, v21, v19;
	vm0 =	vge.f32 @p2 v23, v18  }
0x45: {  	(xrf1) =	vsort.dscd.msk.f32 @p1 $0xffff, v14, v16;
	v16 =	vsel @p2 vm0, v18, v23  }
0x46: {  	v14 =	vsel @p2 vm0, v15, v17;
	v15 =	vsel @p2 vm0, v17, v15;
	v17 =	vsel @p2 vm0, v23, v18;
	_ =	sdelay $0x2  }
0x47: {  	(xrf1) =	vsort.dscd.msk.f32 @p2 $0xffff, v16, v14;
	v14, v16, _ =	vpop (xrf1)  }
0x48: {  	(xrf1) =	vsort.dscd.msk.f32 @p2 $0xffff, v17, v15;
	v15, v17, _ =	vpop (xrf1)  }
0x49: {  	v14 =	vperm.xlane v14, v3;
	v46, v45, _ =	vpop (xrf1)  }
0x4a: {  	v15 =	vperm.xlane v15, v3;
	v47, v48, _ =	vpop (xrf1)  }
0x4b: {  	v16 =	vperm.xlane v16, v3;
	v17 =	vperm.xlane v17, v3;
	vm5 =	vge.f32 v47, v14  }
0x4c: {  	vm6 =	vge.f32 v46, v15;
	v49 =	vsel vm5, v47, v14;
	v14 =	vsel vm5, v14, v47  }
0x4d: {  	v22, v23, _ =	vpop @p1 (xrf1);
	v50 =	vsel vm5, v48, v16;
	v16 =	vsel vm5, v16, v48;
	v51 =	vsel vm6, v46, v15  }
0x4e: {  	v21, v25, _ =	vpop @p1 (xrf1);
	v15 =	vsel vm6, v15, v46;
	v52 =	vsel vm6, v45, v17;
	v22 =	vperm.xlane @p1 v22, v3  }
0x4f: {  	v17 =	vsel vm6, v17, v45;
	v23 =	vperm.xlane @p1 v23, v3;
	v21 =	vperm.xlane @p1 v21, v3  }
0x50: {  	v26, v27, _ =	vpop @p1 (xrf1);
	vm7 =	vge.f32 v49, v51;
	vm8 =	vge.f32 v14, v15;
	v25 =	vperm.xlane @p1 v25, v3  }
0x51: {  	v18 =	vperm.xlane @p1 v27, v3;
	v54 =	vsel vm7, v52, v50;
	v24 =	vsel vm7, v51, v49;
	v30, v31, _ =	vpop @p2 (xrf1)  }
0x52: {  	v55 =	vsel vm8, v16, v17;
	v56 =	vsel vm8, v14, v15;
	v26 =	vperm.xlane @p1 v26, v3;
	v27, v28, _ =	vpop @p2 (xrf1)  }
0x53: {  	v16 =	vsel vm8, v17, v16;
	v30 =	vpsel p2, v30, v13;
	v27 =	vpsel p2, v27, v12  }
0x54: {  	v14 =	vsel vm8, v15, v14;
	v33, v34, _ =	vpop @p1 (xrf1);
	vm1 =	vge.f32 @p1 v30, v22;
	vm2 =	vge.f32 @p1 v27, v21  }
0x55: {  	v22 =	vpsel p1, v22, v0;
	v35, v36, _ =	vpop @p2 (xrf1);
	v34 =	vperm.xlane @p1 v34, v3;
	v15 =	vsel @p1 vm2, v27, v21  }
0x56: {  	v32 =	vperm.xlane @p1 v33, v3;
	v27 =	vpsel p2, v36, v6;
	v15 =	vpsel p1, v15, v0;
	v38, v39, _ =	vpop @p2 (xrf1)  }
0x57: {  	(xrf1) =	vsort.dscd.msk.f32 $0xffff, v56, v55;
	v17 =	vpsel p2, v38, v11;
	v21 =	vpsel p2, v39, v9  }
0x58: {  	(xrf1) =	vsort.dscd.msk.f32 $0xffff, v14, v16;
	v16 =	vpsel p2, v31, v7;
	vm0 =	vge.f32 @p1 v17, v26  }
0x59: {  	v17 =	vsel @p1 vm0, v17, v26;
	v14 =	vsel @p1 vm0, v21, v18;
	vm0 =	vmmov @p1 vm1  }
0x5a: {  	v18 =	vpsel p1, v23, v0;
	v21 =	vpsel p2, v28, v8;
	v23 =	vpsel p1, v25, v0  }
0x5b: {  	(xrf1) =	vsort.dscd.msk.f32 $0xffff, v24, v54;
	v25 =	vpsel p2, v35, v10;
	v26 =	vpsel p1, v32, v0;
	vm1 =	vmmov @p1 vm2  }
0x5c: {  	v28 =	vpsel p1, v34, v0;
	v17 =	vpsel p1, v17, v0;
	v14 =	vpsel p1, v14, v0  }
0x5d: {  	v16 =	vsel @p1 vm0, v16, v18;
	vm3 =	vge.f32 @p1 v25, v26;
	v18 =	vsel @p1 vm1, v21, v23  }
0x5e: {  	v21 =	vsel @p1 vm0, v30, v22;
	vm2 =	vge.f32 @p1 v15, v17;
	v22 =	vsel @p1 vm3, v25, v26  }
0x5f: {  	v24 =	vsel @p1 vm3, v27, v28;
	v23 =	vsel @p1 vm2, v17, v15;
	vm0 =	vge.f32 @p1 v21, v22  }
0x60: {  	v15 =	vsel @p1 vm2, v15, v17;
	v17 =	vsel @p1 vm2, v18, v14;
	v25 =	vsel @p1 vm0, v21, v22  }
0x61: {  	v14 =	vsel @p1 vm2, v14, v18;
	v26 =	vsel @p1 vm0, v16, v24;
	vm1 =	vge.f32 @p1 v15, v25  }
0x62: {  	v18 =	vsel @p1 vm1, v15, v25;
	v15 =	vsel @p1 vm1, v25, v15;
	v25 =	vsel @p1 vm1, v26, v17  }
0x63: {  	v17 =	vsel @p1 vm1, v17, v26;
	(xrf1) =	vsort.dscd.msk.f32 @p1 $0xffff, v15, v25  }
0x64: {  	v53 =	vsel vm7, v49, v51;
	v15 =	vsel @p1 vm0, v22, v21;
	(xrf1) =	vsort.dscd.msk.f32 @p1 $0xffff, v18, v17  }
0x65: {  	v20 =	vsel vm7, v50, v52;
	v16 =	vsel @p1 vm0, v24, v16;
	vm0 =	vge.f32 @p1 v23, v15  }
0x66: {  	(xrf1) =	vsort.dscd.msk.f32 $0xffff, v53, v20;
	v17 =	vsel @p1 vm0, v16, v14;
	v18 =	vsel @p1 vm0, v15, v23  }
0x67: {  	v14 =	vsel @p1 vm0, v14, v16;
	v15 =	vsel @p1 vm0, v23, v15;
	(xrf1) =	vsort.dscd.msk.f32 @p1 $0xffff, v18, v17  }
0x68: {  	(xrf1) =	vsort.dscd.msk.f32 @p1 $0xffff, v15, v14;
	_ =	sdelay $0x5  }
0x69: {  	v14, v15, _ =	vpop (xrf1)  }
0x6a: {  	v57, v58, _ =	vpop (xrf1)  }
0x6b: {  	v14 =	vperm.xlane v14, v3;
	v15 =	vperm.xlane v15, v3;
	v60, v59, _ =	vpop (xrf1)  }
0x6c: {  	v16 =	vperm.xlane v57, v3;
	v17 =	vperm.xlane v58, v3;
	v20, v21, _ =	vpop @p1 (xrf1)  }
0x6d: {  	v19 =	vperm.xlane v59, v3;
	v18 =	vperm.xlane v60, v3;
	v22, v23, _ =	vpop @p1 (xrf1)  }
0x6e: {  	v13 =	vpsel p1, v20, v13;
	v7 =	vpsel p1, v21, v7;
	v12 =	vpsel p1, v22, v12  }
0x6f: {  	v62, v61, _ =	vpop (xrf1);
	vm9 =	vge.f32 v13, v14;
	v8 =	vpsel p1, v23, v8;
	vm10 =	vge.f32 v12, v16  }
0x70: {  	v25, v26, _ =	vpop @p1 (xrf1);
	v24 =	vperm.xlane v61, v3;
	v20 =	vperm.xlane v62, v3;
	v7 =	vsel vm9, v7, v15  }
0x71: {  	v13 =	vsel vm9, v13, v14;
	v22, v27, _ =	vpop @p1 (xrf1);
	v12 =	vsel vm10, v12, v16;
	v10 =	vpsel p1, v25, v10  }
0x72: {  	v6 =	vpsel p1, v26, v6;
	v8 =	vsel vm10, v8, v17;
	v11 =	vpsel p1, v22, v11  }
0x73: {  	v9 =	vpsel p1, v27, v9;
	vm12 =	vge.f32 v10, v20;
	vm11 =	vge.f32 v11, v18  }
0x74: {  	v10 =	vsel vm12, v10, v20;
	v6 =	vsel vm12, v6, v24;
	v11 =	vsel vm11, v11, v18  }
0x75: {  	v9 =	vsel vm11, v9, v19;
	vm0 =	vge.f32 v13, v10;
	vm13 =	vge.f32 v12, v11  }
0x76: {  	v63 =	vsel vm0, v7, v6;
	v6 =	vsel vm0, v6, v7;
	v14 =	vsel vm13, v11, v12  }
0x77: {  	v11 =	vsel vm13, v12, v11;
	v12 =	vsel vm0, v13, v10;
	v15 =	vsel vm13, v8, v9  }
0x78: {  	v8 =	vsel vm13, v9, v8;
	v10 =	vsel vm0, v10, v13;
	vm14 =	vge.f32 v11, v12  }
0x79: {  	v9 =	vsel vm14, v11, v12;
	v11 =	vsel vm14, v12, v11;
	v12 =	vsel vm14, v63, v15  }
0x7a: {  	vm15 =	vge.f32 v14, v10;
	v15 =	vsel vm14, v15, v63;
	(xrf1) =	vsort.dscd.msk.f32 $0xffff, v11, v12  }
0x7b: {  	v7 =	vsel vm15, v6, v8;
	(xrf1) =	vsort.dscd.msk.f32 $0xffff, v9, v15;
	v9 =	vsel vm15, v10, v14  }
0x7c: {  	v6 =	vsel vm15, v8, v6;
	v8 =	vsel vm15, v14, v10;
	(xrf1) =	vsort.dscd.msk.f32 $0xffff, v9, v7  }
0x7d: {  	(xrf1) =	vsort.dscd.msk.f32 $0xffff, v8, v6;
	_ =	sdelay $0xa  }
0x7e: {  	v13, v7, _ =	vpop (xrf1)  }
0x7f: {  	v12, v8, _ =	vpop (xrf1)  }
0x80: {  	v10, v6, _ =	vpop (xrf1)  }
0x81: {  	v11, v9, _ =	vpop (xrf1)  }
.LBB2_19:
0x82: {  	[tilespmem:$0x19780] =	vst v12  }
0x83: {  	[tilespmem:$0x19790] =	vst v13  }
0x84: {  	[tilespmem:$0x197A0] =	vst v11  }
0x85: {  	[tilespmem:$0x197B0] =	vst v10  }
0x86: {  	v14 =	vld.msk [tilespmem:s11+$0x0], $0xffff;
	_ =	sdelay $0x4  }
0x87: {  	v15 =	vsub.f32 v12, v14  }
0x88: {  	v16 =	vsub.f32 v13, v14  }
0x89: {  	v15 =	vmul.f32 $1.442695020e+00, v15  }
0x8a: {  	v17 =	vsub.f32 v11, v14;
	v16 =	vmul.f32 $1.442695020e+00, v16  }
0x8b: {  	(erf) = vpow2.f32 v15  }
0x8c: {  	v14 =	vsub.f32 v10, v14;
	v28 =	vmul.f32 $1.442695020e+00, v17;
	(erf) = vpow2.f32 v16;
	_ =	sdelay $0x1  }
0x8d: {  	v14 =	vmul.f32 $1.442695020e+00, v14;
	(erf) = vpow2.f32 v28  }
0x8e: {  	v29 =	vld.idx.msk [tilespmem:v4+s11+$0x0], $0xffff  }
0x8f: {  	(erf) = vpow2.f32 v14;
	_ =	sdelay $0x3  }
0x90: {  	vm0 =	vge.f32 v12, v29;
	v30 =	vpop (erf)  }
0x91: {  	vm4 =	vge.f32 v13, v29;
	v16 =	vpop (erf);
	v14 =	vnsel vm0, $0x0, v30  }
0x92: {  	v16 =	vnsel vm4, $0x0, v16;
	(xrf2) =	vadd.scan.msk.f32 $0xffff, v14  }
0x93: {  	vm5 =	vge.f32 v11, v29;
	v31 =	vpop (erf);
	(xrf2) =	vadd.scan.msk.f32 $0xffff, v16  }
0x94: {  	v17 =	vnsel vm5, $0x0, v31  }
0x95: {  	vm6 =	vge.f32 v10, v29;
	v32 =	vpop (erf);
	(xrf2) =	vadd.scan.msk.f32 $0xffff, v17  }
0x96: {  	v15 =	vnsel vm6, $0x0, v32  }
0x97: {  	(xrf2) =	vadd.scan.msk.f32 $0xffff, v15;
	_ =	sdelay $0x4  }
0x98: {  	v18, _, _ =	vpop (xrf2)  }
0x99: {  	(v2sf) =	vpush v18, $0xF;
	v33, _, _ =	vpop (xrf2)  }
0x9a: {  	(v2sf) =	vpush v33, $0xF  }
0x9b: {  	v34, _, _ =	vpop (xrf2)  }
0x9c: {  	(v2sf) =	vpush v34, $0xF  }
0x9d: {  	v35, _, _ =	vpop (xrf2)  }
0x9e: {  	(v2sf) =	vpush v35, $0xF;
	_ =	sdelay $0x9  }
0x9f: {  	s17 =	spop (v2sf)  }
0xa0: {  	s18 =	spop (v2sf)  }
0xa1: {  	s17 =	sadd.f32 s18, s17  }
0xa2: {  	s30 =	spop (v2sf)  }
0xa3: {  	s17 =	sadd.f32 s17, s30  }
0xa4: {  	s31 =	spop (v2sf)  }
0xa5: {  	s17 =	sadd.f32 s17, s31;
	_ =	sdelay $0x1  }
0xa6: {  	v36 =	vmov s17  }
0xa7: {  	(erf) = vrcp.f32 v36;
	_ =	sdelay $0x8  }
0xa8: {  	v18 =	vpop (erf)  }
0xa9: {  	v14 =	vmul.f32 v18, v14  }
0xaa: {  	v16 =	vmul.f32 v18, v16  }
0xab: {  	(xrf2) =	vadd.scan.msk.f32 $0xffff, v14  }
0xac: {  	v37 =	vmul.f32 v18, v17;
	(xrf2) =	vadd.scan.msk.f32 $0xffff, v16;
	_ =	sdelay $0x1  }
0xad: {  	(xrf2) =	vadd.scan.msk.f32 $0xffff, v37;
	_ =	sdelay $0x6  }
0xae: {  	v38, _, _ =	vpop (xrf2)  }
0xaf: {  	v16, _, _ =	vpop (xrf2);
	(v2sf) =	vpush v38, $0xF  }
0xb0: {  	(v2sf) =	vpush v16, $0xF  }
0xb1: {  	v39, _, _ =	vpop (xrf2)  }
0xb2: {  	(v2sf) =	vpush v39, $0xF;
	_ =	sdelay $0x4  }
0xb3: {  	v15 =	vmul.f32 v18, v15;
	_ =	sdelay $0x1  }
0xb4: {  	(xrf2) =	vadd.scan.msk.f32 $0xffff, v15;
	_ =	sdelay $0x4  }
0xb5: {  	s19 =	spop (v2sf)  }
0xb6: {  	s20 =	spop (v2sf)  }
0xb7: {  	v40 =	vbroadcast v38, $0xF;
	s17 =	sadd.f32 s20, s19  }
0xb8: {  	s21 =	spop (v2sf)  }
0xb9: {  	v15 =	vadd.f32 v40, v16;
	s18 =	sadd.f32 s17, s21  }
0xba: {  	vm7 =	vle.f32 v38, $8.999999760e-01;
	v41, _, _ =	vpop (xrf2);
	v17 =	vadd.f32 s17, v39  }
0xbb: {  	v43 =	vsel vm7, $0x1, v2;
	vm8 =	vle.f32 v15, $8.999999760e-01;
	v42 =	vadd.f32 s18, v41  }
0xbc: {  	(xrf0) =	vadd.scan.msk.s32 $0xffff, v43;
	v15 =	vsel vm8, $0x1, v2;
	vm9 =	vle.f32 v17, $8.999999760e-01  }
0xbd: {  	(xrf0) =	vadd.scan.msk.s32 $0xffff, v15;
	v44 =	vsel vm9, $0x1, v2;
	vm10 =	vle.f32 v42, $8.999999760e-01  }
0xbe: {  	(xrf0) =	vadd.scan.msk.s32 $0xffff, v44;
	v14 =	vsel vm10, $0x1, v2  }
0xbf: {  	(xrf0) =	vadd.scan.msk.s32 $0xffff, v14;
	_ =	sdelay $0x2  }
0xc0: {  	v45, _, _ =	vpop (xrf0)  }
0xc1: {  	(v2sf) =	vpush v45, $0xF;
	v46, _, _ =	vpop (xrf0)  }
0xc2: {  	(v2sf) =	vpush v46, $0xF;
	v47, _, _ =	vpop (xrf0)  }
0xc3: {  	(v2sf) =	vpush v47, $0xF;
	v48, _, _ =	vpop (xrf0)  }
0xc4: {  	(v2sf) =	vpush v48, $0xF;
	_ =	sdelay $0xb  }
0xc5: {  	s22 =	spop (v2sf)  }
0xc6: {  	s23 =	spop (v2sf)  }
0xc7: {  	s17 =	sadd.s32 s22, s23;
	s24 =	spop (v2sf)  }
0xc8: {  	s17 =	sadd.s32 s24, s17;
	s25 =	spop (v2sf)  }
0xc9: {  	s17 =	sadd.s32 s25, s17  }
0xca: {  	v49 =	vmov s17;
	_ =	sdelay $0x4  }
0xcb: {  	v14 =	vld.idx.msk [tilespmem:v49+s11+$0x0], $0xffff;
	_ =	sdelay $0x4  }
0xcc: {  	vm11 =	vgt.f32 v12, v14  }
0xcd: {  	vm12 =	vgt.f32 v13, v14;
	v50 =	vsel vm11, $0x1, v2  }
0xce: {  	vm13 =	vgt.f32 v11, v14;
	v51 =	vsel vm12, $0x1, v2;
	(xrf0) =	vadd.scan.msk.s32 $0xffff, v50  }
0xcf: {  	vm14 =	vgt.f32 v10, v14;
	v52 =	vsel vm13, $0x1, v2;
	(xrf0) =	vadd.scan.msk.s32 $0xffff, v51  }
0xd0: {  	vm15 =	veq.f32 v12, v14;
	v53 =	vsel vm14, $0x1, v2;
	(xrf0) =	vadd.scan.msk.s32 $0xffff, v52  }
0xd1: {  	vm1 =	veq.f32 v13, v14;
	v12 =	vsel vm15, $0x1, v2;
	(xrf0) =	vadd.scan.msk.s32 $0xffff, v53  }
0xd2: {  	vm2 =	veq.f32 v11, v14;
	v54 =	vsel vm1, $0x1, v2;
	(xrf0) =	vadd.scan.msk.s32 $0xffff, v12  }
0xd3: {  	vm3 =	veq.f32 v10, v14;
	v11 =	vsel vm2, $0x1, v2;
	(xrf0) =	vadd.scan.msk.s32 $0xffff, v54  }
0xd4: {  	v56 =	vsel vm3, $0x1, v2;
	v55, _, _ =	vpop (xrf0);
	(xrf0) =	vadd.scan.msk.s32 $0xffff, v11  }
0xd5: {  	(v2sf) =	vpush v55, $0xF;
	v57, _, _ =	vpop (xrf0);
	(xrf0) =	vadd.scan.msk.s32 $0xffff, v56  }
0xd6: {  	v58, _, _ =	vpop (xrf0);
	(v2sf) =	vpush v57, $0xF  }
0xd7: {  	v59, _, _ =	vpop (xrf0);
	(v2sf) =	vpush v58, $0xF  }
0xd8: {  	v60, _, _ =	vpop (xrf0);
	(v2sf) =	vpush v59, $0xF  }
0xd9: {  	v61, _, _ =	vpop (xrf0);
	(v2sf) =	vpush v60, $0xF  }
0xda: {  	v62, _, _ =	vpop (xrf0);
	(v2sf) =	vpush v61, $0xF  }
0xdb: {  	(v2sf) =	vpush v62, $0xF;
	v63, _, _ =	vpop (xrf0)  }
0xdc: {  	(v2sf) =	vpush v63, $0xF;
	_ =	sdelay $0x7  }
0xdd: {  	s26 =	spop (v2sf)  }
0xde: {  	s19 =	spop (v2sf)  }
0xdf: {  	s20 =	spop (v2sf)  }
0xe0: {  	s21 =	spop (v2sf)  }
0xe1: {  	s22 =	spop (v2sf)  }
0xe2: {  	[tilespmem:s12+$0x0] =	vst.msk vm15, v8;
	s23 =	spop (v2sf);
	s24 =	sadd.s32 $0x197C0, s22  }
0xe3: {  	[tilespmem:s22+$0x197C0] =	vst.msk vm1, v7;
	s28 =	sadd.s32 s23, s24;
	s29 =	spop (v2sf)  }
0xe4: {  	[tilespmem:s28+$0x0] =	vst.msk vm2, v9;
	s22 =	sadd.s32 s29, s28;
	s30 =	spop (v2sf)  }
0xe5: {  	[tilespmem:s22+$0x0] =	vst.msk vm3, v6;
	s22 =	sadd.s32 s30, s22  }
0xe6: {  	[tilespmem:s22+$0x0] =	vst v5  }
0xe7: {  	v6 =	vld [tilespmem:$0x197C0];
	_ =	sdelay $0x4  }
0xe8: {  	(xrf1) =	vsort.ascd.msk.u32 $0xffff, v6, v6;
	_ =	sdelay $0x2  }
0xe9: {  	s18 =	sadd.s32 s26, s19  }
0xea: {  	s18 =	sadd.s32 s20, s18  }
0xeb: {  	s18 =	sadd.s32 s21, s18  }
0xec: {  	s17 =	ssub.s32 s17, s18  }
0xed: {  	s17 =	sadd.s32 $0x1, s17  }
0xee: {  	p1 =	slt.s32 s17, $0x10  }
0xef: {  	s17 =	simm.s32 @!p1 $0x10  }
0xf0: {  	s17 =	sadd.s32 $0xFFFFFFFF, s17  }
0xf1: {  	v6 =	vmov s17;
	_ =	sdelay $0x2  }
0xf2: {  	v7, _, _ =	vpop (xrf1)  }
0xf3: {  	[tilespmem:$0x197C0] =	vst v7  }
0xf4: {  	v6 =	vld.idx.msk [tilespmem:v6+s12+$0x0], $0xffff;
	_ =	sdelay $0x3  }
0xf5: {  	s16 =	sshll.u32 s16, $0x1;
	[tilespmem:$0x19820] =	vst v14  }
0xf6: {  	s31 =	sadd.s32 s5, s16;
	[tilespmem:$0x19830] =	vst v6  }
0xf7: {  	[hbm4b:s31+s2] =	stream.linear.scatter [tilespmem:s13], [sflag:$0x1], $0x10, $0x38;
	[tilespmem:$0x19840] =	vst v63  }
0xf8: {  	_ =	swait.ge [sflag:s9], $0x10  }
0xf9: {  	[sflag:s9] =	ssyncset.done $0x0  }
.Ltmp3:
0xfa: {  	s16 =	sadd.s32 s6, s16;
	[sflag:s9] =	ssyncadd.s32 $0xFFFFFFF0;
	(pc) =	sbr.rel @!p0 .LBB2_20-.Ltmp3, $4  }
0xfb: {  	[hbm4b:s16+s2] =	stream.linear.scatter [tilespmem:s14], [sflag:$0x1], $0x10, $0x38;
	[tilespmem:$0x19840] =	vst v63  }
0xfc: {  	_ =	swait.ge [sflag:s9], $0x10  }
0xfd: {  	[sflag:s9] =	ssyncset.done $0x0  }
0xfe: {  	p1 =	por $0x0, $0x0;
	s16 =	simm.s32 $0x20;
	[sflag:s9] =	ssyncadd.s32 $0xFFFFFFF0  }
.LBB2_2:
0xff: {  	s16 =	sor.u32 s16, s7  }
0x100: {  	s16 =	sor.u32 s3, s16  }
0x101: {  	s17 =	smul.u32 $0x30D4, s16;
	_ =	sdelay $0x1  }
0x102: {  	s18 =	simm.s32 $0x0;
	s17 =	sadd.s32 s1, s17  }
0x103: {  	[tilespmem:s18], [sflag:$0x1] =	stream.linear.gather [hbm4b:s17+s18], $0x186A0, $0x38;
	[tilespmem:$0x19840] =	vst v63  }
0x104: {  	_ =	swait.ge [sflag:s9], $0x186A0  }
0x105: {  	[sflag:s9] =	ssyncset.done $0x0  }
0x106: {  	s17 =	simm.s32 $0x0;
	[sflag:s9] =	ssyncadd.s32 $0xFFFE7960  }
0x107: {  	v8 =	vld [tilespmem:s17+$0xC0]  }
0x108: {  	v6 =	vld [tilespmem:s17+$0xD0]  }
0x109: {  	v7 =	vld [tilespmem:s17+$0xE0]  }
0x10a: {  	v11 =	vld [tilespmem:s17+$0x80]  }
0x10b: {  	v9 =	vld [tilespmem:s17+$0x90]  }
0x10c: {  	v10 =	vld [tilespmem:s17+$0xA0]  }
0x10d: {  	v19 =	vld [tilespmem:s17+$0x40]  }
0x10e: {  	v12 =	vld [tilespmem:s17+$0x50]  }
0x10f: {  	v21 =	vld [tilespmem:s17+$0x0]  }
0x110: {  	v14 =	vld [tilespmem:s17+$0x60]  }
0x111: {  	v13 =	vimm.f32 $-Inf;
	v18 =	vld [tilespmem:s17+$0x10]  }
0x112: {  	p0 =	por p1, p1;
	v15 =	vimm.f32 $-Inf;
	v16 =	vimm.f32 $-Inf;
	v17 =	vimm.f32 $-Inf;
	s18 =	simm.s32 $0x400;
	v20 =	vld [tilespmem:s17+$0x20]  }
.LBB2_3:
0x113: {  	p1 =	sne.s32 s18, $0x61800;
	v22 =	vld [tilespmem:s17+$0x30]  }
0x114: {  	v13 =	vmax.f32 v13, v21;
	v21 =	vld [tilespmem:s17+$0x70]  }
0x115: {  	v13 =	vmax.f32 v13, v19;
	v19 =	vld [tilespmem:s17+$0xB0]  }
0x116: {  	v11 =	vmax.f32 v13, v11;
	v23 =	vld [tilespmem:s17+$0xF0];
	s17 =	sshra.s32 s18, $0x2  }
0x117: {  	v13 =	vmax.f32 v11, v8;
	v8 =	vld [tilespmem:s17+$0xC0]  }
0x118: {  	v11 =	vmax.f32 v15, v18;
	v15 =	vmax.f32 v16, v20;
	v24 =	vld [tilespmem:s17+$0xD0];
	v16 =	vmax.f32 v17, v22  }
0x119: {  	v12 =	vmax.f32 v11, v12;
	v14 =	vmax.f32 v15, v14;
	v18 =	vld [tilespmem:s17+$0xE0];
	v15 =	vmax.f32 v16, v21  }
0x11a: {  	v12 =	vmax.f32 v12, v9;
	v10 =	vmax.f32 v14, v10;
	v11 =	vld [tilespmem:s17+$0x80];
	v14 =	vmax.f32 v15, v19  }
0x11b: {  	v15 =	vmax.f32 v12, v6;
	v16 =	vmax.f32 v10, v7;
	v9 =	vld [tilespmem:s17+$0x90];
	v17 =	vmax.f32 v14, v23  }
0x11c: {  	v10 =	vld [tilespmem:s17+$0xA0]  }
0x11d: {  	v19 =	vld [tilespmem:s17+$0x40];
	v6 =	vmov v24  }
.Ltmp4:
0x11e: {  	v12 =	vld [tilespmem:s17+$0x50];
	v7 =	vmov v18;
	(pc) =	sbr.rel @p1 .LBB2_3-.Ltmp4, $4  }
0x11f: {  	v21 =	vld [tilespmem:s17+$0x0]  }
0x120: {  	v14 =	vld [tilespmem:s17+$0x60]  }
0x121: {  	v18 =	vld [tilespmem:s17+$0x10]  }
0x122: {  	s18 =	sadd.s32 $0x400, s18;
	v20 =	vld [tilespmem:s17+$0x20]  }
0x123: {  	v22 =	vld [tilespmem:s17+$0x30]  }
0x124: {  	v57 =	vld [tilespmem:s17+$0x70];
	v13 =	vmax.f32 v13, v21  }
0x125: {  	v58 =	vld [tilespmem:s17+$0xB0];
	v13 =	vmax.f32 v13, v19  }
0x126: {  	v59 =	vld [tilespmem:s17+$0xF0];
	v11 =	vmax.f32 v13, v11  }
0x127: {  	v8 =	vmax.f32 v11, v8  }
0x128: {  	v11 =	vmax.f32 v15, v18;
	v60 =	vmax.f32 v16, v20;
	v61 =	vmax.f32 v17, v22  }
0x129: {  	v11 =	vmax.f32 v11, v12;
	v62 =	vmax.f32 v60, v14;
	v63 =	vmax.f32 v61, v57  }
0x12a: {  	v9 =	vmax.f32 v11, v9;
	v10 =	vmax.f32 v62, v10;
	v11 =	vmax.f32 v63, v58  }
0x12b: {  	s17 =	simm.s32 $0x0;
	s18 =	simm.s32 $0x200;
	v6 =	vmax.f32 v9, v6;
	v7 =	vmax.f32 v10, v7;
	v9 =	vmax.f32 v11, v59  }
.LBB2_5:
0x12c: {  	p1 =	sne.s32 s18, $0x4000;
	[tilespmem:s17+$0x18770] =	vst v1  }
0x12d: {  	[tilespmem:s17+$0x18700] =	vst v1  }
0x12e: {  	[tilespmem:s17+$0x18710] =	vst v1  }
.Ltmp5:
0x12f: {  	[tilespmem:s17+$0x18720] =	vst v1;
	(pc) =	sbr.rel @p1 .LBB2_5-.Ltmp5, $4  }
0x130: {  	[tilespmem:s17+$0x18730] =	vst v1  }
0x131: {  	[tilespmem:s17+$0x18740] =	vst v1  }
0x132: {  	[tilespmem:s17+$0x18750] =	vst v1  }
0x133: {  	[tilespmem:s17+$0x18760] =	vst v1;
	s17 =	sshra.s32 s18, $0x2;
	s18 =	sadd.s32 $0x200, s18  }
0x134: {  	[tilespmem:s17+$0x18770] =	vst v1  }
0x135: {  	[tilespmem:s17+$0x18700] =	vst v1  }
0x136: {  	[tilespmem:s17+$0x18710] =	vst v1  }
0x137: {  	[tilespmem:s17+$0x18720] =	vst v1  }
0x138: {  	v6 =	vmin.f32 v8, v6;
	v7 =	vmin.f32 v7, v9;
	[tilespmem:s17+$0x18730] =	vst v1  }
0x139: {  	[tilespmem:s17+$0x18740] =	vst v1;
	v6 =	vmin.f32 v6, v7  }
0x13a: {  	[tilespmem:s17+$0x18750] =	vst v1;
	(xrf0) =	vmin.scan.msk.f32 $0xffff, v6  }
0x13b: {  	[tilespmem:s17+$0x18760] =	vst v1;
	s31 =	simm.s32 $0x0  }
0x13c: {  	v7 =	vld [tilespmem:s31+$0x10]  }
0x13d: {  	v10 =	vld [tilespmem:s31+$0x0]  }
0x13e: {  	v15 =	vld [tilespmem:s31+$0x60]  }
0x13f: {  	v17 =	vld [tilespmem:s31+$0x30]  }
0x140: {  	v18 =	vld [tilespmem:s31+$0x20];
	v6, _, _ =	vpop (xrf0)  }
0x141: {  	v19 =	vld [tilespmem:s31+$0x40];
	v8 =	vbroadcast v6, $0xF;
	v6 =	vlaneseq.u32  }
0x142: {  	v16 =	vimm.s32 $0x0;
	v20 =	vld [tilespmem:s31+$0x70];
	v9 =	vadd.s32 $0x50, v6  }
0x143: {  	v24 =	vld [tilespmem:s31+$0xA0];
	v11 =	vadd.s32 $0x40, v6;
	v14 =	vadd.s32 $0x10, v6;
	v13 =	vadd.s32 $0x20, v6  }
0x144: {  	v28 =	vld [tilespmem:s31+$0xC0];
	v12 =	vadd.s32 $0x30, v6;
	vm5 =	vge.f32 v7, v8;
	v7 =	vadd.s32 $0xA0, v6  }
0x145: {  	vm12 =	vge.f32 v10, v8;
	vm7 =	vge.f32 v17, v8;
	v10 =	vsel vm5, $0x1, v2  }
0x146: {  	vm0 =	vge.f32 v15, v8;
	v17 =	vld [tilespmem:s31+$0x50];
	v21 =	vmpcnt.ones.xlane vm12;
	v23 =	vsel vm12, $0x1, v2;
	(xrf0) =	vadd.scan.msk.s32 $0xffff, v10  }
0x147: {  	vm9 =	vge.f32 v18, v8;
	vm8 =	vge.f32 v19, v8;
	vm1 =	vge.f32 v20, v8;
	(xrf0) =	vadd.scan.msk.s32 $0xffff, v23;
	v23 =	vld [tilespmem:s31+$0x80]  }
0x148: {  	vm2 =	vge.f32 v24, v8;
	v22 =	vmpcnt.ones.xlane vm5;
	v15 =	vadd.s32 v16, v21;
	v21 =	vld [tilespmem:s31+$0x90]  }
0x149: {  	vm4 =	vge.f32 v28, v8;
	v25 =	vmpcnt.ones.xlane vm0;
	v18 =	vmpcnt.ones.xlane vm9  }
0x14a: {  	v19 =	vsel vm9, $0x1, v2;
	v20 =	vsel vm8, $0x1, v2;
	v10 =	vsel vm7, $0x1, v2  }
0x14b: {  	v26 =	vsel vm0, $0x1, v2;
	v29 =	vmpcnt.ones.xlane vm7;
	v33 =	vsel vm4, $0x1, v2;
	(xrf0) =	vadd.scan.msk.s32 $0xffff, v10  }
0x14c: {  	v22 =	vadd.s32 v22, v15;
	v10 =	vadd.s32 $0x100, v6;
	(xrf0) =	vadd.scan.msk.s32 $0xffff, v19;
	v19 =	vsel vm1, $0x1, v2  }
0x14d: {  	vm10 =	vge.f32 v17, v8;
	v27, _, _ =	vpop (xrf0);
	vm6 =	vge.f32 v23, v8;
	vm3 =	vge.f32 v21, v8  }
0x14e: {  	(xrf0) =	vadd.scan.msk.s32 $0xffff, v20;
	v21 =	vmpcnt.ones.xlane vm8;
	v23 =	vmpcnt.ones.xlane vm10;
	v27 =	vadd.s32 v15, v27  }
0x14f: {  	v15 =	vadd.s32 v18, v22;
	v30, _, _ =	vpop (xrf0);
	v18 =	vmpcnt.ones.xlane vm1;
	v17 =	vmpcnt.ones.xlane vm6  }
0x150: {  	v20 =	vadd.s32 v30, v16;
	v16 =	vmpcnt.ones.xlane vm3;
	v28 =	vadd.s32 v29, v15  }
0x151: {  	v24, _, _ =	vpop (xrf0);
	(xrf0) =	vadd.scan.msk.s32 $0xffff, v19;
	v19 =	vsel vm10, $0x1, v2;
	v36 =	vadd.s32 $0xFFFFFFFF, v27;
	v20 =	vadd.s32 $0xFFFFFFFF, v20  }
0x152: {  	v24 =	vadd.s32 v15, v24;
	v30, _, _ =	vpop (xrf0);
	v15 =	vmpcnt.ones.xlane vm4;
	vm14 =	vlt.s32 v36, $0xFFF  }
0x153: {  	v29 =	vld [tilespmem:s31+$0xB0];
	(xrf0) =	vadd.scan.msk.s32 $0xffff, v26;
	v22 =	vadd.s32 v22, v30;
	v30 =	vsel vm6, $0x1, v2;
	vm11 =	vlt.s32 v20, $0xFFF  }
0x154: {  	v26, _, _ =	vpop (xrf0);
	v34 =	vadd.s32 $0xFFFFFFFF, v24;
	(xrf0) =	vadd.scan.msk.s32 $0xffff, v19;
	v19 =	vsel vm2, $0x1, v2;
	v24 =	vadd.s32 v21, v28  }
0x155: {  	v37 =	vld [tilespmem:s31+$0xE0];
	v21 =	vmpcnt.ones.xlane vm2;
	v35 =	vnsel vm11, $0xFFF, v20;
	v20 =	vadd.s32 v28, v26;
	(xrf0) =	vadd.scan.msk.s32 $0xffff, v30  }
0x156: {  	v26 =	vld [tilespmem:s31+$0xD0];
	v30 =	vsel vm3, $0x1, v2;
	v32 =	vadd.s32 v23, v24;
	v20 =	vadd.s32 $0xFFFFFFFF, v20;
	(xrf0) =	vadd.scan.msk.s32 $0xffff, v19  }
0x157: {  	v38 =	vadd.s32 $0xFFFFFFFF, v22;
	vm13 =	vlt.s32 v34, $0xFFF;
	vm11 =	vlt.s32 v20, $0xFFF;
	(xrf0) =	vadd.scan.msk.s32 $0xffff, v30  }
0x158: {  	v31 =	vld [tilespmem:s31+$0xF0];
	vm15 =	vlt.s32 v38, $0xFFF;
	v19 =	vnsel vm11, $0xFFF, v20;
	v23, _, _ =	vpop (xrf0);
	vm11 =	vge.f32 v29, v8  }
0x159: {  	v22 =	vnsel vm13, $0xFFF, v34;
	v29 =	vadd.s32 v25, v32;
	v28, _, _ =	vpop (xrf0);
	v25 =	vsel vm11, $0x1, v2  }
0x15a: {  	vm13 =	vge.f32 v37, v8;
	v20 =	vmpcnt.ones.xlane vm11;
	[tilespmem:v35+s10+$0x0] =	vst.idx.msk vm12, v6;
	v30, _, _ =	vpop (xrf0);
	(xrf0) =	vadd.scan.msk.s32 $0xffff, v25  }
0x15b: {  	s17 =	simm.s32 $0x400;
	vm12 =	vge.f32 v26, v8;
	v26 =	vnsel vm14, $0xFFF, v36;
	v25 =	vnsel vm15, $0xFFF, v38;
	v27, _, _ =	vpop (xrf0);
	(xrf0) =	vadd.scan.msk.s32 $0xffff, v33  }
.LBB2_7:
0x15c: {  	p1 =	sne.s32 s17, $0x61800;
	v33 =	vsel vm12, $0x1, v2;
	v28 =	vadd.s32 v32, v28;
	v18 =	vadd.s32 v18, v29;
	v32, _, _ =	vpop (xrf0);
	s18 =	smov.u32 s17;
	s17 =	sadd.s32 $0x400, s17  }
0x15d: {  	vm14 =	vge.f32 v31, v8;
	v31 =	vsel vm13, $0x1, v2;
	v28 =	vadd.s32 $0xFFFFFFFF, v28;
	v34, _, _ =	vpop (xrf0);
	(xrf0) =	vadd.scan.msk.s32 $0xffff, v33  }
0x15e: {  	v23 =	vadd.s32 v29, v23;
	v33 =	vmpcnt.ones.xlane vm12;
	v35 =	vsel vm14, $0x1, v2  }
0x15f: {  	v23 =	vadd.s32 $0xFFFFFFFF, v23;
	v17 =	vadd.s32 v17, v18;
	vm15 =	vlt.s32 v28, $0xFFF;
	(xrf0) =	vadd.scan.msk.s32 $0xffff, v31  }
0x160: {  	v16 =	vadd.s32 v16, v17;
	[tilespmem:v26+s10+$0x0] =	vst.idx.msk vm5, v14;
	v14 =	vadd.s32 v24, v30;
	vm5 =	vlt.s32 v23, $0xFFF;
	v24, _, _ =	vpop (xrf0)  }
0x161: {  	[tilespmem:v25+s10+$0x0] =	vst.idx.msk vm9, v13;
	v13 =	vadd.s32 $0xFFFFFFFF, v14;
	v14 =	vadd.s32 v18, v27;
	v18 =	vadd.s32 v21, v16;
	v21, _, _ =	vpop (xrf0)  }
0x162: {  	v25 =	vmpcnt.ones.xlane vm13;
	[tilespmem:v22+s10+$0x0] =	vst.idx.msk vm7, v12;
	vm7 =	vlt.s32 v13, $0xFFF;
	v12 =	vadd.s32 v18, v24  }
0x163: {  	v16 =	vadd.s32 v16, v32;
	v14 =	vadd.s32 $0xFFFFFFFF, v14;
	[tilespmem:v19+s10+$0x0] =	vst.idx.msk vm8, v11;
	v11 =	vnsel vm15, $0xFFF, v28;
	v19, _, _ =	vpop (xrf0)  }
0x164: {  	v18 =	vadd.s32 v20, v18;
	v13 =	vnsel vm7, $0xFFF, v13;
	vm7 =	vlt.s32 v14, $0xFFF  }
0x165: {  	v20 =	vnsel vm5, $0xFFF, v23;
	v12 =	vadd.s32 $0xFFFFFFFF, v12;
	v14 =	vnsel vm7, $0xFFF, v14;
	v22, _, _ =	vpop (xrf0);
	(xrf0) =	vadd.scan.msk.s32 $0xffff, v35  }
0x166: {  	v17 =	vadd.s32 v17, v34;
	v21 =	vadd.s32 v18, v21;
	vm5 =	vlt.s32 v12, $0xFFF  }
0x167: {  	v17 =	vadd.s32 $0xFFFFFFFF, v17;
	v16 =	vadd.s32 $0xFFFFFFFF, v16;
	v21 =	vadd.s32 $0xFFFFFFFF, v21  }
0x168: {  	vm7 =	vlt.s32 v16, $0xFFF;
	v12 =	vnsel vm5, $0xFFF, v12;
	vm5 =	vlt.s32 v21, $0xFFF  }
0x169: {  	[tilespmem:v13+s10+$0x0] =	vst.idx.msk vm10, v9;
	v9 =	vadd.s32 $0x60, v6;
	v13 =	vnsel vm7, $0xFFF, v16;
	v16 =	vnsel vm5, $0xFFF, v21  }
0x16a: {  	[tilespmem:v11+s10+$0x0] =	vst.idx.msk vm0, v9;
	v9 =	vadd.s32 $0x70, v6;
	vm0 =	vlt.s32 v17, $0xFFF;
	v11 =	vadd.s32 $0x90, v6  }
0x16b: {  	v15 =	vadd.s32 v15, v18;
	[tilespmem:v20+s10+$0x0] =	vst.idx.msk vm1, v9;
	v9 =	vadd.s32 $0x80, v6;
	v17 =	vnsel vm0, $0xFFF, v17;
	v18, _, _ =	vpop (xrf0)  }
0x16c: {  	v20 =	vmpcnt.ones.xlane vm14;
	[tilespmem:v14+s10+$0x0] =	vst.idx.msk vm6, v9;
	v9 =	vadd.s32 v15, v19;
	v14 =	vadd.s32 v33, v15  }
0x16d: {  	v9 =	vadd.s32 $0xFFFFFFFF, v9;
	v15 =	vadd.s32 v14, v22;
	v14 =	vadd.s32 v25, v14  }
0x16e: {  	vm0 =	vlt.s32 v9, $0xFFF;
	v15 =	vadd.s32 $0xFFFFFFFF, v15;
	v18 =	vadd.s32 v14, v18  }
0x16f: {  	s18 =	sshra.s32 s18, $0x2;
	v9 =	vnsel vm0, $0xFFF, v9;
	vm0 =	vlt.s32 v15, $0xFFF;
	v18 =	vadd.s32 $0xFFFFFFFF, v18  }
0x170: {  	v14 =	vadd.s32 v20, v14;
	[tilespmem:v17+s10+$0x0] =	vst.idx.msk vm3, v11;
	v11 =	vnsel vm0, $0xFFF, v15;
	vm0 =	vlt.s32 v18, $0xFFF  }
0x171: {  	[tilespmem:v13+s10+$0x0] =	vst.idx.msk vm2, v7;
	v7 =	vadd.s32 $0xB0, v6;
	v13 =	vnsel vm0, $0xFFF, v18;
	vm0 =	vlt.s32 v14, $0x1000  }
0x172: {  	[tilespmem:v12+s10+$0x0] =	vst.idx.msk vm11, v7;
	v7 =	vadd.s32 $0xC0, v6;
	v15 =	vnsel vm0, $0x1000, v14  }
0x173: {  	[tilespmem:v16+s10+$0x0] =	vst.idx.msk vm4, v7;
	v7 =	vadd.s32 $0xD0, v6  }
0x174: {  	[tilespmem:v9+s10+$0x0] =	vst.idx.msk vm12, v7;
	v7 =	vadd.s32 $0xE0, v6  }
0x175: {  	[tilespmem:v11+s10+$0x0] =	vst.idx.msk vm13, v7;
	v7 =	vadd.s32 $0xF0, v6;
	v6 =	vmov v10  }
0x176: {  	[tilespmem:v13+s10+$0x0] =	vst.idx.msk vm14, v7  }
0x177: {  	v7 =	vld [tilespmem:s18+$0x10]  }
0x178: {  	v11 =	vld [tilespmem:s18+$0x0]  }
0x179: {  	v16 =	vld [tilespmem:s18+$0x70]  }
0x17a: {  	v17 =	vld [tilespmem:s18+$0x60]  }
0x17b: {  	v18 =	vld [tilespmem:s18+$0x30]  }
0x17c: {  	v9 =	vadd.s32 $0x50, v10;
	v19 =	vld [tilespmem:s18+$0x20];
	vm5 =	vge.f32 v7, v8;
	v7 =	vadd.s32 $0xA0, v10  }
0x17d: {  	v20 =	vld [tilespmem:s18+$0x40];
	vm12 =	vge.f32 v11, v8;
	v12 =	vsel vm5, $0x1, v2;
	v11 =	vadd.s32 $0x40, v10  }
0x17e: {  	v22 =	vmpcnt.ones.xlane vm5;
	v21 =	vmpcnt.ones.xlane vm12;
	v23 =	vsel vm12, $0x1, v2;
	(xrf0) =	vadd.scan.msk.s32 $0xffff, v12  }
0x17f: {  	v14 =	vadd.s32 $0x10, v10;
	v13 =	vadd.s32 $0x20, v10;
	v12 =	vadd.s32 $0x30, v10;
	v24 =	vld [tilespmem:s18+$0x80];
	(xrf0) =	vadd.scan.msk.s32 $0xffff, v23  }
0x180: {  	vm0 =	vge.f32 v17, v8;
	v23 =	vld [tilespmem:s18+$0x50];
	vm7 =	vge.f32 v18, v8;
	v17 =	vadd.s32 v15, v21  }
0x181: {  	v25 =	vmpcnt.ones.xlane vm0;
	v21 =	vld [tilespmem:s18+$0xA0];
	vm9 =	vge.f32 v19, v8;
	v18 =	vsel vm7, $0x1, v2  }
0x182: {  	v19 =	vld [tilespmem:s18+$0x90];
	vm8 =	vge.f32 v20, v8;
	v20 =	vmpcnt.ones.xlane vm9;
	v26 =	vsel vm9, $0x1, v2;
	(xrf0) =	vadd.scan.msk.s32 $0xffff, v18  }
0x183: {  	vm1 =	vge.f32 v16, v8;
	v28 =	vsel vm0, $0x1, v2;
	v27 =	vld [tilespmem:s18+$0xD0];
	v32 =	vsel vm8, $0x1, v2;
	(xrf0) =	vadd.scan.msk.s32 $0xffff, v26  }
0x184: {  	v10 =	vadd.s32 $0x100, v10;
	v22 =	vadd.s32 v22, v17;
	v18 =	vsel vm1, $0x1, v2;
	v26 =	vld [tilespmem:s18+$0xC0];
	v29, _, _ =	vpop (xrf0);
	(xrf0) =	vadd.scan.msk.s32 $0xffff, v32  }
0x185: {  	v31 =	vmpcnt.ones.xlane vm7;
	v20 =	vadd.s32 v20, v22;
	v30 =	vld [tilespmem:s18+$0xB0];
	v29 =	vadd.s32 v17, v29;
	v16, _, _ =	vpop (xrf0);
	(xrf0) =	vadd.scan.msk.s32 $0xffff, v18  }
0x186: {  	vm6 =	vge.f32 v24, v8;
	v18 =	vmpcnt.ones.xlane vm1;
	v15 =	vadd.s32 v16, v15;
	(xrf0) =	vadd.scan.msk.s32 $0xffff, v28  }
0x187: {  	vm10 =	vge.f32 v23, v8;
	vm3 =	vge.f32 v19, v8;
	v19 =	vmpcnt.ones.xlane vm8  }
0x188: {  	vm2 =	vge.f32 v21, v8;
	v32 =	vmpcnt.ones.xlane vm10;
	v16 =	vmpcnt.ones.xlane vm3;
	v21, _, _ =	vpop (xrf0)  }
0x189: {  	v17 =	vmpcnt.ones.xlane vm6;
	v24 =	vadd.s32 $0xFFFFFFFF, v15;
	v21 =	vadd.s32 v20, v21;
	v15, _, _ =	vpop (xrf0)  }
0x18a: {  	vm4 =	vge.f32 v26, v8;
	v20 =	vadd.s32 v31, v20;
	v22 =	vadd.s32 v22, v15;
	v26, _, _ =	vpop (xrf0)  }
0x18b: {  	v35 =	vsel vm10, $0x1, v2;
	v15 =	vmpcnt.ones.xlane vm4;
	v33 =	vsel vm4, $0x1, v2;
	v23, _, _ =	vpop (xrf0)  }
0x18c: {  	vm11 =	vlt.s32 v24, $0xFFF;
	v31 =	vsel vm6, $0x1, v2;
	v34 =	vadd.s32 $0xFFFFFFFF, v21;
	(xrf0) =	vadd.scan.msk.s32 $0xffff, v35;
	v28, _, _ =	vpop (xrf0)  }
0x18d: {  	v21 =	vsel vm2, $0x1, v2;
	v35 =	vnsel vm11, $0xFFF, v24;
	v24 =	vadd.s32 v20, v26;
	(xrf0) =	vadd.scan.msk.s32 $0xffff, v31  }
0x18e: {  	v36 =	vadd.s32 $0xFFFFFFFF, v29;
	v26 =	vsel vm3, $0x1, v2;
	v29 =	vadd.s32 $0xFFFFFFFF, v24  }
0x18f: {  	vm14 =	vlt.s32 v36, $0xFFF;
	v24 =	vadd.s32 v19, v20;
	vm11 =	vlt.s32 v29, $0xFFF;
	v37 =	vld [tilespmem:s18+$0xE0];
	(xrf0) =	vadd.scan.msk.s32 $0xffff, v21  }
.Ltmp6:
0x190: {  	v32 =	vadd.s32 v32, v24;
	v21 =	vmpcnt.ones.xlane vm2;
	v19 =	vnsel vm11, $0xFFF, v29;
	(xrf0) =	vadd.scan.msk.s32 $0xffff, v26;
	(pc) =	sbr.rel @p1 .LBB2_7-.Ltmp6, $4  }
0x191: {  	v38 =	vadd.s32 $0xFFFFFFFF, v22;
	vm11 =	vge.f32 v30, v8;
	v29 =	vadd.s32 v25, v32;
	v31 =	vld [tilespmem:s18+$0xF0]  }
0x192: {  	vm13 =	vlt.s32 v34, $0xFFF;
	v20 =	vmpcnt.ones.xlane vm11;
	v25 =	vsel vm11, $0x1, v2;
	[tilespmem:v35+s10+$0x0] =	vst.idx.msk vm12, v6;
	v30, _, _ =	vpop (xrf0)  }
0x193: {  	vm15 =	vlt.s32 v38, $0xFFF;
	v22 =	vnsel vm13, $0xFFF, v34;
	vm12 =	vge.f32 v27, v8;
	v27, _, _ =	vpop (xrf0);
	(xrf0) =	vadd.scan.msk.s32 $0xffff, v25  }
0x194: {  	v26 =	vnsel vm14, $0xFFF, v36;
	v25 =	vnsel vm15, $0xFFF, v38;
	vm13 =	vge.f32 v37, v8;
	(xrf0) =	vadd.scan.msk.s32 $0xffff, v33  }
0x195: {  	_ = 	snop  }
0x196: {  	v10 =	vsel vm12, $0x1, v2;
	v28 =	vadd.s32 v32, v28  }
0x197: {  	v18 =	vadd.s32 v18, v29;
	v55 =	vmpcnt.ones.xlane vm12;
	v24 =	vadd.s32 v24, v30  }
0x198: {  	v23 =	vadd.s32 v29, v23;
	v60 =	vmpcnt.ones.xlane vm13;
	v62 =	vadd.s32 $0x90, v6  }
0x199: {  	vm14 =	vge.f32 v31, v8;
	v8 =	vsel vm13, $0x1, v2;
	v28 =	vadd.s32 $0xFFFFFFFF, v28  }
0x19a: {  	[tilespmem:v26+s10+$0x0] =	vst.idx.msk vm5, v14;
	v24 =	vadd.s32 $0xFFFFFFFF, v24;
	v23 =	vadd.s32 $0xFFFFFFFF, v23;
	v17 =	vadd.s32 v17, v18  }
0x19b: {  	v57, _, _ =	vpop (xrf0);
	v18 =	vadd.s32 v18, v27;
	[tilespmem:v25+s10+$0x0] =	vst.idx.msk vm9, v13;
	v13 =	vadd.s32 $0x60, v6;
	v56 =	vsel vm14, $0x1, v2  }
0x19c: {  	v58, _, _ =	vpop (xrf0);
	vm15 =	vlt.s32 v28, $0xFFF;
	v16 =	vadd.s32 v16, v17;
	v18 =	vadd.s32 $0xFFFFFFFF, v18  }
0x19d: {  	v17 =	vadd.s32 v17, v58;
	[tilespmem:v22+s10+$0x0] =	vst.idx.msk vm7, v12;
	v12 =	vadd.s32 $0x70, v6;
	v28 =	vnsel vm15, $0xFFF, v28  }
0x19e: {  	vm15 =	vlt.s32 v24, $0xFFF;
	v21 =	vadd.s32 v21, v16;
	v16 =	vadd.s32 v16, v57  }
0x19f: {  	(xrf0) =	vadd.scan.msk.s32 $0xffff, v10;
	v17 =	vadd.s32 $0xFFFFFFFF, v17;
	v24 =	vnsel vm15, $0xFFF, v24;
	vm15 =	vlt.s32 v23, $0xFFF;
	v59, _, _ =	vpop (xrf0)  }
0x1a0: {  	(xrf0) =	vadd.scan.msk.s32 $0xffff, v8;
	v10 =	vadd.s32 v20, v21;
	v27 =	vadd.s32 v21, v59;
	v23 =	vnsel vm15, $0xFFF, v23;
	v8, _, _ =	vpop (xrf0)  }
0x1a1: {  	vm15 =	vlt.s32 v18, $0xFFF;
	(xrf0) =	vadd.scan.msk.s32 $0xffff, v56;
	v61 =	vadd.s32 $0xFFFFFFFF, v27;
	v8 =	vadd.s32 v10, v8  }
0x1a2: {  	v18 =	vnsel vm15, $0xFFF, v18;
	vm15 =	vlt.s32 v61, $0xFFF;
	v8 =	vadd.s32 $0xFFFFFFFF, v8  }
0x1a3: {  	v16 =	vadd.s32 $0xFFFFFFFF, v16;
	v14 =	vnsel vm15, $0xFFF, v61;
	vm15 =	vlt.s32 v8, $0xFFF  }
0x1a4: {  	vm5 =	vlt.s32 v16, $0xFFF;
	v8 =	vnsel vm15, $0xFFF, v8;
	vm15 =	vlt.s32 v17, $0xFFF  }
0x1a5: {  	[tilespmem:v19+s10+$0x0] =	vst.idx.msk vm8, v11;
	v16 =	vnsel vm5, $0xFFF, v16;
	v10 =	vadd.s32 v15, v10;
	v11, _, _ =	vpop (xrf0);
	v17 =	vnsel vm15, $0xFFF, v17  }
0x1a6: {  	v15, _, _ =	vpop (xrf0);
	v11 =	vadd.s32 v10, v11;
	v10 =	vadd.s32 v55, v10;
	[tilespmem:v24+s10+$0x0] =	vst.idx.msk vm10, v9;
	v9 =	vadd.s32 $0x80, v6  }
0x1a7: {  	v11 =	vadd.s32 $0xFFFFFFFF, v11;
	v15 =	vadd.s32 v10, v15;
	v10 =	vadd.s32 v60, v10;
	[tilespmem:v28+s10+$0x0] =	vst.idx.msk vm0, v13;
	v13, _, _ =	vpop (xrf0)  }
0x1a8: {  	vm5 =	vlt.s32 v11, $0xFFF;
	[tilespmem:v23+s10+$0x0] =	vst.idx.msk vm1, v12;
	v12 =	vadd.s32 $0xFFFFFFFF, v15;
	v13 =	vadd.s32 v10, v13  }
0x1a9: {  	[tilespmem:v18+s10+$0x0] =	vst.idx.msk vm6, v9;
	v9 =	vnsel vm5, $0xFFF, v11;
	vm7 =	vlt.s32 v12, $0xFFF;
	v11 =	vadd.s32 $0xFFFFFFFF, v13  }
0x1aa: {  	v12 =	vnsel vm7, $0xFFF, v12;
	vm8 =	vlt.s32 v11, $0xFFF;
	[tilespmem:v17+s10+$0x0] =	vst.idx.msk vm3, v62  }
0x1ab: {  	v11 =	vnsel vm8, $0xFFF, v11;
	[tilespmem:v16+s10+$0x0] =	vst.idx.msk vm2, v7;
	v7 =	vadd.s32 $0xB0, v6  }
0x1ac: {  	[tilespmem:v14+s10+$0x0] =	vst.idx.msk vm11, v7;
	v7 =	vadd.s32 $0xC0, v6  }
0x1ad: {  	[tilespmem:v8+s10+$0x0] =	vst.idx.msk vm4, v7;
	v7 =	vadd.s32 $0xD0, v6  }
0x1ae: {  	[tilespmem:v9+s10+$0x0] =	vst.idx.msk vm12, v7;
	v7 =	vadd.s32 $0xE0, v6  }
0x1af: {  	v6 =	vadd.s32 $0xF0, v6;
	[tilespmem:v12+s10+$0x0] =	vst.idx.msk vm13, v7  }
0x1b0: {  	[tilespmem:v11+s10+$0x0] =	vst.idx.msk vm14, v6  }
0x1b1: {  	v6 =	vld [tilespmem:$0x18700]  }
0x1b2: {  	v7 =	vld [tilespmem:$0x18710];
	_ =	sdelay $0x1  }
0x1b3: {  	v8 =	vld [tilespmem:$0x18720]  }
0x1b4: {  	v9 =	vld [tilespmem:$0x18730];
	_ =	sdelay $0x3  }
0x1b5: {  	v11 =	vld.idx.msk [tilespmem:v6+s2+$0x0], $0xffff  }
0x1b6: {  	v12 =	vld.idx.msk [tilespmem:v7+s2+$0x0], $0xffff;
	_ =	sdelay $0x1  }
0x1b7: {  	v13 =	vld.idx.msk [tilespmem:v8+s2+$0x0], $0xffff  }
0x1b8: {  	v14 =	vld.idx.msk [tilespmem:v9+s2+$0x0], $0xffff  }
0x1b9: {  	(xrf1) =	vsort.dscd.msk.f32 $0xffff, v11, v6  }
0x1ba: {  	(xrf1) =	vsort.dscd.msk.f32 $0xffff, v12, v7;
	_ =	sdelay $0x1  }
0x1bb: {  	(xrf1) =	vsort.dscd.msk.f32 $0xffff, v13, v8  }
0x1bc: {  	(xrf1) =	vsort.dscd.msk.f32 $0xffff, v14, v9;
	_ =	sdelay $0x9  }
0x1bd: {  	v6, v7, _ =	vpop (xrf1)  }
0x1be: {  	v8, v9, _ =	vpop (xrf1)  }
0x1bf: {  	v8 =	vperm.xlane v8, v3  }
0x1c0: {  	v11, v12, _ =	vpop (xrf1)  }
0x1c1: {  	v9 =	vperm.xlane v9, v3;
	v13, v14, _ =	vpop (xrf1);
	vm9 =	vge.f32 v6, v8  }
0x1c2: {  	v13 =	vperm.xlane v13, v3;
	v15 =	vsel vm9, v6, v8  }
0x1c3: {  	v63 =	vsel vm9, v7, v9;
	v6 =	vsel vm9, v8, v6;
	v8 =	vperm.xlane v14, v3  }
0x1c4: {  	v7 =	vsel vm9, v9, v7;
	(xrf1) =	vsort.dscd.msk.f32 $0xffff, v15, v63;
	vm10 =	vge.f32 v11, v13  }
0x1c5: {  	(xrf1) =	vsort.dscd.msk.f32 $0xffff, v6, v7;
	v6 =	vsel vm10, v11, v13;
	v7 =	vsel vm10, v12, v8  }
0x1c6: {  	(xrf1) =	vsort.dscd.msk.f32 $0xffff, v6, v7;
	v6 =	vmpcnt.ones.xlane vm14  }
0x1c7: {  	v9 =	vsel vm10, v13, v11;
	v8 =	vsel vm10, v8, v12  }
0x1c8: {  	(xrf1) =	vsort.dscd.msk.f32 $0xffff, v9, v8;
	v6 =	vadd.s32 v6, v10  }
0x1c9: {  	vm11 =	vlt.s32 v6, $0x1000  }
0x1ca: {  	v6 =	vnsel vm11, $0x1000, v6  }
0x1cb: {  	v6 =	vxor.u32 $0x80000000, v6  }
0x1cc: {  	(xrf0) =	vmax.scan.msk.u32 $0xffff, v6;
	_ =	sdelay $0x5  }
0x1cd: {  	v14, _, _ =	vpop (xrf0)  }
0x1ce: {  	v6, v7, _ =	vpop (xrf1);
	(v2sf) =	vpush v14, $0xF  }
0x1cf: {  	v8, v9, _ =	vpop (xrf1)  }
0x1d0: {  	v10, v11, _ =	vpop (xrf1)  }
0x1d1: {  	v12, v13, _ =	vpop (xrf1)  }
0x1d2: {  	v10 =	vperm.xlane v10, v3;
	v12 =	vperm.xlane v12, v3  }
0x1d3: {  	v13 =	vperm.xlane v13, v3  }
0x1d4: {  	v11 =	vperm.xlane v11, v3;
	vm13 =	vge.f32 v8, v10;
	vm12 =	vge.f32 v6, v12  }
0x1d5: {  	v14 =	vsel vm12, v6, v12;
	v15 =	vsel vm12, v7, v13;
	v6 =	vsel vm12, v12, v6  }
0x1d6: {  	v7 =	vsel vm12, v13, v7;
	v12 =	vsel vm13, v8, v10;
	v13 =	vsel vm13, v9, v11  }
0x1d7: {  	v8 =	vsel vm13, v10, v8;
	v9 =	vsel vm13, v11, v9;
	vm14 =	vge.f32 v14, v12  }
0x1d8: {  	vm15 =	vge.f32 v6, v8;
	v10 =	vsel vm14, v14, v12;
	v11 =	vsel vm14, v15, v13  }
0x1d9: {  	v12 =	vsel vm14, v12, v14;
	v13 =	vsel vm14, v13, v15;
	(xrf1) =	vsort.dscd.msk.f32 $0xffff, v10, v11  }
0x1da: {  	v10 =	vsel vm15, v6, v8;
	v11 =	vsel vm15, v7, v9;
	(xrf1) =	vsort.dscd.msk.f32 $0xffff, v12, v13  }
0x1db: {  	v6 =	vsel vm15, v8, v6;
	v7 =	vsel vm15, v9, v7;
	(xrf1) =	vsort.dscd.msk.f32 $0xffff, v10, v11  }
0x1dc: {  	(xrf1) =	vsort.dscd.msk.f32 $0xffff, v6, v7  }
0x1dd: {  	s17 =	spop (v2sf)  }
0x1de: {  	s17 =	sadd.s32 $0x8000003F, s17  }
0x1df: {  	s18 =	sand.u32 $0x3F, s17  }
0x1e0: {  	s31 =	sshra.s32 s17, $0x1F;
	p2 =	slt.s32 s17, $0x1;
	p1 =	sne.s32 s18, $0x0  }
0x1e1: {  	s18 =	sshrl.u32 s31, $0x1A;
	p1 =	por !p2, !p1  }
0x1e2: {  	s17 =	sadd.s32 s18, s17;
	s18 =	simm.s32 $0x1;
	p1 =	por !p1, !p1  }
0x1e3: {  	s17 =	sshra.s32 s17, $0x6;
	s18 =	simm.s32 @!p1 $0x0  }
0x1e4: {  	s18 =	ssub.s32 s17, s18  }
0x1e5: {  	p2 =	slt.s32 s18, $0x2  }
.Ltmp7:
0x1e6: {  	_ = 	snop;
	(pc) =	sbr.rel @p2 .LBB2_19-.Ltmp7, $4  }
0x1e7: {  	v12, v8, _ =	vpop (xrf1)  }
0x1e8: {  	v13, v7, _ =	vpop (xrf1)  }
0x1e9: {  	v11, v9, _ =	vpop (xrf1)  }
0x1ea: {  	v10, v6, _ =	vpop (xrf1)  }
0x1eb: {  	s18 =	simm.s32 $0x18770  }
0x1ec: {  	v25 =	vld [tilespmem:s18+$0xFFFFFFF0]  }
0x1ed: {  	s19 =	simm.s32 $0xFFFFFFFF;
	v19 =	vld [tilespmem:s18+$0x0]  }
0x1ee: {  	v20 =	vld [tilespmem:s18+$0xFFFFFFE0];
	s19 =	simm.s32 @!p1 $0x0  }
0x1ef: {  	s17 =	sadd.s32 s19, s17  }
0x1f0: {  	s17 =	sadd.s32 $0xFFFFFFFF, s17  }
0x1f1: {  	p4 =	sne.s32 s17, $0x1  }
.Ltmp8:
0x1f2: {  	_ = 	snop;
	(pc) =	sbr.rel @!p4 .LBB2_10-.Ltmp8, $4  }
0x1f3: {  	v21 =	vld [tilespmem:s18+$0xFFFFFFD0]  }
0x1f4: {  	v18 =	vld.idx.msk [tilespmem:v25+s2+$0x0], $0xffff  }
0x1f5: {  	p2 =	por $0x0, $0x0;
	p3 =	por $0x0, $0x0;
	v28 =	vld.idx.msk [tilespmem:v19+s2+$0x0], $0xffff  }
0x1f6: {  	s18 =	simm.s32 $0x187B0;
	p1 =	por $0x0, $0x0;
	s17 =	sadd.s32 $0xFFFFFFFF, s17;
	v30 =	vld.idx.msk [tilespmem:v20+s2+$0x0], $0xffff  }
0x1f7: {  	_ =	sdelay $0x4  }
0x1f8: {  	v14 =	vld.idx.msk [tilespmem:v21+s2+$0x0], $0xffff  }
0x1f9: {  	(xrf1) =	vsort.dscd.msk.f32 $0xffff, v28, v19  }
0x1fa: {  	(xrf1) =	vsort.dscd.msk.f32 $0xffff, v18, v25  }
0x1fb: {  	(xrf1) =	vsort.dscd.msk.f32 $0xffff, v30, v20;
	_ =	sdelay $0x1  }
0x1fc: {  	(xrf1) =	vsort.dscd.msk.f32 $0xffff, v14, v21;
	_ =	sdelay $0x8  }
0x1fd: {  	v19 =	vld [tilespmem:s18+$0x0]  }
0x1fe: {  	v20 =	vld [tilespmem:s18+$0xFFFFFFE0];
	v14, v15, _ =	vpop (xrf1)  }
0x1ff: {  	v25 =	vld [tilespmem:s18+$0xFFFFFFF0];
	v14 =	vperm.xlane v14, v3;
	v16, v17, _ =	vpop (xrf1)  }
0x200: {  	v15 =	vperm.xlane v15, v3;
	v18, v21, _ =	vpop (xrf1)  }
0x201: {  	vm0 =	vge.f32 v16, v14;
	v23 =	vperm.xlane v18, v3;
	v27 =	vperm.xlane v21, v3  }
0x202: {  	p4 =	sne.s32 s17, $0x1;
	v24, v26, _ =	vpop (xrf1);
	v22 =	vsel vm0, v16, v14;
	v14 =	vsel vm0, v14, v16;
	v16 =	vsel vm0, v15, v17  }
.Ltmp9:
0x203: {  	v15 =	vsel vm0, v17, v15;
	vm15 =	vge.f32 v24, v23;
	(xrf1) =	vsort.dscd.msk.f32 $0xffff, v14, v16;
	(pc) =	sbr.rel @!p4 .LBB2_12-.Ltmp9, $4  }
0x204: {  	v21 =	vld [tilespmem:s18+$0xFFFFFFD0];
	(xrf1) =	vsort.dscd.msk.f32 $0xffff, v22, v15;
	v14 =	vsel vm15, v23, v24;
	v15 =	vsel vm15, v27, v26  }
0x205: {  	v28 =	vld.idx.msk [tilespmem:v19+s2+$0x0], $0xffff;
	v16 =	vsel vm15, v26, v27;
	v17 =	vsel vm15, v24, v23;
	(xrf1) =	vsort.dscd.msk.f32 $0xffff, v14, v15  }
0x206: {  	v30 =	vld.idx.msk [tilespmem:v20+s2+$0x0], $0xffff;
	(xrf1) =	vsort.dscd.msk.f32 $0xffff, v17, v16  }
0x207: {  	s17 =	sadd.s32 $0xFFFFFFFF, s17;
	p1 =	por $0x1, $0x1;
	v18 =	vld.idx.msk [tilespmem:v25+s2+$0x0], $0xffff;
	s18 =	simm.s32 $0x187F0  }
0x208: {  	_ =	sdelay $0x3  }
0x209: {  	(xrf1) =	vsort.dscd.msk.f32 $0xffff, v28, v19  }
0x20a: {  	v14 =	vld.idx.msk [tilespmem:v21+s2+$0x0], $0xffff  }
0x20b: {  	(xrf1) =	vsort.dscd.msk.f32 $0xffff, v18, v25  }
0x20c: {  	(xrf1) =	vsort.dscd.msk.f32 $0xffff, v30, v20;
	_ =	sdelay $0x2  }
0x20d: {  	(xrf1) =	vsort.dscd.msk.f32 $0xffff, v14, v21;
	_ =	sdelay $0x1  }
0x20e: {  	v14, v15, _ =	vpop (xrf1)  }
0x20f: {  	v16, v17, _ =	vpop (xrf1)  }
0x210: {  	v14 =	vperm.xlane v14, v3;
	v15 =	vperm.xlane v15, v3;
	v18, v19, _ =	vpop (xrf1)  }
0x211: {  	v20, v21, _ =	vpop (xrf1)  }
0x212: {  	vm0 =	vge.f32 v20, v14  }
0x213: {  	v16 =	vperm.xlane v16, v3;
	v22 =	vsel vm0, v20, v14;
	v23 =	vsel vm0, v14, v20  }
0x214: {  	v14 =	vperm.xlane v17, v3;
	v17 =	vsel vm0, v21, v15;
	v24 =	vsel vm0, v15, v21;
	v15, v20, _ =	vpop (xrf1)  }
0x215: {  	vm1 =	vge.f32 v18, v16;
	v15 =	vperm.xlane v15, v3  }
0x216: {  	v25 =	vld [tilespmem:s18+$0xFFFFFFF0];
	v26 =	vsel vm1, v18, v16;
	v16 =	vsel vm1, v16, v18;
	v27 =	vsel vm1, v19, v14;
	v18, v21, _ =	vpop (xrf1)  }
0x217: {  	v29 =	vsel vm1, v14, v19;
	v19 =	vld [tilespmem:s18+$0x0];
	v28 =	vperm.xlane v20, v3;
	v30, v31, _ =	vpop (xrf1);
	vm13 =	vge.f32 v18, v15  }
0x218: {  	vm12 =	vge.f32 v22, v26;
	v20 =	vld [tilespmem:s18+$0xFFFFFFE0];
	v30 =	vperm.xlane v30, v3;
	v34 =	vsel vm13, v18, v15  }
0x219: {  	v35 =	vsel vm13, v21, v28;
	v18 =	vsel vm13, v15, v18;
	v21 =	vsel vm13, v28, v21  }
0x21a: {  	vm15 =	vge.f32 v23, v16;
	v32, v33, _ =	vpop (xrf1);
	v31 =	vperm.xlane v31, v3;
	(xrf1) =	vsort.dscd.msk.f32 $0xffff, v18, v21  }
0x21b: {  	p4 =	sne.s32 s17, $0x1;
	v14 =	vsel vm12, v22, v26;
	vm14 =	vge.f32 v32, v30;
	(xrf1) =	vsort.dscd.msk.f32 $0xffff, v34, v35  }
.Ltmp10:
0x21c: {  	v28 =	vsel vm14, v33, v31;
	v21 =	vsel vm14, v30, v32;
	v31 =	vsel vm14, v31, v33;
	(pc) =	sbr.rel @!p4 .LBB2_14-.Ltmp10, $4  }
0x21d: {  	v63 =	vsel vm15, v23, v16;
	v30 =	vsel vm14, v32, v30;
	(xrf1) =	vsort.dscd.msk.f32 $0xffff, v21, v31;
	v21 =	vld [tilespmem:s18+$0xFFFFFFD0]  }
0x21e: {  	v23 =	vsel vm15, v16, v23;
	v18 =	vld.idx.msk [tilespmem:v25+s2+$0x0], $0xffff;
	v31 =	vsel vm15, v24, v29;
	(xrf1) =	vsort.dscd.msk.f32 $0xffff, v30, v28  }
0x21f: {  	v16 =	vsel vm12, v17, v27;
	v24 =	vsel vm15, v29, v24;
	v28 =	vld.idx.msk [tilespmem:v19+s2+$0x0], $0xffff;
	(xrf1) =	vsort.dscd.msk.f32 $0xffff, v63, v31  }
0x220: {  	s17 =	sadd.s32 $0xFFFFFFFF, s17;
	p2 =	por $0x1, $0x1;
	v15 =	vsel vm12, v27, v17;
	v17 =	vsel vm12, v26, v22;
	s18 =	simm.s32 $0x18830;
	v30 =	vld.idx.msk [tilespmem:v20+s2+$0x0], $0xffff;
	(xrf1) =	vsort.dscd.msk.f32 $0xffff, v23, v24  }
0x221: {  	_ =	sdelay $0x3  }
0x222: {  	(xrf1) =	vsort.dscd.msk.f32 $0xffff, v17, v15  }
0x223: {  	(xrf1) =	vsort.dscd.msk.f32 $0xffff, v28, v19;
	v19 =	vld.idx.msk [tilespmem:v21+s2+$0x0], $0xffff;
	_ =	sdelay $0x1  }
0x224: {  	(xrf1) =	vsort.dscd.msk.f32 $0xffff, v18, v25  }
0x225: {  	(xrf1) =	vsort.dscd.msk.f32 $0xffff, v30, v20;
	_ =	sdelay $0x1  }
0x226: {  	(xrf1) =	vsort.dscd.msk.f32 $0xffff, v19, v21;
	v18, v19, _ =	vpop (xrf1)  }
0x227: {  	v20, v21, _ =	vpop (xrf1)  }
0x228: {  	v18 =	vperm.xlane v18, v3;
	v19 =	vperm.xlane v19, v3;
	v22, v23, _ =	vpop (xrf1)  }
0x229: {  	v24, v25, _ =	vpop (xrf1)  }
0x22a: {  	v20 =	vperm.xlane v20, v3;
	(xrf1) =	vsort.dscd.msk.f32 $0xffff, v14, v16;
	vm0 =	vge.f32 v24, v18  }
0x22b: {  	v26, v27, _ =	vpop (xrf1);
	v28 =	vsel vm0, v24, v18  }
0x22c: {  	v30 =	vsel vm0, v18, v24;
	v18 =	vsel vm0, v25, v19;
	v32 =	vsel vm0, v19, v25;
	v19, v31, _ =	vpop (xrf1)  }
0x22d: {  	v21 =	vperm.xlane v21, v3;
	vm0 =	vge.f32 v22, v20  }
0x22e: {  	v29 =	vperm.xlane v26, v3;
	v34 =	vperm.xlane v19, v3;
	v33 =	vsel vm0, v22, v20;
	v35, v19, _ =	vpop (xrf1)  }
0x22f: {  	v36 =	vsel vm0, v20, v22;
	v37 =	vsel vm0, v23, v21;
	v38 =	vperm.xlane v19, v3;
	v19, v20, _ =	vpop (xrf1)  }
0x230: {  	v39 =	vsel vm0, v21, v23;
	vm0 =	vge.f32 v28, v33;
	v21 =	vperm.xlane v19, v3  }
0x231: {  	v22 =	vsel vm0, v28, v33;
	v24 =	vsel vm0, v37, v18;
	v23 =	vsel vm0, v18, v37;
	v41, v42, _ =	vpop (xrf1)  }
0x232: {  	v26 =	vsel vm0, v33, v28;
	v40 =	vperm.xlane v20, v3;
	v18, v20, _ =	vpop (xrf1);
	vm1 =	vge.f32 v41, v21  }
0x233: {  	v18 =	vperm.xlane v18, v3;
	v57 =	vperm.xlane v20, v3;
	v28 =	vsel vm1, v41, v21  }
0x234: {  	v56 =	vsel vm1, v42, v40;
	v21 =	vsel vm1, v21, v41;
	v40 =	vsel vm1, v40, v42;
	v43, v44, _ =	vpop (xrf1)  }
0x235: {  	v25 =	vld [tilespmem:s18+$0xFFFFFFF0];
	(xrf1) =	vsort.dscd.msk.f32 $0xffff, v21, v40;
	vm3 =	vge.f32 v43, v18  }
0x236: {  	v19 =	vld [tilespmem:s18+$0x0];
	(xrf1) =	vsort.dscd.msk.f32 $0xffff, v28, v56;
	v28 =	vsel vm3, v18, v43;
	v58 =	vsel vm3, v57, v44  }
0x237: {  	v20 =	vld [tilespmem:s18+$0xFFFFFFE0];
	v21 =	vsel vm3, v44, v57;
	v62 =	vsel vm3, v43, v18;
	(xrf1) =	vsort.dscd.msk.f32 $0xffff, v28, v58  }
0x238: {  	v60, v59, _ =	vpop (xrf1);
	(xrf1) =	vsort.dscd.msk.f32 $0xffff, v62, v21;
	v21 =	vld [tilespmem:s18+$0xFFFFFFD0]  }
0x239: {  	v27 =	vperm.xlane v27, v3;
	vm2 =	vge.f32 v30, v36  }
0x23a: {  	p4 =	sne.s32 s17, $0x1;
	v31 =	vperm.xlane v31, v3;
	v45 =	vsel vm2, v32, v39;
	v35 =	vperm.xlane v35, v3  }
.Ltmp11:
0x23b: {  	vm0 =	vge.f32 v13, v29;
	v61 =	vsel vm2, v30, v36;
	v32 =	vsel vm2, v39, v32;
	(pc) =	sbr.rel @!p4 .LBB2_16-.Ltmp11, $4  }
0x23c: {  	v63 =	vsel vm2, v36, v30;
	v39 =	vmovc v10;
	vm2 =	vge.f32 v11, v35;
	vm1 =	vge.f32 v12, v34  }
0x23d: {  	v38 =	vsel vm2, v9, v38;
	v36 =	vsel vm1, v12, v34;
	v18 =	vld.idx.msk [tilespmem:v25+s2+$0x0], $0xffff;
	(xrf1) =	vsort.dscd.msk.f32 $0xffff, v61, v45  }
0x23e: {  	v41 =	vmovc v6;
	v40 =	vsel vm2, v11, v35;
	v34 =	vmov v8;
	v33 =	vperm.xlane v59, v3;
	v28 =	vld.idx.msk [tilespmem:v19+s2+$0x0], $0xffff  }
0x23f: {  	s17 =	sadd.s32 $0xFFFFFFFF, s17;
	p3 =	por $0x1, $0x1;
	v35 =	vmovc v13;
	v37 =	vperm.xlane v60, v3;
	s18 =	simm.s32 $0x18870;
	v30 =	vld.idx.msk [tilespmem:v20+s2+$0x0], $0xffff;
	(xrf1) =	vsort.dscd.msk.f32 $0xffff, v63, v32;
	v32 =	vmov v7  }
.LBB2_17:
0x240: {  	p4 =	sne.s32 s17, $0x1;
	s17 =	sadd.s32 $0xFFFFFFFF, s17;
	v42 =	vld.idx.msk [tilespmem:v21+s2+$0x0], $0xffff;
	(xrf1) =	vsort.dscd.msk.f32 $0xffff, v26, v24;
	v24 =	vsel vm0, v32, v27;
	vm2 =	vge.f32 v36, v40  }
0x241: {  	v27 =	vsel vm1, v34, v31;
	v26 =	vld [tilespmem:s18+$0xFFFFFFF0];
	v31 =	vsel vm2, v40, v36  }
0x242: {  	vm1 =	vge.f32 v39, v37;
	v32 =	vsel vm2, v36, v40;
	v34 =	vsel vm2, v27, v38  }
0x243: {  	(xrf1) =	vsort.dscd.msk.f32 $0xffff, v28, v19;
	v19 =	vsel vm0, v35, v29;
	v28 =	vsel vm1, v39, v37  }
0x244: {  	v29 =	vsel vm1, v41, v33;
	(xrf1) =	vsort.dscd.msk.f32 $0xffff, v18, v25;
	vm0 =	vge.f32 v19, v28  }
0x245: {  	(xrf1) =	vsort.dscd.msk.f32 $0xffff, v30, v20;
	v18 =	vsel vm0, v19, v28;
	v20 =	vsel vm0, v24, v29  }
0x246: {  	v27 =	vsel vm2, v38, v27;
	(xrf1) =	vsort.dscd.msk.f32 $0xffff, v42, v21;
	v21, v30, _ =	vpop (xrf1);
	vm1 =	vge.f32 v32, v18;
	v25 =	vmov v26  }
0x247: {  	v33, v35, _ =	vpop (xrf1);
	v36 =	vsel vm1, v32, v18;
	v18 =	vsel vm1, v18, v32;
	v37 =	vsel vm1, v20, v34  }
0x248: {  	v34 =	vsel vm1, v34, v20;
	v33 =	vperm.xlane v33, v3;
	(xrf1) =	vsort.dscd.msk.f32 $0xffff, v18, v37  }
0x249: {  	v19 =	vsel vm0, v28, v19;
	v21 =	vperm.xlane v21, v3;
	v18 =	vld.idx.msk [tilespmem:v26+s2+$0x0], $0xffff;
	v26, v32, _ =	vpop (xrf1);
	(xrf1) =	vsort.dscd.msk.f32 $0xffff, v36, v34  }
0x24a: {  	v20, v28, _ =	vpop (xrf1);
	(xrf1) =	vsort.dscd.msk.f32 $0xffff, v22, v23;
	v22 =	vsel vm0, v29, v24;
	vm0 =	vge.f32 v31, v19  }
0x24b: {  	v41 =	vperm.xlane v30, v3;
	vm1 =	vge.f32 v20, v21;
	v29, v30, _ =	vpop (xrf1);
	v24 =	vsel vm0, v22, v27  }
0x24c: {  	v34 =	vsel vm1, v20, v21;
	v36 =	vsel vm1, v21, v20;
	v20 =	vsel vm0, v19, v31  }
0x24d: {  	v22 =	vsel vm0, v27, v22;
	v21 =	vsel vm1, v28, v41;
	v37 =	vsel vm1, v41, v28;
	v40, v28, _ =	vpop (xrf1)  }
0x24e: {  	v19 =	vsel vm0, v31, v19;
	v38 =	vperm.xlane v40, v3;
	v39, v23, _ =	vpop (xrf1);
	(xrf1) =	vsort.dscd.msk.f32 $0xffff, v20, v24  }
0x24f: {  	vm0 =	vge.f32 v26, v33;
	v20 =	vperm.xlane v35, v3;
	(xrf1) =	vsort.dscd.msk.f32 $0xffff, v19, v22  }
0x250: {  	v31 =	vsel vm0, v26, v33;
	v40 =	vsel vm0, v33, v26;
	v42 =	vperm.xlane v23, v3  }
0x251: {  	v29 =	vperm.xlane v29, v3;
	v27 =	vperm.xlane v30, v3;
	v23 =	vsel vm0, v32, v20;
	v19, v22, _ =	vpop (xrf1)  }
0x252: {  	v41 =	vsel vm0, v20, v32;
	vm0 =	vge.f32 v34, v31;
	v33 =	vperm.xlane v19, v3  }
0x253: {  	v24 =	vsel vm0, v23, v21;
	v43 =	vperm.xlane v22, v3;
	v44, v45, _ =	vpop (xrf1);
	v22 =	vsel vm0, v34, v31  }
0x254: {  	v23 =	vsel vm0, v21, v23;
	v26 =	vsel vm0, v31, v34;
	v19 =	vld [tilespmem:s18+$0x0];
	v32, v35, _ =	vpop (xrf1);
	vm1 =	vge.f32 v44, v33  }
0x255: {  	v30, v46, _ =	vpop (xrf1);
	v47 =	vsel vm1, v44, v33;
	v31 =	vsel vm1, v33, v44;
	v33 =	vsel vm1, v43, v45  }
0x256: {  	vm2 =	vge.f32 v36, v40;
	v48 =	vsel vm1, v45, v43  }
0x257: {  	v51 =	vsel vm2, v37, v41;
	v49 =	vperm.xlane v32, v3;
	v50 =	vperm.xlane v35, v3;
	v20 =	vld [tilespmem:s18+$0xFFFFFFE0];
	v35, v32, _ =	vpop (xrf1)  }
0x258: {  	vm0 =	vge.f32 v35, v29;
	v43, v34, _ =	vpop (xrf1)  }
0x259: {  	vm3 =	vge.f32 v30, v49;
	v21 =	vld [tilespmem:s18+$0xFFFFFFD0];
	(xrf1) =	vsort.dscd.msk.f32 $0xffff, v31, v33;
	v31 =	vperm.xlane v28, v3;
	v44, v33, _ =	vpop (xrf1)  }
0x25a: {  	v45 =	vsel vm3, v46, v50;
	vm1 =	vge.f32 v43, v38;
	(xrf1) =	vsort.dscd.msk.f32 $0xffff, v47, v48  }
0x25b: {  	v46 =	vsel vm3, v50, v46;
	v47 =	vsel vm3, v49, v30;
	v48 =	vsel vm2, v36, v40  }
.Ltmp12:
0x25c: {  	v30 =	vsel vm3, v30, v49;
	v33 =	vperm.xlane v33, v3;
	v28 =	vld.idx.msk [tilespmem:v19+s2+$0x0], $0xffff;
	(xrf1) =	vsort.dscd.msk.f32 $0xffff, v47, v46;
	(pc) =	sbr.rel @p4 .LBB2_17-.Ltmp12, $4  }
0x25d: {  	v46 =	vperm.xlane v39, v3;
	(xrf1) =	vsort.dscd.msk.f32 $0xffff, v30, v45;
	v45 =	vsel vm2, v41, v37;
	v39, v41, _ =	vpop (xrf1)  }
0x25e: {  	v37 =	vperm.xlane v44, v3;
	(xrf1) =	vsort.dscd.msk.f32 $0xffff, v48, v51;
	v47, v44, _ =	vpop (xrf1)  }
0x25f: {  	v40 =	vsel vm2, v40, v36;
	v36 =	vsel vm1, v43, v38;
	v30 =	vld.idx.msk [tilespmem:v20+s2+$0x0], $0xffff;
	vm2 =	vge.f32 v47, v46  }
0x260: {  	s18 =	sadd.s32 $0x40, s18;
	(xrf1) =	vsort.dscd.msk.f32 $0xffff, v40, v45;
	v40 =	vsel vm2, v47, v46;
	v38 =	vsel vm2, v44, v42  }
.Ltmp13:
0x261: {  	_ = 	snop;
	(pc) =	sbr.rel .LBB2_18-.Ltmp13, $1  }
0x262: {  	_ =	sdelay $0x3  }
.LBB2_12:
.Ltmp14:
0x263: {  	(pc) =	sbr.rel .LBB2_18-.Ltmp14, $2  }
0x264: {  	_ =	sdelay $0x2  }
0x265: {  	v32 =	vmovc v7;
	v34 =	vmovc v8;
	v39 =	vmov v10;
	v35 =	vmov v13;
	v41 =	vmov v6  }
.LBB2_14:
.Ltmp15:
0x266: {  	(pc) =	sbr.rel .LBB2_18-.Ltmp15, $3  }
0x267: {  	_ =	sdelay $0x1  }
0x268: {  	v26 =	vmovc v17;
	v24 =	vmov v15;
	v32 =	vmov v7;
	v34 =	vmov v8  }
0x269: {  	v39 =	vmovc v10;
	v35 =	vmovc v13;
	v41 =	vmov v6;
	v22 =	vmov v14;
	v23 =	vmov v16  }
.LBB2_16:
.Ltmp16:
0x26a: {  	(pc) =	sbr.rel .LBB2_18-.Ltmp16, $2  }
0x26b: {  	_ =	sdelay $0x2  }
0x26c: {  	v32 =	vmovc v7;
	v34 =	vmovc v8;
	v39 =	vmov v10;
	v35 =	vmov v13;
	v41 =	vmov v6  }
.LBB2_21:
0x26d: {  	_ =	sfence.sel $0x180000  }
0x26e: {  	[bflag:$0x0] =	sbarrier.arrive $0xFFFF  }
0x26f: {  	p0 =	sne.s32 s4, $0x0;
	_ =	strace $0x90000047  }
0x270: {  	s0 =	sadd.s32 @!p0 $0x100000, s0;
	[bflag:$0x2] =	sbarrier.arrive $0xFFFF  }
0x271: {  	[sflag:s0] =	ssyncadd.tile.s32 @!p0 $0x1;
	_ =	shalt  }
.Lfunc_end2:
_tile_overlayer_lowered:
.L_overlay_start_2:
0x272: {  	(tag) =	ssettag $0x2  }
0x273: {  	s0 =	rddreg [dreg:$0x0];
	s2 =	stileid.u32  }
0x274: {  	s1 =	rddreg [dreg:$0x1];
	p0 =	sne.s32 s2, $0x0  }
0x275: {  	s3 =	rddreg [dreg:$0x2];
	[bflag:$0x3] =	sbarrier.arrive $0xFFFF;
	s2 =	simm.s32 @!p0 $0x1C01  }
0x276: {  	[timem:s3], [sflag:s2] =	dma.local @!p0 [hbm:s0], s1  }
0x277: {  	s0 =	simm.s32 @!p0 $0x1  }
0x278: {  	_ =	swait.ge @!p0 [sflag:s0], s1  }
0x279: {  	s1 =	ssub.s32 @!p0 $0x0, s1;
	[sflag:s0] =	ssyncset.done @!p0 $0x0  }
0x27a: {  	[sflag:s0] =	ssyncadd.s32 @!p0 s1  }
0x27b: {  	[bflag:$0x3] =	sbarrier.arrive $0xFFFF  }
0x27c: {  	_ =	shalt  }

</sc_bundles>
